<compile_context>
chip_gen: v7x
topology: tpu7x:2x2x1
jax: 0.10.2.dev20260603
libtpu: 0.0.44.dev20260713+nightly
codegen_flags: <defaults>
</compile_context>

<pallas_src>
import jax
import jax.numpy as jnp
from jax import lax
from jax.experimental import pallas as pl
from jax.experimental.pallas import tpu as pltpu
from jax.experimental.pallas import tpu_sc as plsc

N = 10000
D = 128
H = 128
E = 320000
L = 100000

NC = 2
NS = 16
NW = NC * NS

K = 128
EP = 327680
CW = EP // K // NW
SB = 16
NTRASH = 16
NP = 10112
RZ = NP // NS

LP = 100352
PW = LP // NW

_mesh = plsc.VectorSubcoreMesh(core_axis_name="c", subcore_axis_name="s")


def _make_agg_body(with_deg):
    def body(*refs):
        if with_deg:
            (x_hbm, src_hbm, dst_hbm, z_hbm, z1_hbm, ones_hbm,
             agg_out, deg_out,
             s0, d0, s1, d1, s2, d2, s3, d3, rowsA, rowsB, ones_v, dbuf_v,
             ss0, sd0, ss1, sd1, ss2, sd2, ss3, sd3, gsA, gsB,
             agg_sh, deg_sh) = refs
        else:
            (x_hbm, src_hbm, dst_hbm, z_hbm,
             agg_out,
             s0, d0, s1, d1, s2, d2, s3, d3, rowsA, rowsB,
             ss0, sd0, ss1, sd1, ss2, sd2, ss3, sd3, gsA, gsB,
             agg_sh) = refs
        sp = [s0, s1, s2, s3]
        dp = [d0, d1, d2, d3]
        ssem = [ss0, ss1, ss2, ss3]
        dsem = [sd0, sd1, sd2, sd3]
        c = lax.axis_index("c")
        s = lax.axis_index("s")
        wid = s * NC + c
        base = wid * CW
        pltpu.sync_copy(z_hbm, agg_sh.at[pl.ds(s * RZ, RZ)])
        if with_deg:
            pltpu.sync_copy(z1_hbm, dbuf_v)
            pltpu.sync_copy(dbuf_v, deg_sh.at[pl.ds(s * RZ, RZ)])
            pltpu.sync_copy(ones_hbm, ones_v)
        plsc.subcore_barrier()

        def idxstart(j, p):
            pltpu.async_copy(src_hbm.at[pl.ds((base + j) * K, K)], sp[p], ssem[p])
            pltpu.async_copy(dst_hbm.at[pl.ds((base + j) * K, K)], dp[p], dsem[p])

        def wait_src(p):
            pltpu.make_async_copy(src_hbm.at[pl.ds(0, K)], sp[p], ssem[p]).wait()

        def wait_dst(p):
            pltpu.make_async_copy(dst_hbm.at[pl.ds(0, K)], dp[p], dsem[p]).wait()

        def gather_start(rows, p, gs):
            pltpu.async_copy(x_hbm.at[sp[p]], rows, gs)

        def gather_wait(rows, p, gs):
            pltpu.make_async_copy(x_hbm.at[sp[p]], rows, gs).wait()

        def scatter(rows, p):
            pltpu.sync_copy(rows, agg_sh.at[dp[p]], add=True)
            if with_deg:
                pltpu.sync_copy(ones_v, deg_sh.at[dp[p]], add=True)

        for p in range(4):
            idxstart(p, p)
        wait_src(0)
        gather_start(rowsA, 0, gsA)

        def body_loop(t, carry):
            j = 4 * t
            wait_src(1)
            gather_start(rowsB, 1, gsB)
            gather_wait(rowsA, 0, gsA)
            wait_dst(0)
            scatter(rowsA, 0)

            @pl.when(j + 4 < CW)
            def _():
                idxstart(j + 4, 0)

            wait_src(2)
            gather_start(rowsA, 2, gsA)
            gather_wait(rowsB, 1, gsB)
            wait_dst(1)
            scatter(rowsB, 1)

            @pl.when(j + 5 < CW)
            def _():
                idxstart(j + 5, 1)

            wait_src(3)
            gather_start(rowsB, 3, gsB)
            gather_wait(rowsA, 2, gsA)
            wait_dst(2)
            scatter(rowsA, 2)

            @pl.when(j + 6 < CW)
            def _():
                idxstart(j + 6, 2)

            @pl.when(j + 4 < CW)
            def _():
                wait_src(0)
                gather_start(rowsA, 0, gsA)

            gather_wait(rowsB, 3, gsB)
            wait_dst(3)
            scatter(rowsB, 3)

            @pl.when(j + 7 < CW)
            def _():
                idxstart(j + 7, 3)

            return carry

        lax.fori_loop(0, CW // 4, body_loop, 0)
        plsc.subcore_barrier()
        pltpu.sync_copy(agg_sh.at[pl.ds(s * RZ, RZ)],
                        agg_out.at[c, pl.ds(s * RZ, RZ)])
        if with_deg:
            pltpu.sync_copy(deg_sh.at[pl.ds(s * RZ, RZ)], dbuf_v)
            pltpu.sync_copy(dbuf_v, deg_out.at[pl.ds(c * NP + s * RZ, RZ)])

    return body


_IDX_SCRATCH = [pltpu.VMEM((K,), jnp.int32) for _ in range(8)]
_AGG_DEG = pl.kernel(
    _make_agg_body(True),
    out_type=[
        jax.ShapeDtypeStruct((NC, NP, D), jnp.float32),
        jax.ShapeDtypeStruct((NC * NP,), jnp.float32),
    ],
    mesh=_mesh,
    scratch_types=(
        list(_IDX_SCRATCH)
        + [
            pltpu.VMEM((K, D), jnp.float32),
            pltpu.VMEM((K, D), jnp.float32),
            pltpu.VMEM((K,), jnp.float32),
            pltpu.VMEM((RZ,), jnp.float32),
        ]
        + [pltpu.SemaphoreType.DMA] * 10
        + [
            pltpu.VMEM_SHARED((NP, D), jnp.float32),
            pltpu.VMEM_SHARED((NP,), jnp.float32),
        ]
    ),
)

_AGG = pl.kernel(
    _make_agg_body(False),
    out_type=[jax.ShapeDtypeStruct((NC, NP, D), jnp.float32)],
    mesh=_mesh,
    scratch_types=(
        list(_IDX_SCRATCH)
        + [
            pltpu.VMEM((K, D), jnp.float32),
            pltpu.VMEM((K, D), jnp.float32),
        ]
        + [pltpu.SemaphoreType.DMA] * 10
        + [pltpu.VMEM_SHARED((NP, D), jnp.float32)]
    ),
)


def _final_body(u_hbm, v_hbm, s_hbm, d_hbm, b_hbm,
                out_hbm,
                u_v, v_v, s_v, d_v, o_v, b_v):
    c = lax.axis_index("c")
    s = lax.axis_index("s")
    wid = s * NC + c
    pltpu.sync_copy(u_hbm, u_v)
    pltpu.sync_copy(v_hbm, v_v)
    pltpu.sync_copy(s_hbm.at[pl.ds(wid * PW, PW)], s_v)
    pltpu.sync_copy(d_hbm.at[pl.ds(wid * PW, PW)], d_v)
    pltpu.sync_copy(b_hbm, b_v)
    bb = b_v[...]

    def step(t, carry):
        si = s_v[pl.ds(t * 16, 16)]
        di = d_v[pl.ds(t * 16, 16)]
        us = plsc.load_gather(u_v, [si])
        vd = plsc.load_gather(v_v, [di])
        o_v[pl.ds(t * 16, 16)] = us + vd + bb
        return carry

    lax.fori_loop(0, PW // 16, step, 0)
    pltpu.sync_copy(o_v, out_hbm.at[pl.ds(wid * PW, PW)])


_FINAL = pl.kernel(
    _final_body,
    out_type=[jax.ShapeDtypeStruct((LP,), jnp.float32)],
    mesh=_mesh,
    compiler_params=pltpu.CompilerParams(needs_layout_passes=False),
    scratch_types=[
        pltpu.VMEM((N,), jnp.float32),
        pltpu.VMEM((N,), jnp.float32),
        pltpu.VMEM((PW,), jnp.int32),
        pltpu.VMEM((PW,), jnp.int32),
        pltpu.VMEM((PW,), jnp.float32),
        pltpu.VMEM((16,), jnp.float32),
    ],
)


BR = 2000
G = N // BR


def _make_layer_body(with_uv):
    def body(*refs):
        if with_uv:
            (agg0, agg1, dp0, dp1, x, wl, wr, b, gamma, beta, ws, wd,
             out, u, v, y_s, ps_s, pq_s) = refs
        else:
            (agg0, agg1, dp0, dp1, x, wl, wr, b, gamma, beta,
             out, y_s, ps_s, pq_s) = refs
        i = pl.program_id(0)

        @pl.when(i < G)
        def _():
            deg = jnp.maximum(dp0[...] + dp1[...], 1.0)
            mean = (agg0[0] + agg1[0]) / deg
            yy = lax.dot_general(mean, wl[...], (((1,), (1,)), ((), ())),
                                 preferred_element_type=jnp.float32)
            yy = yy + lax.dot_general(x[...], wr[...], (((1,), (1,)), ((), ())),
                                      preferred_element_type=jnp.float32)
            yy = yy + b[...]
            n2 = jnp.sum(yy * yy, axis=1, keepdims=True)
            yy = yy * lax.rsqrt(jnp.maximum(n2, 1e-24))
            y_s[pl.ds(i, 1)] = yy.reshape(1, BR, H)
            s1 = jnp.sum(yy, axis=0, keepdims=True)
            s2 = jnp.sum(yy * yy, axis=0, keepdims=True)
            ps_s[...] = jnp.where(i == 0, s1, ps_s[...] + s1)
            pq_s[...] = jnp.where(i == 0, s2, pq_s[...] + s2)

        @pl.when(i >= G)
        def _():
            k = i - G
            yy = y_s[pl.ds(k, 1)].reshape(BR, H)
            mu = ps_s[...] * (1.0 / N)
            var = pq_s[...] * (1.0 / N) - mu * mu
            o = (yy - mu) * lax.rsqrt(var + 1e-5) * gamma[...] + beta[...]
            o = jnp.maximum(o, 0.0)
            out[...] = o
            if with_uv:
                u[...] = jnp.sum(o * ws[...], axis=1, keepdims=True)
                v[...] = jnp.sum(o * wd[...], axis=1, keepdims=True)

    return body


def _ph1(i):
    return jnp.where(i < G, i, 0)


def _ph2(i):
    return jnp.where(i >= G, i - G, 0)


_LAYER_IN_SPECS = [
    pl.BlockSpec((1, BR, D), lambda i: (0, _ph1(i), 0)),
    pl.BlockSpec((1, BR, D), lambda i: (1, _ph1(i), 0)),
    pl.BlockSpec((BR, 1), lambda i: (_ph1(i), 0)),
    pl.BlockSpec((BR, 1), lambda i: (_ph1(i), 0)),
    pl.BlockSpec((BR, D), lambda i: (_ph1(i), 0)),
    pl.BlockSpec((H, D), lambda i: (0, 0)),
    pl.BlockSpec((H, D), lambda i: (0, 0)),
    pl.BlockSpec((1, H), lambda i: (0, 0)),
    pl.BlockSpec((1, H), lambda i: (0, 0)),
    pl.BlockSpec((1, H), lambda i: (0, 0)),
]

_LAYER_SCRATCH = [
    pltpu.VMEM((G, BR, H), jnp.float32),
    pltpu.VMEM((1, H), jnp.float32),
    pltpu.VMEM((1, H), jnp.float32),
]

_LAYER1 = pl.pallas_call(
    _make_layer_body(False),
    grid=(2 * G,),
    in_specs=list(_LAYER_IN_SPECS),
    out_specs=pl.BlockSpec((BR, H), lambda i: (_ph2(i), 0)),
    out_shape=jax.ShapeDtypeStruct((N, H), jnp.float32),
    scratch_shapes=list(_LAYER_SCRATCH),
)

_LAYER2 = pl.pallas_call(
    _make_layer_body(True),
    grid=(2 * G,),
    in_specs=list(_LAYER_IN_SPECS) + [
        pl.BlockSpec((1, H), lambda i: (0, 0)),
        pl.BlockSpec((1, H), lambda i: (0, 0)),
    ],
    out_specs=[
        pl.BlockSpec((BR, H), lambda i: (_ph2(i), 0)),
        pl.BlockSpec((BR, 1), lambda i: (_ph2(i), 0)),
        pl.BlockSpec((BR, 1), lambda i: (_ph2(i), 0)),
    ],
    out_shape=[
        jax.ShapeDtypeStruct((N, H), jnp.float32),
        jax.ShapeDtypeStruct((N, 1), jnp.float32),
        jax.ShapeDtypeStruct((N, 1), jnp.float32),
    ],
    scratch_shapes=list(_LAYER_SCRATCH),
)


@jax.jit
def _forward(edge_index, edge_label_index, embedding, W_l1, W_r1, b1,
             gamma1, beta1, W_l2, W_r2, b2, gamma2, beta2, W_lin, b_lin):
    src = edge_index[0]
    dst = edge_index[1]
    ar = jnp.arange(EP - E, dtype=jnp.int32)
    src1 = jnp.concatenate([src, ar % N])
    dst1 = jnp.concatenate([dst, N + (ar % NTRASH)])
    zeros = jnp.zeros((RZ, D), jnp.float32)
    zeros1 = jnp.zeros((RZ,), jnp.float32)
    ones1 = jnp.ones((K,), jnp.float32)

    aggp1, degp = _AGG_DEG(embedding, src1, dst1, zeros, zeros1, ones1)
    dp0 = degp[:N].reshape(N, 1)
    dp1 = degp[NP:NP + N].reshape(N, 1)
    x1 = _LAYER1(aggp1, aggp1, dp0, dp1, embedding, W_l1, W_r1,
                 b1.reshape(1, H), gamma1.reshape(1, H), beta1.reshape(1, H))

    aggp2 = _AGG(x1, src1, dst1, zeros)
    if isinstance(aggp2, (list, tuple)):
        aggp2 = aggp2[0]
    x2, u, v = _LAYER2(aggp2, aggp2, dp0, dp1, x1, W_l2, W_r2,
                       b2.reshape(1, H), gamma2.reshape(1, H),
                       beta2.reshape(1, H), W_lin[:, :H], W_lin[:, H:])
    del x2

    sl = edge_label_index[0]
    dl = edge_label_index[1]
    zpad = jnp.zeros((LP - L,), jnp.int32)
    sp = jnp.concatenate([sl, zpad])
    dp = jnp.concatenate([dl, zpad])
    b16 = jnp.broadcast_to(b_lin.astype(jnp.float32), (16,))
    outp = _FINAL(u.reshape(-1), v.reshape(-1), sp, dp, b16)
    if isinstance(outp, (list, tuple)):
        outp = outp[0]
    return outp[:L]


def kernel(edge_index, edge_label_index, embedding, W_l1, W_r1, b1, gamma1,
           beta1, W_l2, W_r2, b2, gamma2, beta2, W_lin, b_lin):
    return _forward(edge_index, edge_label_index, embedding, W_l1, W_r1, b1,
                    gamma1, beta1, W_l2, W_r2, b2, gamma2, beta2, W_lin, b_lin)

# --- scband reference (transcript-rebuilt; emitter-appended) ---
"""Pipeline reference for scband-graph-sage-901943132494 (READ-ONLY COPY).

The authoritative reference and input builder live on the scoring server;
editing this copy changes nothing except your own understanding.
"""

import jax, jax.numpy as jnp
import numpy as np

N = 10000
E = 320000
L = 100000
D = 128
H = 128


def _sage_conv(x, src, dst, W_l, W_r, b, num_nodes):
    # PyG SAGEConv with mean aggregation: out = lin_l(mean_j x_j) + lin_r(x_i)
    msg = x[src]
    agg = jax.ops.segment_sum(msg, dst, num_segments=num_nodes)
    deg = jax.ops.segment_sum(jnp.ones((src.shape[0],), dtype=x.dtype), dst, num_segments=num_nodes)
    mean = agg / jnp.clip(deg, 1.0)[:, None]
    out = mean @ W_l.T + x @ W_r.T + b
    # normalize=True -> L2 normalize output rows
    norm = jnp.linalg.norm(out, axis=-1, keepdims=True)
    return out / jnp.clip(norm, 1e-12)


def _bn(x, gamma, beta, eps=1e-5):
    # BatchNorm1d forward with batch statistics (training-mode forward)
    mu = jnp.mean(x, axis=0, keepdims=True)
    var = jnp.var(x, axis=0, keepdims=True)
    return (x - mu) / jnp.sqrt(var + eps) * gamma + beta


def setup_inputs(seed: int = 0):
    key = jax.random.key(seed)
    ks = jax.random.split(key, 16)
    s = 1.0 / np.sqrt(D)
    inp = {}
    inp["edge_index"] = jax.random.randint(ks[0], (2, E), 0, N, dtype=jnp.int32)
    inp["edge_label_index"] = jax.random.randint(ks[1], (2, L), 0, N, dtype=jnp.int32)
    inp["embedding"] = jax.random.normal(ks[2], (N, D), dtype=jnp.float32)
    inp["W_l1"] = jax.random.uniform(ks[3], (H, D), minval=-s, maxval=s, dtype=jnp.float32)
    inp["W_r1"] = jax.random.uniform(ks[4], (H, D), minval=-s, maxval=s, dtype=jnp.float32)
    inp["b1"] = jnp.zeros((H,), dtype=jnp.float32)
    inp["gamma1"] = jnp.ones((H,), dtype=jnp.float32)
    inp["beta1"] = jnp.zeros((H,), dtype=jnp.float32)
    sh = 1.0 / np.sqrt(H)
    inp["W_l2"] = jax.random.uniform(ks[5], (H, H), minval=-sh, maxval=sh, dtype=jnp.float32)
    inp["W_r2"] = jax.random.uniform(ks[6], (H, H), minval=-sh, maxval=sh, dtype=jnp.float32)
    inp["b2"] = jnp.zeros((H,), dtype=jnp.float32)
    inp["gamma2"] = jnp.ones((H,), dtype=jnp.float32)
    inp["beta2"] = jnp.zeros((H,), dtype=jnp.float32)
    sl = 1.0 / np.sqrt(2 * H)
    inp["W_lin"] = jax.random.uniform(ks[7], (1, 2 * H), minval=-sl, maxval=sl, dtype=jnp.float32)
    inp["b_lin"] = jnp.zeros((1,), dtype=jnp.float32)
    return inp


def reference(edge_index, edge_label_index, embedding, W_l1, W_r1, b1, gamma1, beta1, W_l2, W_r2, b2, gamma2, beta2, W_lin, b_lin):
    src, dst = edge_index[0], edge_index[1]
    x = _sage_conv(embedding, src, dst, W_l1, W_r1, b1, N)
    x = jax.nn.relu(_bn(x, gamma1, beta1))
    # dropout p=0.0 -> identity
    x = _sage_conv(x, src, dst, W_l2, W_r2, b2, N)
    x = jax.nn.relu(_bn(x, gamma2, beta2))
    s_idx, d_idx = edge_label_index[0], edge_label_index[1]
    emb = jnp.concatenate([x[s_idx], x[d_idx]], axis=1)
    return (emb @ W_lin.T + b_lin).reshape(-1)

if __name__ == "__main__":
    import jax
    _d = setup_inputs()
    print(jax.jit(kernel)(*tuple(_d.values())))

</pallas_src>

<mosaic_0001>
#map = affine_map<(d0, d1) -> (0, 0)>
#map1 = affine_map<(d0, d1) -> (0)>
#map2 = affine_map<(d0, d1) -> (0, 0, 0)>
module attributes {stable_mosaic.version = 14 : i64} {
  func.func @body(%arg0: i32, %arg1: i32, %arg2: memref<10000x128xf32, #tpu.memory_space<hbm>>, %arg3: memref<327680xi32, #tpu.memory_space<hbm>>, %arg4: memref<327680xi32, #tpu.memory_space<hbm>>, %arg5: memref<632x128xf32, #tpu.memory_space<hbm>>, %arg6: memref<2x10112x128xf32, #tpu.memory_space<hbm>>, %arg7: memref<128xi32, #tpu.memory_space<vmem>>, %arg8: memref<128xi32, #tpu.memory_space<vmem>>, %arg9: memref<128xi32, #tpu.memory_space<vmem>>, %arg10: memref<128xi32, #tpu.memory_space<vmem>>, %arg11: memref<128xi32, #tpu.memory_space<vmem>>, %arg12: memref<128xi32, #tpu.memory_space<vmem>>, %arg13: memref<128xi32, #tpu.memory_space<vmem>>, %arg14: memref<128xi32, #tpu.memory_space<vmem>>, %arg15: memref<128x128xf32, #tpu.memory_space<vmem>>, %arg16: memref<128x128xf32, #tpu.memory_space<vmem>>, %arg17: memref<!tpu.dma_semaphore, #tpu.memory_space<semaphore_mem>>, %arg18: memref<!tpu.dma_semaphore, #tpu.memory_space<semaphore_mem>>, %arg19: memref<!tpu.dma_semaphore, #tpu.memory_space<semaphore_mem>>, %arg20: memref<!tpu.dma_semaphore, #tpu.memory_space<semaphore_mem>>, %arg21: memref<!tpu.dma_semaphore, #tpu.memory_space<semaphore_mem>>, %arg22: memref<!tpu.dma_semaphore, #tpu.memory_space<semaphore_mem>>, %arg23: memref<!tpu.dma_semaphore, #tpu.memory_space<semaphore_mem>>, %arg24: memref<!tpu.dma_semaphore, #tpu.memory_space<semaphore_mem>>, %arg25: memref<!tpu.dma_semaphore, #tpu.memory_space<semaphore_mem>>, %arg26: memref<!tpu.dma_semaphore, #tpu.memory_space<semaphore_mem>>, %arg27: memref<10112x128xf32, #tpu.memory_space<vmem_shared>>) attributes {dimension_semantics = [#tpu.dimension_semantics<core_parallel>, #tpu.dimension_semantics<subcore_parallel>], iteration_bounds = array<i64: 2, 16>, scalar_prefetch = 0 : i64, scratch_operands = 21 : i64, tpu.core_type = #tpu.core_type<sc_vector_subcore>, window_params = [{transform_indices = #map}, {transform_indices = #map1}, {transform_indices = #map1}, {transform_indices = #map}, {transform_indices = #map2}]} {
    %mul3A = arith.constant 2 : i32
    %mul3A_0 = arith.muli %arg1, %mul3A : i32
    %add3A = arith.addi %mul3A_0, %arg0 : i32
    %mul3A_1 = arith.constant 80 : i32
    %mul3A_2 = arith.muli %add3A, %mul3A_1 : i32
    %mul3A_3 = arith.constant 632 : i32
    %mul3A_4 = arith.muli %arg1, %mul3A_3 : i32
    "tpu.region"() ({
      %run_scoped3A = tpu.sem_alloc : memref<!tpu.dma_semaphore, #tpu.memory_space<semaphore_mem>>
      %dma_start3A_68 = arith.constant 0 : i32
      %dma_start3A_69 = tpu.memref_slice %arg27[%mul3A_4, %dma_start3A_68] : memref<10112x128xf32, #tpu.memory_space<vmem_shared>> -> memref<632x128xf32, #tpu.memory_space<vmem_shared>>
      tpu.enqueue_dma source(%arg5 : memref<632x128xf32, #tpu.memory_space<hbm>>) target(%dma_start3A_69 : memref<632x128xf32, #tpu.memory_space<vmem_shared>>) target_semaphore(%run_scoped3A : memref<!tpu.dma_semaphore, #tpu.memory_space<semaphore_mem>>)
      %dma_wait3A_70 = arith.constant 0 : i32
      %dma_wait3A_71 = tpu.memref_slice %arg27[%mul3A_4, %dma_wait3A_70] : memref<10112x128xf32, #tpu.memory_space<vmem_shared>> -> memref<632x128xf32, #tpu.memory_space<vmem_shared>>
      tpu.wait_dma2 semaphore(%run_scoped3A : memref<!tpu.dma_semaphore, #tpu.memory_space<semaphore_mem>>) src(%arg5 : memref<632x128xf32, #tpu.memory_space<hbm>>) dst(%dma_wait3A_71 : memref<632x128xf32, #tpu.memory_space<vmem_shared>>)
      tpu.yield
    }) : () -> ()
    %barrier3A = arith.constant 0 : index
    tpu.barrier barrier_id(%barrier3A)
    %add3A_5 = arith.constant 0 : i32
    %add3A_6 = arith.addi %mul3A_2, %add3A_5 : i32
    %mul3A_7 = arith.constant 128 : i32
    %mul3A_8 = arith.muli %add3A_6, %mul3A_7 : i32
    %dma_start3A = tpu.memref_slice %arg3[%mul3A_8] : memref<327680xi32, #tpu.memory_space<hbm>> -> memref<128xi32, #tpu.memory_space<hbm>>
    %dma_start3A_9 = tpu.memref_slice %arg3[%mul3A_8] : memref<327680xi32, #tpu.memory_space<hbm>> -> memref<128xi32, #tpu.memory_space<hbm>>
    tpu.enqueue_dma source(%dma_start3A_9 : memref<128xi32, #tpu.memory_space<hbm>>) target(%arg7 : memref<128xi32, #tpu.memory_space<vmem>>) target_semaphore(%arg17 : memref<!tpu.dma_semaphore, #tpu.memory_space<semaphore_mem>>)
    %add3A_10 = arith.constant 0 : i32
    %add3A_11 = arith.addi %mul3A_2, %add3A_10 : i32
    %mul3A_12 = arith.constant 128 : i32
    %mul3A_13 = arith.muli %add3A_11, %mul3A_12 : i32
    %dma_start3A_14 = tpu.memref_slice %arg4[%mul3A_13] : memref<327680xi32, #tpu.memory_space<hbm>> -> memref<128xi32, #tpu.memory_space<hbm>>
    %dma_start3A_15 = tpu.memref_slice %arg4[%mul3A_13] : memref<327680xi32, #tpu.memory_space<hbm>> -> memref<128xi32, #tpu.memory_space<hbm>>
    tpu.enqueue_dma source(%dma_start3A_15 : memref<128xi32, #tpu.memory_space<hbm>>) target(%arg8 : memref<128xi32, #tpu.memory_space<vmem>>) target_semaphore(%arg18 : memref<!tpu.dma_semaphore, #tpu.memory_space<semaphore_mem>>)
    %add3A_16 = arith.constant 1 : i32
    %add3A_17 = arith.addi %mul3A_2, %add3A_16 : i32
    %mul3A_18 = arith.constant 128 : i32
    %mul3A_19 = arith.muli %add3A_17, %mul3A_18 : i32
    %dma_start3A_20 = tpu.memref_slice %arg3[%mul3A_19] : memref<327680xi32, #tpu.memory_space<hbm>> -> memref<128xi32, #tpu.memory_space<hbm>>
    %dma_start3A_21 = tpu.memref_slice %arg3[%mul3A_19] : memref<327680xi32, #tpu.memory_space<hbm>> -> memref<128xi32, #tpu.memory_space<hbm>>
    tpu.enqueue_dma source(%dma_start3A_21 : memref<128xi32, #tpu.memory_space<hbm>>) target(%arg9 : memref<128xi32, #tpu.memory_space<vmem>>) target_semaphore(%arg19 : memref<!tpu.dma_semaphore, #tpu.memory_space<semaphore_mem>>)
    %add3A_22 = arith.constant 1 : i32
    %add3A_23 = arith.addi %mul3A_2, %add3A_22 : i32
    %mul3A_24 = arith.constant 128 : i32
    %mul3A_25 = arith.muli %add3A_23, %mul3A_24 : i32
    %dma_start3A_26 = tpu.memref_slice %arg4[%mul3A_25] : memref<327680xi32, #tpu.memory_space<hbm>> -> memref<128xi32, #tpu.memory_space<hbm>>
    %dma_start3A_27 = tpu.memref_slice %arg4[%mul3A_25] : memref<327680xi32, #tpu.memory_space<hbm>> -> memref<128xi32, #tpu.memory_space<hbm>>
    tpu.enqueue_dma source(%dma_start3A_27 : memref<128xi32, #tpu.memory_space<hbm>>) target(%arg10 : memref<128xi32, #tpu.memory_space<vmem>>) target_semaphore(%arg20 : memref<!tpu.dma_semaphore, #tpu.memory_space<semaphore_mem>>)
    %add3A_28 = arith.constant 2 : i32
    %add3A_29 = arith.addi %mul3A_2, %add3A_28 : i32
    %mul3A_30 = arith.constant 128 : i32
    %mul3A_31 = arith.muli %add3A_29, %mul3A_30 : i32
    %dma_start3A_32 = tpu.memref_slice %arg3[%mul3A_31] : memref<327680xi32, #tpu.memory_space<hbm>> -> memref<128xi32, #tpu.memory_space<hbm>>
    %dma_start3A_33 = tpu.memref_slice %arg3[%mul3A_31] : memref<327680xi32, #tpu.memory_space<hbm>> -> memref<128xi32, #tpu.memory_space<hbm>>
    tpu.enqueue_dma source(%dma_start3A_33 : memref<128xi32, #tpu.memory_space<hbm>>) target(%arg11 : memref<128xi32, #tpu.memory_space<vmem>>) target_semaphore(%arg21 : memref<!tpu.dma_semaphore, #tpu.memory_space<semaphore_mem>>)
    %add3A_34 = arith.constant 2 : i32
    %add3A_35 = arith.addi %mul3A_2, %add3A_34 : i32
    %mul3A_36 = arith.constant 128 : i32
    %mul3A_37 = arith.muli %add3A_35, %mul3A_36 : i32
    %dma_start3A_38 = tpu.memref_slice %arg4[%mul3A_37] : memref<327680xi32, #tpu.memory_space<hbm>> -> memref<128xi32, #tpu.memory_space<hbm>>
    %dma_start3A_39 = tpu.memref_slice %arg4[%mul3A_37] : memref<327680xi32, #tpu.memory_space<hbm>> -> memref<128xi32, #tpu.memory_space<hbm>>
    tpu.enqueue_dma source(%dma_start3A_39 : memref<128xi32, #tpu.memory_space<hbm>>) target(%arg12 : memref<128xi32, #tpu.memory_space<vmem>>) target_semaphore(%arg22 : memref<!tpu.dma_semaphore, #tpu.memory_space<semaphore_mem>>)
    %add3A_40 = arith.constant 3 : i32
    %add3A_41 = arith.addi %mul3A_2, %add3A_40 : i32
    %mul3A_42 = arith.constant 128 : i32
    %mul3A_43 = arith.muli %add3A_41, %mul3A_42 : i32
    %dma_start3A_44 = tpu.memref_slice %arg3[%mul3A_43] : memref<327680xi32, #tpu.memory_space<hbm>> -> memref<128xi32, #tpu.memory_space<hbm>>
    %dma_start3A_45 = tpu.memref_slice %arg3[%mul3A_43] : memref<327680xi32, #tpu.memory_space<hbm>> -> memref<128xi32, #tpu.memory_space<hbm>>
    tpu.enqueue_dma source(%dma_start3A_45 : memref<128xi32, #tpu.memory_space<hbm>>) target(%arg13 : memref<128xi32, #tpu.memory_space<vmem>>) target_semaphore(%arg23 : memref<!tpu.dma_semaphore, #tpu.memory_space<semaphore_mem>>)
    %add3A_46 = arith.constant 3 : i32
    %add3A_47 = arith.addi %mul3A_2, %add3A_46 : i32
    %mul3A_48 = arith.constant 128 : i32
    %mul3A_49 = arith.muli %add3A_47, %mul3A_48 : i32
    %dma_start3A_50 = tpu.memref_slice %arg4[%mul3A_49] : memref<327680xi32, #tpu.memory_space<hbm>> -> memref<128xi32, #tpu.memory_space<hbm>>
    %dma_start3A_51 = tpu.memref_slice %arg4[%mul3A_49] : memref<327680xi32, #tpu.memory_space<hbm>> -> memref<128xi32, #tpu.memory_space<hbm>>
    tpu.enqueue_dma source(%dma_start3A_51 : memref<128xi32, #tpu.memory_space<hbm>>) target(%arg14 : memref<128xi32, #tpu.memory_space<vmem>>) target_semaphore(%arg24 : memref<!tpu.dma_semaphore, #tpu.memory_space<semaphore_mem>>)
    %dma_wait3A = arith.constant 0 : i32
    %dma_wait3A_52 = tpu.memref_slice %arg3[%dma_wait3A] : memref<327680xi32, #tpu.memory_space<hbm>> -> memref<128xi32, #tpu.memory_space<hbm>>
    %dma_wait3A_53 = arith.constant 0 : i32
    %dma_wait3A_54 = tpu.memref_slice %arg3[%dma_wait3A_53] : memref<327680xi32, #tpu.memory_space<hbm>> -> memref<128xi32, #tpu.memory_space<hbm>>
    tpu.wait_dma2 semaphore(%arg17 : memref<!tpu.dma_semaphore, #tpu.memory_space<semaphore_mem>>) src(%dma_wait3A_54 : memref<128xi32, #tpu.memory_space<hbm>>) dst(%arg7 : memref<128xi32, #tpu.memory_space<vmem>>)
    %dma_start3A_55 = arith.constant 0 : i32
    %dma_start3A_56 = arith.constant 0 : i32
    %dma_start3A_57 = tpu.memref_slice %arg2[%dma_start3A_55, %dma_start3A_56] : memref<10000x128xf32, #tpu.memory_space<hbm>> -> memref<10000x128xf32, #tpu.memory_space<hbm>>
    tpu.enqueue_indirect_dma source(%dma_start3A_57 : memref<10000x128xf32, #tpu.memory_space<hbm>>) target(%arg15 : memref<128x128xf32, #tpu.memory_space<vmem>>) offsets(%arg7 : memref<128xi32, #tpu.memory_space<vmem>>) semaphore(%arg25 : memref<!tpu.dma_semaphore, #tpu.memory_space<semaphore_mem>>)
    %scan3A = arith.constant 0 : i32
    %scan3A_58 = arith.constant 0 : i32
    %scan3A_59 = arith.constant 20 : i32
    %scan3A_60 = arith.addi %scan3A_58, %scan3A_59 : i32
    %scan3A_61 = arith.constant 1 : i32
    scf.for %scan3A_68 = %scan3A_58 to %scan3A_60 step %scan3A_61  : i32 {
      %mul3A_69 = arith.constant 4 : i32
      %mul3A_70 = arith.muli %mul3A_69, %scan3A_68 : i32
      %dma_wait3A_71 = arith.constant 0 : i32
      %dma_wait3A_72 = tpu.memref_slice %arg3[%dma_wait3A_71] : memref<327680xi32, #tpu.memory_space<hbm>> -> memref<128xi32, #tpu.memory_space<hbm>>
      %dma_wait3A_73 = arith.constant 0 : i32
      %dma_wait3A_74 = tpu.memref_slice %arg3[%dma_wait3A_73] : memref<327680xi32, #tpu.memory_space<hbm>> -> memref<128xi32, #tpu.memory_space<hbm>>
      tpu.wait_dma2 semaphore(%arg19 : memref<!tpu.dma_semaphore, #tpu.memory_space<semaphore_mem>>) src(%dma_wait3A_74 : memref<128xi32, #tpu.memory_space<hbm>>) dst(%arg9 : memref<128xi32, #tpu.memory_space<vmem>>)
      %dma_start3A_75 = arith.constant 0 : i32
      %dma_start3A_76 = arith.constant 0 : i32
      %dma_start3A_77 = tpu.memref_slice %arg2[%dma_start3A_75, %dma_start3A_76] : memref<10000x128xf32, #tpu.memory_space<hbm>> -> memref<10000x128xf32, #tpu.memory_space<hbm>>
      tpu.enqueue_indirect_dma source(%dma_start3A_77 : memref<10000x128xf32, #tpu.memory_space<hbm>>) target(%arg16 : memref<128x128xf32, #tpu.memory_space<vmem>>) offsets(%arg9 : memref<128xi32, #tpu.memory_space<vmem>>) semaphore(%arg26 : memref<!tpu.dma_semaphore, #tpu.memory_space<semaphore_mem>>)
      %dma_wait3A_78 = arith.constant 0 : i32
      %dma_wait3A_79 = arith.constant 0 : i32
      %dma_wait3A_80 = tpu.memref_slice %arg2[%dma_wait3A_78, %dma_wait3A_79] : memref<10000x128xf32, #tpu.memory_space<hbm>> -> memref<10000x128xf32, #tpu.memory_space<hbm>>
      tpu.wait_indirect_dma semaphore(%arg25 : memref<!tpu.dma_semaphore, #tpu.memory_space<semaphore_mem>>) src(%dma_wait3A_80 : memref<10000x128xf32, #tpu.memory_space<hbm>>) dst(%arg15 : memref<128x128xf32, #tpu.memory_space<vmem>>)
      %dma_wait3A_81 = arith.constant 0 : i32
      %dma_wait3A_82 = tpu.memref_slice %arg4[%dma_wait3A_81] : memref<327680xi32, #tpu.memory_space<hbm>> -> memref<128xi32, #tpu.memory_space<hbm>>
      %dma_wait3A_83 = arith.constant 0 : i32
      %dma_wait3A_84 = tpu.memref_slice %arg4[%dma_wait3A_83] : memref<327680xi32, #tpu.memory_space<hbm>> -> memref<128xi32, #tpu.memory_space<hbm>>
      tpu.wait_dma2 semaphore(%arg18 : memref<!tpu.dma_semaphore, #tpu.memory_space<semaphore_mem>>) src(%dma_wait3A_84 : memref<128xi32, #tpu.memory_space<hbm>>) dst(%arg8 : memref<128xi32, #tpu.memory_space<vmem>>)
      "tpu.region"() ({
        %run_scoped3A = tpu.sem_alloc : memref<!tpu.dma_semaphore, #tpu.memory_space<semaphore_mem>>
        %dma_start3A_152 = arith.constant 0 : i32
        %dma_start3A_153 = arith.constant 0 : i32
        %dma_start3A_154 = tpu.memref_slice %arg27[%dma_start3A_152, %dma_start3A_153] : memref<10112x128xf32, #tpu.memory_space<vmem_shared>> -> memref<10112x128xf32, #tpu.memory_space<vmem_shared>>
        tpu.enqueue_indirect_dma source(%arg15 : memref<128x128xf32, #tpu.memory_space<vmem>>) target(%dma_start3A_154 : memref<10112x128xf32, #tpu.memory_space<vmem_shared>>) offsets(%arg8 : memref<128xi32, #tpu.memory_space<vmem>>) semaphore(%run_scoped3A : memref<!tpu.dma_semaphore, #tpu.memory_space<semaphore_mem>>) {add = true}
        %dma_wait3A_155 = arith.constant 0 : i32
        %dma_wait3A_156 = arith.constant 0 : i32
        %dma_wait3A_157 = tpu.memref_slice %arg27[%dma_wait3A_155, %dma_wait3A_156] : memref<10112x128xf32, #tpu.memory_space<vmem_shared>> -> memref<10112x128xf32, #tpu.memory_space<vmem_shared>>
        tpu.wait_indirect_dma semaphore(%run_scoped3A : memref<!tpu.dma_semaphore, #tpu.memory_space<semaphore_mem>>) src(%arg15 : memref<128x128xf32, #tpu.memory_space<vmem>>) dst(%dma_wait3A_157 : memref<10112x128xf32, #tpu.memory_space<vmem_shared>>)
        tpu.yield
      }) : () -> ()
      %add3A_85 = arith.constant 4 : i32
      %add3A_86 = arith.addi %mul3A_70, %add3A_85 : i32
      %lt3A = arith.constant 80 : i32
      %lt3A_87 = arith.cmpi slt, %add3A_86, %lt3A : i32
      %convert_element_type3A = arith.extui %lt3A_87 : i1 to i32
      %cond3A = arith.constant 0 : i32
      %cond3A_88 = arith.cmpi ne, %convert_element_type3A, %cond3A : i32
      scf.if %cond3A_88 {
        %add3A_152 = arith.constant 4 : i32
        %add3A_153 = arith.addi %mul3A_70, %add3A_152 : i32
        %add3A_154 = arith.addi %mul3A_2, %add3A_153 : i32
        %mul3A_155 = arith.constant 128 : i32
        %mul3A_156 = arith.muli %add3A_154, %mul3A_155 : i32
        %dma_start3A_157 = tpu.memref_slice %arg3[%mul3A_156] : memref<327680xi32, #tpu.memory_space<hbm>> -> memref<128xi32, #tpu.memory_space<hbm>>
        %dma_start3A_158 = tpu.memref_slice %arg3[%mul3A_156] : memref<327680xi32, #tpu.memory_space<hbm>> -> memref<128xi32, #tpu.memory_space<hbm>>
        tpu.enqueue_dma source(%dma_start3A_158 : memref<128xi32, #tpu.memory_space<hbm>>) target(%arg7 : memref<128xi32, #tpu.memory_space<vmem>>) target_semaphore(%arg17 : memref<!tpu.dma_semaphore, #tpu.memory_space<semaphore_mem>>)
        %add3A_159 = arith.addi %mul3A_2, %add3A_153 : i32
        %mul3A_160 = arith.constant 128 : i32
        %mul3A_161 = arith.muli %add3A_159, %mul3A_160 : i32
        %dma_start3A_162 = tpu.memref_slice %arg4[%mul3A_161] : memref<327680xi32, #tpu.memory_space<hbm>> -> memref<128xi32, #tpu.memory_space<hbm>>
        %dma_start3A_163 = tpu.memref_slice %arg4[%mul3A_161] : memref<327680xi32, #tpu.memory_space<hbm>> -> memref<128xi32, #tpu.memory_space<hbm>>
        tpu.enqueue_dma source(%dma_start3A_163 : memref<128xi32, #tpu.memory_space<hbm>>) target(%arg8 : memref<128xi32, #tpu.memory_space<vmem>>) target_semaphore(%arg18 : memref<!tpu.dma_semaphore, #tpu.memory_space<semaphore_mem>>)
      } else {
      }
      %dma_wait3A_89 = arith.constant 0 : i32
      %dma_wait3A_90 = tpu.memref_slice %arg3[%dma_wait3A_89] : memref<327680xi32, #tpu.memory_space<hbm>> -> memref<128xi32, #tpu.memory_space<hbm>>
      %dma_wait3A_91 = arith.constant 0 : i32
      %dma_wait3A_92 = tpu.memref_slice %arg3[%dma_wait3A_91] : memref<327680xi32, #tpu.memory_space<hbm>> -> memref<128xi32, #tpu.memory_space<hbm>>
      tpu.wait_dma2 semaphore(%arg21 : memref<!tpu.dma_semaphore, #tpu.memory_space<semaphore_mem>>) src(%dma_wait3A_92 : memref<128xi32, #tpu.memory_space<hbm>>) dst(%arg11 : memref<128xi32, #tpu.memory_space<vmem>>)
      %dma_start3A_93 = arith.constant 0 : i32
      %dma_start3A_94 = arith.constant 0 : i32
      %dma_start3A_95 = tpu.memref_slice %arg2[%dma_start3A_93, %dma_start3A_94] : memref<10000x128xf32, #tpu.memory_space<hbm>> -> memref<10000x128xf32, #tpu.memory_space<hbm>>
      tpu.enqueue_indirect_dma source(%dma_start3A_95 : memref<10000x128xf32, #tpu.memory_space<hbm>>) target(%arg15 : memref<128x128xf32, #tpu.memory_space<vmem>>) offsets(%arg11 : memref<128xi32, #tpu.memory_space<vmem>>) semaphore(%arg25 : memref<!tpu.dma_semaphore, #tpu.memory_space<semaphore_mem>>)
      %dma_wait3A_96 = arith.constant 0 : i32
      %dma_wait3A_97 = arith.constant 0 : i32
      %dma_wait3A_98 = tpu.memref_slice %arg2[%dma_wait3A_96, %dma_wait3A_97] : memref<10000x128xf32, #tpu.memory_space<hbm>> -> memref<10000x128xf32, #tpu.memory_space<hbm>>
      tpu.wait_indirect_dma semaphore(%arg26 : memref<!tpu.dma_semaphore, #tpu.memory_space<semaphore_mem>>) src(%dma_wait3A_98 : memref<10000x128xf32, #tpu.memory_space<hbm>>) dst(%arg16 : memref<128x128xf32, #tpu.memory_space<vmem>>)
      %dma_wait3A_99 = arith.constant 0 : i32
      %dma_wait3A_100 = tpu.memref_slice %arg4[%dma_wait3A_99] : memref<327680xi32, #tpu.memory_space<hbm>> -> memref<128xi32, #tpu.memory_space<hbm>>
      %dma_wait3A_101 = arith.constant 0 : i32
      %dma_wait3A_102 = tpu.memref_slice %arg4[%dma_wait3A_101] : memref<327680xi32, #tpu.memory_space<hbm>> -> memref<128xi32, #tpu.memory_space<hbm>>
      tpu.wait_dma2 semaphore(%arg20 : memref<!tpu.dma_semaphore, #tpu.memory_space<semaphore_mem>>) src(%dma_wait3A_102 : memref<128xi32, #tpu.memory_space<hbm>>) dst(%arg10 : memref<128xi32, #tpu.memory_space<vmem>>)
      "tpu.region"() ({
        %run_scoped3A = tpu.sem_alloc : memref<!tpu.dma_semaphore, #tpu.memory_space<semaphore_mem>>
        %dma_start3A_152 = arith.constant 0 : i32
        %dma_start3A_153 = arith.constant 0 : i32
        %dma_start3A_154 = tpu.memref_slice %arg27[%dma_start3A_152, %dma_start3A_153] : memref<10112x128xf32, #tpu.memory_space<vmem_shared>> -> memref<10112x128xf32, #tpu.memory_space<vmem_shared>>
        tpu.enqueue_indirect_dma source(%arg16 : memref<128x128xf32, #tpu.memory_space<vmem>>) target(%dma_start3A_154 : memref<10112x128xf32, #tpu.memory_space<vmem_shared>>) offsets(%arg10 : memref<128xi32, #tpu.memory_space<vmem>>) semaphore(%run_scoped3A : memref<!tpu.dma_semaphore, #tpu.memory_space<semaphore_mem>>) {add = true}
        %dma_wait3A_155 = arith.constant 0 : i32
        %dma_wait3A_156 = arith.constant 0 : i32
        %dma_wait3A_157 = tpu.memref_slice %arg27[%dma_wait3A_155, %dma_wait3A_156] : memref<10112x128xf32, #tpu.memory_space<vmem_shared>> -> memref<10112x128xf32, #tpu.memory_space<vmem_shared>>
        tpu.wait_indirect_dma semaphore(%run_scoped3A : memref<!tpu.dma_semaphore, #tpu.memory_space<semaphore_mem>>) src(%arg16 : memref<128x128xf32, #tpu.memory_space<vmem>>) dst(%dma_wait3A_157 : memref<10112x128xf32, #tpu.memory_space<vmem_shared>>)
        tpu.yield
      }) : () -> ()
      %add3A_103 = arith.constant 5 : i32
      %add3A_104 = arith.addi %mul3A_70, %add3A_103 : i32
      %lt3A_105 = arith.constant 80 : i32
      %lt3A_106 = arith.cmpi slt, %add3A_104, %lt3A_105 : i32
      %convert_element_type3A_107 = arith.extui %lt3A_106 : i1 to i32
      %cond3A_108 = arith.constant 0 : i32
      %cond3A_109 = arith.cmpi ne, %convert_element_type3A_107, %cond3A_108 : i32
      scf.if %cond3A_109 {
        %add3A_152 = arith.constant 5 : i32
        %add3A_153 = arith.addi %mul3A_70, %add3A_152 : i32
        %add3A_154 = arith.addi %mul3A_2, %add3A_153 : i32
        %mul3A_155 = arith.constant 128 : i32
        %mul3A_156 = arith.muli %add3A_154, %mul3A_155 : i32
        %dma_start3A_157 = tpu.memref_slice %arg3[%mul3A_156] : memref<327680xi32, #tpu.memory_space<hbm>> -> memref<128xi32, #tpu.memory_space<hbm>>
        %dma_start3A_158 = tpu.memref_slice %arg3[%mul3A_156] : memref<327680xi32, #tpu.memory_space<hbm>> -> memref<128xi32, #tpu.memory_space<hbm>>
        tpu.enqueue_dma source(%dma_start3A_158 : memref<128xi32, #tpu.memory_space<hbm>>) target(%arg9 : memref<128xi32, #tpu.memory_space<vmem>>) target_semaphore(%arg19 : memref<!tpu.dma_semaphore, #tpu.memory_space<semaphore_mem>>)
        %add3A_159 = arith.addi %mul3A_2, %add3A_153 : i32
        %mul3A_160 = arith.constant 128 : i32
        %mul3A_161 = arith.muli %add3A_159, %mul3A_160 : i32
        %dma_start3A_162 = tpu.memref_slice %arg4[%mul3A_161] : memref<327680xi32, #tpu.memory_space<hbm>> -> memref<128xi32, #tpu.memory_space<hbm>>
        %dma_start3A_163 = tpu.memref_slice %arg4[%mul3A_161] : memref<327680xi32, #tpu.memory_space<hbm>> -> memref<128xi32, #tpu.memory_space<hbm>>
        tpu.enqueue_dma source(%dma_start3A_163 : memref<128xi32, #tpu.memory_space<hbm>>) target(%arg10 : memref<128xi32, #tpu.memory_space<vmem>>) target_semaphore(%arg20 : memref<!tpu.dma_semaphore, #tpu.memory_space<semaphore_mem>>)
      } else {
      }
      %dma_wait3A_110 = arith.constant 0 : i32
      %dma_wait3A_111 = tpu.memref_slice %arg3[%dma_wait3A_110] : memref<327680xi32, #tpu.memory_space<hbm>> -> memref<128xi32, #tpu.memory_space<hbm>>
      %dma_wait3A_112 = arith.constant 0 : i32
      %dma_wait3A_113 = tpu.memref_slice %arg3[%dma_wait3A_112] : memref<327680xi32, #tpu.memory_space<hbm>> -> memref<128xi32, #tpu.memory_space<hbm>>
      tpu.wait_dma2 semaphore(%arg23 : memref<!tpu.dma_semaphore, #tpu.memory_space<semaphore_mem>>) src(%dma_wait3A_113 : memref<128xi32, #tpu.memory_space<hbm>>) dst(%arg13 : memref<128xi32, #tpu.memory_space<vmem>>)
      %dma_start3A_114 = arith.constant 0 : i32
      %dma_start3A_115 = arith.constant 0 : i32
      %dma_start3A_116 = tpu.memref_slice %arg2[%dma_start3A_114, %dma_start3A_115] : memref<10000x128xf32, #tpu.memory_space<hbm>> -> memref<10000x128xf32, #tpu.memory_space<hbm>>
      tpu.enqueue_indirect_dma source(%dma_start3A_116 : memref<10000x128xf32, #tpu.memory_space<hbm>>) target(%arg16 : memref<128x128xf32, #tpu.memory_space<vmem>>) offsets(%arg13 : memref<128xi32, #tpu.memory_space<vmem>>) semaphore(%arg26 : memref<!tpu.dma_semaphore, #tpu.memory_space<semaphore_mem>>)
      %dma_wait3A_117 = arith.constant 0 : i32
      %dma_wait3A_118 = arith.constant 0 : i32
      %dma_wait3A_119 = tpu.memref_slice %arg2[%dma_wait3A_117, %dma_wait3A_118] : memref<10000x128xf32, #tpu.memory_space<hbm>> -> memref<10000x128xf32, #tpu.memory_space<hbm>>
      tpu.wait_indirect_dma semaphore(%arg25 : memref<!tpu.dma_semaphore, #tpu.memory_space<semaphore_mem>>) src(%dma_wait3A_119 : memref<10000x128xf32, #tpu.memory_space<hbm>>) dst(%arg15 : memref<128x128xf32, #tpu.memory_space<vmem>>)
      %dma_wait3A_120 = arith.constant 0 : i32
      %dma_wait3A_121 = tpu.memref_slice %arg4[%dma_wait3A_120] : memref<327680xi32, #tpu.memory_space<hbm>> -> memref<128xi32, #tpu.memory_space<hbm>>
      %dma_wait3A_122 = arith.constant 0 : i32
      %dma_wait3A_123 = tpu.memref_slice %arg4[%dma_wait3A_122] : memref<327680xi32, #tpu.memory_space<hbm>> -> memref<128xi32, #tpu.memory_space<hbm>>
      tpu.wait_dma2 semaphore(%arg22 : memref<!tpu.dma_semaphore, #tpu.memory_space<semaphore_mem>>) src(%dma_wait3A_123 : memref<128xi32, #tpu.memory_space<hbm>>) dst(%arg12 : memref<128xi32, #tpu.memory_space<vmem>>)
      "tpu.region"() ({
        %run_scoped3A = tpu.sem_alloc : memref<!tpu.dma_semaphore, #tpu.memory_space<semaphore_mem>>
        %dma_start3A_152 = arith.constant 0 : i32
        %dma_start3A_153 = arith.constant 0 : i32
        %dma_start3A_154 = tpu.memref_slice %arg27[%dma_start3A_152, %dma_start3A_153] : memref<10112x128xf32, #tpu.memory_space<vmem_shared>> -> memref<10112x128xf32, #tpu.memory_space<vmem_shared>>
        tpu.enqueue_indirect_dma source(%arg15 : memref<128x128xf32, #tpu.memory_space<vmem>>) target(%dma_start3A_154 : memref<10112x128xf32, #tpu.memory_space<vmem_shared>>) offsets(%arg12 : memref<128xi32, #tpu.memory_space<vmem>>) semaphore(%run_scoped3A : memref<!tpu.dma_semaphore, #tpu.memory_space<semaphore_mem>>) {add = true}
        %dma_wait3A_155 = arith.constant 0 : i32
        %dma_wait3A_156 = arith.constant 0 : i32
        %dma_wait3A_157 = tpu.memref_slice %arg27[%dma_wait3A_155, %dma_wait3A_156] : memref<10112x128xf32, #tpu.memory_space<vmem_shared>> -> memref<10112x128xf32, #tpu.memory_space<vmem_shared>>
        tpu.wait_indirect_dma semaphore(%run_scoped3A : memref<!tpu.dma_semaphore, #tpu.memory_space<semaphore_mem>>) src(%arg15 : memref<128x128xf32, #tpu.memory_space<vmem>>) dst(%dma_wait3A_157 : memref<10112x128xf32, #tpu.memory_space<vmem_shared>>)
        tpu.yield
      }) : () -> ()
      %add3A_124 = arith.constant 6 : i32
      %add3A_125 = arith.addi %mul3A_70, %add3A_124 : i32
      %lt3A_126 = arith.constant 80 : i32
      %lt3A_127 = arith.cmpi slt, %add3A_125, %lt3A_126 : i32
      %convert_element_type3A_128 = arith.extui %lt3A_127 : i1 to i32
      %cond3A_129 = arith.constant 0 : i32
      %cond3A_130 = arith.cmpi ne, %convert_element_type3A_128, %cond3A_129 : i32
      scf.if %cond3A_130 {
        %add3A_152 = arith.constant 6 : i32
        %add3A_153 = arith.addi %mul3A_70, %add3A_152 : i32
        %add3A_154 = arith.addi %mul3A_2, %add3A_153 : i32
        %mul3A_155 = arith.constant 128 : i32
        %mul3A_156 = arith.muli %add3A_154, %mul3A_155 : i32
        %dma_start3A_157 = tpu.memref_slice %arg3[%mul3A_156] : memref<327680xi32, #tpu.memory_space<hbm>> -> memref<128xi32, #tpu.memory_space<hbm>>
        %dma_start3A_158 = tpu.memref_slice %arg3[%mul3A_156] : memref<327680xi32, #tpu.memory_space<hbm>> -> memref<128xi32, #tpu.memory_space<hbm>>
        tpu.enqueue_dma source(%dma_start3A_158 : memref<128xi32, #tpu.memory_space<hbm>>) target(%arg11 : memref<128xi32, #tpu.memory_space<vmem>>) target_semaphore(%arg21 : memref<!tpu.dma_semaphore, #tpu.memory_space<semaphore_mem>>)
        %add3A_159 = arith.addi %mul3A_2, %add3A_153 : i32
        %mul3A_160 = arith.constant 128 : i32
        %mul3A_161 = arith.muli %add3A_159, %mul3A_160 : i32
        %dma_start3A_162 = tpu.memref_slice %arg4[%mul3A_161] : memref<327680xi32, #tpu.memory_space<hbm>> -> memref<128xi32, #tpu.memory_space<hbm>>
        %dma_start3A_163 = tpu.memref_slice %arg4[%mul3A_161] : memref<327680xi32, #tpu.memory_space<hbm>> -> memref<128xi32, #tpu.memory_space<hbm>>
        tpu.enqueue_dma source(%dma_start3A_163 : memref<128xi32, #tpu.memory_space<hbm>>) target(%arg12 : memref<128xi32, #tpu.memory_space<vmem>>) target_semaphore(%arg22 : memref<!tpu.dma_semaphore, #tpu.memory_space<semaphore_mem>>)
      } else {
      }
      %add3A_131 = arith.constant 4 : i32
      %add3A_132 = arith.addi %mul3A_70, %add3A_131 : i32
      %lt3A_133 = arith.constant 80 : i32
      %lt3A_134 = arith.cmpi slt, %add3A_132, %lt3A_133 : i32
      %convert_element_type3A_135 = arith.extui %lt3A_134 : i1 to i32
      %cond3A_136 = arith.constant 0 : i32
      %cond3A_137 = arith.cmpi ne, %convert_element_type3A_135, %cond3A_136 : i32
      scf.if %cond3A_137 {
        %dma_wait3A_152 = arith.constant 0 : i32
        %dma_wait3A_153 = tpu.memref_slice %arg3[%dma_wait3A_152] : memref<327680xi32, #tpu.memory_space<hbm>> -> memref<128xi32, #tpu.memory_space<hbm>>
        %dma_wait3A_154 = arith.constant 0 : i32
        %dma_wait3A_155 = tpu.memref_slice %arg3[%dma_wait3A_154] : memref<327680xi32, #tpu.memory_space<hbm>> -> memref<128xi32, #tpu.memory_space<hbm>>
        tpu.wait_dma2 semaphore(%arg17 : memref<!tpu.dma_semaphore, #tpu.memory_space<semaphore_mem>>) src(%dma_wait3A_155 : memref<128xi32, #tpu.memory_space<hbm>>) dst(%arg7 : memref<128xi32, #tpu.memory_space<vmem>>)
        %dma_start3A_156 = arith.constant 0 : i32
        %dma_start3A_157 = arith.constant 0 : i32
        %dma_start3A_158 = tpu.memref_slice %arg2[%dma_start3A_156, %dma_start3A_157] : memref<10000x128xf32, #tpu.memory_space<hbm>> -> memref<10000x128xf32, #tpu.memory_space<hbm>>
        tpu.enqueue_indirect_dma source(%dma_start3A_158 : memref<10000x128xf32, #tpu.memory_space<hbm>>) target(%arg15 : memref<128x128xf32, #tpu.memory_space<vmem>>) offsets(%arg7 : memref<128xi32, #tpu.memory_space<vmem>>) semaphore(%arg25 : memref<!tpu.dma_semaphore, #tpu.memory_space<semaphore_mem>>)
      } else {
      }
      %dma_wait3A_138 = arith.constant 0 : i32
      %dma_wait3A_139 = arith.constant 0 : i32
      %dma_wait3A_140 = tpu.memref_slice %arg2[%dma_wait3A_138, %dma_wait3A_139] : memref<10000x128xf32, #tpu.memory_space<hbm>> -> memref<10000x128xf32, #tpu.memory_space<hbm>>
      tpu.wait_indirect_dma semaphore(%arg26 : memref<!tpu.dma_semaphore, #tpu.memory_space<semaphore_mem>>) src(%dma_wait3A_140 : memref<10000x128xf32, #tpu.memory_space<hbm>>) dst(%arg16 : memref<128x128xf32, #tpu.memory_space<vmem>>)
      %dma_wait3A_141 = arith.constant 0 : i32
      %dma_wait3A_142 = tpu.memref_slice %arg4[%dma_wait3A_141] : memref<327680xi32, #tpu.memory_space<hbm>> -> memref<128xi32, #tpu.memory_space<hbm>>
      %dma_wait3A_143 = arith.constant 0 : i32
      %dma_wait3A_144 = tpu.memref_slice %arg4[%dma_wait3A_143] : memref<327680xi32, #tpu.memory_space<hbm>> -> memref<128xi32, #tpu.memory_space<hbm>>
      tpu.wait_dma2 semaphore(%arg24 : memref<!tpu.dma_semaphore, #tpu.memory_space<semaphore_mem>>) src(%dma_wait3A_144 : memref<128xi32, #tpu.memory_space<hbm>>) dst(%arg14 : memref<128xi32, #tpu.memory_space<vmem>>)
      "tpu.region"() ({
        %run_scoped3A = tpu.sem_alloc : memref<!tpu.dma_semaphore, #tpu.memory_space<semaphore_mem>>
        %dma_start3A_152 = arith.constant 0 : i32
        %dma_start3A_153 = arith.constant 0 : i32
        %dma_start3A_154 = tpu.memref_slice %arg27[%dma_start3A_152, %dma_start3A_153] : memref<10112x128xf32, #tpu.memory_space<vmem_shared>> -> memref<10112x128xf32, #tpu.memory_space<vmem_shared>>
        tpu.enqueue_indirect_dma source(%arg16 : memref<128x128xf32, #tpu.memory_space<vmem>>) target(%dma_start3A_154 : memref<10112x128xf32, #tpu.memory_space<vmem_shared>>) offsets(%arg14 : memref<128xi32, #tpu.memory_space<vmem>>) semaphore(%run_scoped3A : memref<!tpu.dma_semaphore, #tpu.memory_space<semaphore_mem>>) {add = true}
        %dma_wait3A_155 = arith.constant 0 : i32
        %dma_wait3A_156 = arith.constant 0 : i32
        %dma_wait3A_157 = tpu.memref_slice %arg27[%dma_wait3A_155, %dma_wait3A_156] : memref<10112x128xf32, #tpu.memory_space<vmem_shared>> -> memref<10112x128xf32, #tpu.memory_space<vmem_shared>>
        tpu.wait_indirect_dma semaphore(%run_scoped3A : memref<!tpu.dma_semaphore, #tpu.memory_space<semaphore_mem>>) src(%arg16 : memref<128x128xf32, #tpu.memory_space<vmem>>) dst(%dma_wait3A_157 : memref<10112x128xf32, #tpu.memory_space<vmem_shared>>)
        tpu.yield
      }) : () -> ()
      %add3A_145 = arith.constant 7 : i32
      %add3A_146 = arith.addi %mul3A_70, %add3A_145 : i32
      %lt3A_147 = arith.constant 80 : i32
      %lt3A_148 = arith.cmpi slt, %add3A_146, %lt3A_147 : i32
      %convert_element_type3A_149 = arith.extui %lt3A_148 : i1 to i32
      %cond3A_150 = arith.constant 0 : i32
      %cond3A_151 = arith.cmpi ne, %convert_element_type3A_149, %cond3A_150 : i32
      scf.if %cond3A_151 {
        %add3A_152 = arith.constant 7 : i32
        %add3A_153 = arith.addi %mul3A_70, %add3A_152 : i32
        %add3A_154 = arith.addi %mul3A_2, %add3A_153 : i32
        %mul3A_155 = arith.constant 128 : i32
        %mul3A_156 = arith.muli %add3A_154, %mul3A_155 : i32
        %dma_start3A_157 = tpu.memref_slice %arg3[%mul3A_156] : memref<327680xi32, #tpu.memory_space<hbm>> -> memref<128xi32, #tpu.memory_space<hbm>>
        %dma_start3A_158 = tpu.memref_slice %arg3[%mul3A_156] : memref<327680xi32, #tpu.memory_space<hbm>> -> memref<128xi32, #tpu.memory_space<hbm>>
        tpu.enqueue_dma source(%dma_start3A_158 : memref<128xi32, #tpu.memory_space<hbm>>) target(%arg13 : memref<128xi32, #tpu.memory_space<vmem>>) target_semaphore(%arg23 : memref<!tpu.dma_semaphore, #tpu.memory_space<semaphore_mem>>)
        %add3A_159 = arith.addi %mul3A_2, %add3A_153 : i32
        %mul3A_160 = arith.constant 128 : i32
        %mul3A_161 = arith.muli %add3A_159, %mul3A_160 : i32
        %dma_start3A_162 = tpu.memref_slice %arg4[%mul3A_161] : memref<327680xi32, #tpu.memory_space<hbm>> -> memref<128xi32, #tpu.memory_space<hbm>>
        %dma_start3A_163 = tpu.memref_slice %arg4[%mul3A_161] : memref<327680xi32, #tpu.memory_space<hbm>> -> memref<128xi32, #tpu.memory_space<hbm>>
        tpu.enqueue_dma source(%dma_start3A_163 : memref<128xi32, #tpu.memory_space<hbm>>) target(%arg14 : memref<128xi32, #tpu.memory_space<vmem>>) target_semaphore(%arg24 : memref<!tpu.dma_semaphore, #tpu.memory_space<semaphore_mem>>)
      } else {
      }
    }
    %scan3A_62 = arith.constant 20 : i32
    %barrier3A_63 = arith.constant 0 : index
    tpu.barrier barrier_id(%barrier3A_63)
    %mul3A_64 = arith.constant 632 : i32
    %mul3A_65 = arith.muli %arg1, %mul3A_64 : i32
    %mul3A_66 = arith.constant 632 : i32
    %mul3A_67 = arith.muli %arg1, %mul3A_66 : i32
    "tpu.region"() ({
      %run_scoped3A = tpu.sem_alloc : memref<!tpu.dma_semaphore, #tpu.memory_space<semaphore_mem>>
      %dma_start3A_68 = arith.constant 0 : i32
      %dma_start3A_69 = tpu.memref_slice %arg6[%arg0, %mul3A_67, %dma_start3A_68] : memref<2x10112x128xf32, #tpu.memory_space<hbm>> -> memref<1x632x128xf32, #tpu.memory_space<hbm>>
      %dma_start3A_70 = tpu.memref_squeeze %dma_start3A_69 : memref<1x632x128xf32, #tpu.memory_space<hbm>> -> memref<632x128xf32, #tpu.memory_space<hbm>>
      %dma_start3A_71 = arith.constant 0 : i32
      %dma_start3A_72 = tpu.memref_slice %arg27[%mul3A_65, %dma_start3A_71] : memref<10112x128xf32, #tpu.memory_space<vmem_shared>> -> memref<632x128xf32, #tpu.memory_space<vmem_shared>>
      tpu.enqueue_dma source(%dma_start3A_72 : memref<632x128xf32, #tpu.memory_space<vmem_shared>>) target(%dma_start3A_70 : memref<632x128xf32, #tpu.memory_space<hbm>>) target_semaphore(%run_scoped3A : memref<!tpu.dma_semaphore, #tpu.memory_space<semaphore_mem>>)
      %dma_wait3A_73 = arith.constant 0 : i32
      %dma_wait3A_74 = tpu.memref_slice %arg6[%arg0, %mul3A_67, %dma_wait3A_73] : memref<2x10112x128xf32, #tpu.memory_space<hbm>> -> memref<1x632x128xf32, #tpu.memory_space<hbm>>
      %dma_wait3A_75 = tpu.memref_squeeze %dma_wait3A_74 : memref<1x632x128xf32, #tpu.memory_space<hbm>> -> memref<632x128xf32, #tpu.memory_space<hbm>>
      %dma_wait3A_76 = arith.constant 0 : i32
      %dma_wait3A_77 = tpu.memref_slice %arg27[%mul3A_65, %dma_wait3A_76] : memref<10112x128xf32, #tpu.memory_space<vmem_shared>> -> memref<632x128xf32, #tpu.memory_space<vmem_shared>>
      tpu.wait_dma2 semaphore(%run_scoped3A : memref<!tpu.dma_semaphore, #tpu.memory_space<semaphore_mem>>) src(%dma_wait3A_77 : memref<632x128xf32, #tpu.memory_space<vmem_shared>>) dst(%dma_wait3A_75 : memref<632x128xf32, #tpu.memory_space<hbm>>)
      tpu.yield
    }) : () -> ()
    return
  }
}

#map = affine_map<(d0, d1) -> (0, 0)>
#map1 = affine_map<(d0, d1) -> (0)>
#map2 = affine_map<(d0, d1) -> (0, 0, 0)>
module attributes {stable_mosaic.version = 14 : i64} {
  func.func @body(%arg0: i32, %arg1: i32, %arg2: memref<10000x128xf32, #tpu.memory_space<hbm>>, %arg3: memref<327680xi32, #tpu.memory_space<hbm>>, %arg4: memref<327680xi32, #tpu.memory_space<hbm>>, %arg5: memref<632x128xf32, #tpu.memory_space<hbm>>, %arg6: memref<632xf32, #tpu.memory_space<hbm>>, %arg7: memref<128xf32, #tpu.memory_space<hbm>>, %arg8: memref<2x10112x128xf32, #tpu.memory_space<hbm>>, %arg9: memref<20224xf32, #tpu.memory_space<hbm>>, %arg10: memref<128xi32, #tpu.memory_space<vmem>>, %arg11: memref<128xi32, #tpu.memory_space<vmem>>, %arg12: memref<128xi32, #tpu.memory_space<vmem>>, %arg13: memref<128xi32, #tpu.memory_space<vmem>>, %arg14: memref<128xi32, #tpu.memory_space<vmem>>, %arg15: memref<128xi32, #tpu.memory_space<vmem>>, %arg16: memref<128xi32, #tpu.memory_space<vmem>>, %arg17: memref<128xi32, #tpu.memory_space<vmem>>, %arg18: memref<128x128xf32, #tpu.memory_space<vmem>>, %arg19: memref<128x128xf32, #tpu.memory_space<vmem>>, %arg20: memref<128xf32, #tpu.memory_space<vmem>>, %arg21: memref<632xf32, #tpu.memory_space<vmem>>, %arg22: memref<!tpu.dma_semaphore, #tpu.memory_space<semaphore_mem>>, %arg23: memref<!tpu.dma_semaphore, #tpu.memory_space<semaphore_mem>>, %arg24: memref<!tpu.dma_semaphore, #tpu.memory_space<semaphore_mem>>, %arg25: memref<!tpu.dma_semaphore, #tpu.memory_space<semaphore_mem>>, %arg26: memref<!tpu.dma_semaphore, #tpu.memory_space<semaphore_mem>>, %arg27: memref<!tpu.dma_semaphore, #tpu.memory_space<semaphore_mem>>, %arg28: memref<!tpu.dma_semaphore, #tpu.memory_space<semaphore_mem>>, %arg29: memref<!tpu.dma_semaphore, #tpu.memory_space<semaphore_mem>>, %arg30: memref<!tpu.dma_semaphore, #tpu.memory_space<semaphore_mem>>, %arg31: memref<!tpu.dma_semaphore, #tpu.memory_space<semaphore_mem>>, %arg32: memref<10112x128xf32, #tpu.memory_space<vmem_shared>>, %arg33: memref<10112xf32, #tpu.memory_space<vmem_shared>>) attributes {dimension_semantics = [#tpu.dimension_semantics<core_parallel>, #tpu.dimension_semantics<subcore_parallel>], iteration_bounds = array<i64: 2, 16>, scalar_prefetch = 0 : i64, scratch_operands = 24 : i64, tpu.core_type = #tpu.core_type<sc_vector_subcore>, window_params = [{transform_indices = #map}, {transform_indices = #map1}, {transform_indices = #map1}, {transform_indices = #map}, {transform_indices = #map1}, {transform_indices = #map1}, {transform_indices = #map2}, {transform_indices = #map1}]} {
    %mul3A = arith.constant 2 : i32
    %mul3A_0 = arith.muli %arg1, %mul3A : i32
    %add3A = arith.addi %mul3A_0, %arg0 : i32
    %mul3A_1 = arith.constant 80 : i32
    %mul3A_2 = arith.muli %add3A, %mul3A_1 : i32
    %mul3A_3 = arith.constant 632 : i32
    %mul3A_4 = arith.muli %arg1, %mul3A_3 : i32
    "tpu.region"() ({
      %run_scoped3A = tpu.sem_alloc : memref<!tpu.dma_semaphore, #tpu.memory_space<semaphore_mem>>
      %dma_start3A_77 = arith.constant 0 : i32
      %dma_start3A_78 = tpu.memref_slice %arg32[%mul3A_4, %dma_start3A_77] : memref<10112x128xf32, #tpu.memory_space<vmem_shared>> -> memref<632x128xf32, #tpu.memory_space<vmem_shared>>
      tpu.enqueue_dma source(%arg5 : memref<632x128xf32, #tpu.memory_space<hbm>>) target(%dma_start3A_78 : memref<632x128xf32, #tpu.memory_space<vmem_shared>>) target_semaphore(%run_scoped3A : memref<!tpu.dma_semaphore, #tpu.memory_space<semaphore_mem>>)
      %dma_wait3A_79 = arith.constant 0 : i32
      %dma_wait3A_80 = tpu.memref_slice %arg32[%mul3A_4, %dma_wait3A_79] : memref<10112x128xf32, #tpu.memory_space<vmem_shared>> -> memref<632x128xf32, #tpu.memory_space<vmem_shared>>
      tpu.wait_dma2 semaphore(%run_scoped3A : memref<!tpu.dma_semaphore, #tpu.memory_space<semaphore_mem>>) src(%arg5 : memref<632x128xf32, #tpu.memory_space<hbm>>) dst(%dma_wait3A_80 : memref<632x128xf32, #tpu.memory_space<vmem_shared>>)
      tpu.yield
    }) : () -> ()
    "tpu.region"() ({
      %run_scoped3A = tpu.sem_alloc : memref<!tpu.dma_semaphore, #tpu.memory_space<semaphore_mem>>
      tpu.enqueue_dma source(%arg6 : memref<632xf32, #tpu.memory_space<hbm>>) target(%arg21 : memref<632xf32, #tpu.memory_space<vmem>>) target_semaphore(%run_scoped3A : memref<!tpu.dma_semaphore, #tpu.memory_space<semaphore_mem>>)
      tpu.wait_dma2 semaphore(%run_scoped3A : memref<!tpu.dma_semaphore, #tpu.memory_space<semaphore_mem>>) src(%arg6 : memref<632xf32, #tpu.memory_space<hbm>>) dst(%arg21 : memref<632xf32, #tpu.memory_space<vmem>>)
      tpu.yield
    }) : () -> ()
    %mul3A_5 = arith.constant 632 : i32
    %mul3A_6 = arith.muli %arg1, %mul3A_5 : i32
    "tpu.region"() ({
      %run_scoped3A = tpu.sem_alloc : memref<!tpu.dma_semaphore, #tpu.memory_space<semaphore_mem>>
      %dma_start3A_77 = tpu.memref_slice %arg33[%mul3A_6] : memref<10112xf32, #tpu.memory_space<vmem_shared>> -> memref<632xf32, #tpu.memory_space<vmem_shared>>
      %dma_start3A_78 = tpu.memref_slice %arg33[%mul3A_6] : memref<10112xf32, #tpu.memory_space<vmem_shared>> -> memref<632xf32, #tpu.memory_space<vmem_shared>>
      tpu.enqueue_dma source(%arg21 : memref<632xf32, #tpu.memory_space<vmem>>) target(%dma_start3A_78 : memref<632xf32, #tpu.memory_space<vmem_shared>>) target_semaphore(%run_scoped3A : memref<!tpu.dma_semaphore, #tpu.memory_space<semaphore_mem>>)
      %dma_wait3A_79 = tpu.memref_slice %arg33[%mul3A_6] : memref<10112xf32, #tpu.memory_space<vmem_shared>> -> memref<632xf32, #tpu.memory_space<vmem_shared>>
      %dma_wait3A_80 = tpu.memref_slice %arg33[%mul3A_6] : memref<10112xf32, #tpu.memory_space<vmem_shared>> -> memref<632xf32, #tpu.memory_space<vmem_shared>>
      tpu.wait_dma2 semaphore(%run_scoped3A : memref<!tpu.dma_semaphore, #tpu.memory_space<semaphore_mem>>) src(%arg21 : memref<632xf32, #tpu.memory_space<vmem>>) dst(%dma_wait3A_80 : memref<632xf32, #tpu.memory_space<vmem_shared>>)
      tpu.yield
    }) : () -> ()
    "tpu.region"() ({
      %run_scoped3A = tpu.sem_alloc : memref<!tpu.dma_semaphore, #tpu.memory_space<semaphore_mem>>
      tpu.enqueue_dma source(%arg7 : memref<128xf32, #tpu.memory_space<hbm>>) target(%arg20 : memref<128xf32, #tpu.memory_space<vmem>>) target_semaphore(%run_scoped3A : memref<!tpu.dma_semaphore, #tpu.memory_space<semaphore_mem>>)
      tpu.wait_dma2 semaphore(%run_scoped3A : memref<!tpu.dma_semaphore, #tpu.memory_space<semaphore_mem>>) src(%arg7 : memref<128xf32, #tpu.memory_space<hbm>>) dst(%arg20 : memref<128xf32, #tpu.memory_space<vmem>>)
      tpu.yield
    }) : () -> ()
    %barrier3A = arith.constant 0 : index
    tpu.barrier barrier_id(%barrier3A)
    %add3A_7 = arith.constant 0 : i32
    %add3A_8 = arith.addi %mul3A_2, %add3A_7 : i32
    %mul3A_9 = arith.constant 128 : i32
    %mul3A_10 = arith.muli %add3A_8, %mul3A_9 : i32
    %dma_start3A = tpu.memref_slice %arg3[%mul3A_10] : memref<327680xi32, #tpu.memory_space<hbm>> -> memref<128xi32, #tpu.memory_space<hbm>>
    %dma_start3A_11 = tpu.memref_slice %arg3[%mul3A_10] : memref<327680xi32, #tpu.memory_space<hbm>> -> memref<128xi32, #tpu.memory_space<hbm>>
    tpu.enqueue_dma source(%dma_start3A_11 : memref<128xi32, #tpu.memory_space<hbm>>) target(%arg10 : memref<128xi32, #tpu.memory_space<vmem>>) target_semaphore(%arg22 : memref<!tpu.dma_semaphore, #tpu.memory_space<semaphore_mem>>)
    %add3A_12 = arith.constant 0 : i32
    %add3A_13 = arith.addi %mul3A_2, %add3A_12 : i32
    %mul3A_14 = arith.constant 128 : i32
    %mul3A_15 = arith.muli %add3A_13, %mul3A_14 : i32
    %dma_start3A_16 = tpu.memref_slice %arg4[%mul3A_15] : memref<327680xi32, #tpu.memory_space<hbm>> -> memref<128xi32, #tpu.memory_space<hbm>>
    %dma_start3A_17 = tpu.memref_slice %arg4[%mul3A_15] : memref<327680xi32, #tpu.memory_space<hbm>> -> memref<128xi32, #tpu.memory_space<hbm>>
    tpu.enqueue_dma source(%dma_start3A_17 : memref<128xi32, #tpu.memory_space<hbm>>) target(%arg11 : memref<128xi32, #tpu.memory_space<vmem>>) target_semaphore(%arg23 : memref<!tpu.dma_semaphore, #tpu.memory_space<semaphore_mem>>)
    %add3A_18 = arith.constant 1 : i32
    %add3A_19 = arith.addi %mul3A_2, %add3A_18 : i32
    %mul3A_20 = arith.constant 128 : i32
    %mul3A_21 = arith.muli %add3A_19, %mul3A_20 : i32
    %dma_start3A_22 = tpu.memref_slice %arg3[%mul3A_21] : memref<327680xi32, #tpu.memory_space<hbm>> -> memref<128xi32, #tpu.memory_space<hbm>>
    %dma_start3A_23 = tpu.memref_slice %arg3[%mul3A_21] : memref<327680xi32, #tpu.memory_space<hbm>> -> memref<128xi32, #tpu.memory_space<hbm>>
    tpu.enqueue_dma source(%dma_start3A_23 : memref<128xi32, #tpu.memory_space<hbm>>) target(%arg12 : memref<128xi32, #tpu.memory_space<vmem>>) target_semaphore(%arg24 : memref<!tpu.dma_semaphore, #tpu.memory_space<semaphore_mem>>)
    %add3A_24 = arith.constant 1 : i32
    %add3A_25 = arith.addi %mul3A_2, %add3A_24 : i32
    %mul3A_26 = arith.constant 128 : i32
    %mul3A_27 = arith.muli %add3A_25, %mul3A_26 : i32
    %dma_start3A_28 = tpu.memref_slice %arg4[%mul3A_27] : memref<327680xi32, #tpu.memory_space<hbm>> -> memref<128xi32, #tpu.memory_space<hbm>>
    %dma_start3A_29 = tpu.memref_slice %arg4[%mul3A_27] : memref<327680xi32, #tpu.memory_space<hbm>> -> memref<128xi32, #tpu.memory_space<hbm>>
    tpu.enqueue_dma source(%dma_start3A_29 : memref<128xi32, #tpu.memory_space<hbm>>) target(%arg13 : memref<128xi32, #tpu.memory_space<vmem>>) target_semaphore(%arg25 : memref<!tpu.dma_semaphore, #tpu.memory_space<semaphore_mem>>)
    %add3A_30 = arith.constant 2 : i32
    %add3A_31 = arith.addi %mul3A_2, %add3A_30 : i32
    %mul3A_32 = arith.constant 128 : i32
    %mul3A_33 = arith.muli %add3A_31, %mul3A_32 : i32
    %dma_start3A_34 = tpu.memref_slice %arg3[%mul3A_33] : memref<327680xi32, #tpu.memory_space<hbm>> -> memref<128xi32, #tpu.memory_space<hbm>>
    %dma_start3A_35 = tpu.memref_slice %arg3[%mul3A_33] : memref<327680xi32, #tpu.memory_space<hbm>> -> memref<128xi32, #tpu.memory_space<hbm>>
    tpu.enqueue_dma source(%dma_start3A_35 : memref<128xi32, #tpu.memory_space<hbm>>) target(%arg14 : memref<128xi32, #tpu.memory_space<vmem>>) target_semaphore(%arg26 : memref<!tpu.dma_semaphore, #tpu.memory_space<semaphore_mem>>)
    %add3A_36 = arith.constant 2 : i32
    %add3A_37 = arith.addi %mul3A_2, %add3A_36 : i32
    %mul3A_38 = arith.constant 128 : i32
    %mul3A_39 = arith.muli %add3A_37, %mul3A_38 : i32
    %dma_start3A_40 = tpu.memref_slice %arg4[%mul3A_39] : memref<327680xi32, #tpu.memory_space<hbm>> -> memref<128xi32, #tpu.memory_space<hbm>>
    %dma_start3A_41 = tpu.memref_slice %arg4[%mul3A_39] : memref<327680xi32, #tpu.memory_space<hbm>> -> memref<128xi32, #tpu.memory_space<hbm>>
    tpu.enqueue_dma source(%dma_start3A_41 : memref<128xi32, #tpu.memory_space<hbm>>) target(%arg15 : memref<128xi32, #tpu.memory_space<vmem>>) target_semaphore(%arg27 : memref<!tpu.dma_semaphore, #tpu.memory_space<semaphore_mem>>)
    %add3A_42 = arith.constant 3 : i32
    %add3A_43 = arith.addi %mul3A_2, %add3A_42 : i32
    %mul3A_44 = arith.constant 128 : i32
    %mul3A_45 = arith.muli %add3A_43, %mul3A_44 : i32
    %dma_start3A_46 = tpu.memref_slice %arg3[%mul3A_45] : memref<327680xi32, #tpu.memory_space<hbm>> -> memref<128xi32, #tpu.memory_space<hbm>>
    %dma_start3A_47 = tpu.memref_slice %arg3[%mul3A_45] : memref<327680xi32, #tpu.memory_space<hbm>> -> memref<128xi32, #tpu.memory_space<hbm>>
    tpu.enqueue_dma source(%dma_start3A_47 : memref<128xi32, #tpu.memory_space<hbm>>) target(%arg16 : memref<128xi32, #tpu.memory_space<vmem>>) target_semaphore(%arg28 : memref<!tpu.dma_semaphore, #tpu.memory_space<semaphore_mem>>)
    %add3A_48 = arith.constant 3 : i32
    %add3A_49 = arith.addi %mul3A_2, %add3A_48 : i32
    %mul3A_50 = arith.constant 128 : i32
    %mul3A_51 = arith.muli %add3A_49, %mul3A_50 : i32
    %dma_start3A_52 = tpu.memref_slice %arg4[%mul3A_51] : memref<327680xi32, #tpu.memory_space<hbm>> -> memref<128xi32, #tpu.memory_space<hbm>>
    %dma_start3A_53 = tpu.memref_slice %arg4[%mul3A_51] : memref<327680xi32, #tpu.memory_space<hbm>> -> memref<128xi32, #tpu.memory_space<hbm>>
    tpu.enqueue_dma source(%dma_start3A_53 : memref<128xi32, #tpu.memory_space<hbm>>) target(%arg17 : memref<128xi32, #tpu.memory_space<vmem>>) target_semaphore(%arg29 : memref<!tpu.dma_semaphore, #tpu.memory_space<semaphore_mem>>)
    %dma_wait3A = arith.constant 0 : i32
    %dma_wait3A_54 = tpu.memref_slice %arg3[%dma_wait3A] : memref<327680xi32, #tpu.memory_space<hbm>> -> memref<128xi32, #tpu.memory_space<hbm>>
    %dma_wait3A_55 = arith.constant 0 : i32
    %dma_wait3A_56 = tpu.memref_slice %arg3[%dma_wait3A_55] : memref<327680xi32, #tpu.memory_space<hbm>> -> memref<128xi32, #tpu.memory_space<hbm>>
    tpu.wait_dma2 semaphore(%arg22 : memref<!tpu.dma_semaphore, #tpu.memory_space<semaphore_mem>>) src(%dma_wait3A_56 : memref<128xi32, #tpu.memory_space<hbm>>) dst(%arg10 : memref<128xi32, #tpu.memory_space<vmem>>)
    %dma_start3A_57 = arith.constant 0 : i32
    %dma_start3A_58 = arith.constant 0 : i32
    %dma_start3A_59 = tpu.memref_slice %arg2[%dma_start3A_57, %dma_start3A_58] : memref<10000x128xf32, #tpu.memory_space<hbm>> -> memref<10000x128xf32, #tpu.memory_space<hbm>>
    tpu.enqueue_indirect_dma source(%dma_start3A_59 : memref<10000x128xf32, #tpu.memory_space<hbm>>) target(%arg18 : memref<128x128xf32, #tpu.memory_space<vmem>>) offsets(%arg10 : memref<128xi32, #tpu.memory_space<vmem>>) semaphore(%arg30 : memref<!tpu.dma_semaphore, #tpu.memory_space<semaphore_mem>>)
    %scan3A = arith.constant 0 : i32
    %scan3A_60 = arith.constant 0 : i32
    %scan3A_61 = arith.constant 20 : i32
    %scan3A_62 = arith.addi %scan3A_60, %scan3A_61 : i32
    %scan3A_63 = arith.constant 1 : i32
    scf.for %scan3A_77 = %scan3A_60 to %scan3A_62 step %scan3A_63  : i32 {
      %mul3A_78 = arith.constant 4 : i32
      %mul3A_79 = arith.muli %mul3A_78, %scan3A_77 : i32
      %dma_wait3A_80 = arith.constant 0 : i32
      %dma_wait3A_81 = tpu.memref_slice %arg3[%dma_wait3A_80] : memref<327680xi32, #tpu.memory_space<hbm>> -> memref<128xi32, #tpu.memory_space<hbm>>
      %dma_wait3A_82 = arith.constant 0 : i32
      %dma_wait3A_83 = tpu.memref_slice %arg3[%dma_wait3A_82] : memref<327680xi32, #tpu.memory_space<hbm>> -> memref<128xi32, #tpu.memory_space<hbm>>
      tpu.wait_dma2 semaphore(%arg24 : memref<!tpu.dma_semaphore, #tpu.memory_space<semaphore_mem>>) src(%dma_wait3A_83 : memref<128xi32, #tpu.memory_space<hbm>>) dst(%arg12 : memref<128xi32, #tpu.memory_space<vmem>>)
      %dma_start3A_84 = arith.constant 0 : i32
      %dma_start3A_85 = arith.constant 0 : i32
      %dma_start3A_86 = tpu.memref_slice %arg2[%dma_start3A_84, %dma_start3A_85] : memref<10000x128xf32, #tpu.memory_space<hbm>> -> memref<10000x128xf32, #tpu.memory_space<hbm>>
      tpu.enqueue_indirect_dma source(%dma_start3A_86 : memref<10000x128xf32, #tpu.memory_space<hbm>>) target(%arg19 : memref<128x128xf32, #tpu.memory_space<vmem>>) offsets(%arg12 : memref<128xi32, #tpu.memory_space<vmem>>) semaphore(%arg31 : memref<!tpu.dma_semaphore, #tpu.memory_space<semaphore_mem>>)
      %dma_wait3A_87 = arith.constant 0 : i32
      %dma_wait3A_88 = arith.constant 0 : i32
      %dma_wait3A_89 = tpu.memref_slice %arg2[%dma_wait3A_87, %dma_wait3A_88] : memref<10000x128xf32, #tpu.memory_space<hbm>> -> memref<10000x128xf32, #tpu.memory_space<hbm>>
      tpu.wait_indirect_dma semaphore(%arg30 : memref<!tpu.dma_semaphore, #tpu.memory_space<semaphore_mem>>) src(%dma_wait3A_89 : memref<10000x128xf32, #tpu.memory_space<hbm>>) dst(%arg18 : memref<128x128xf32, #tpu.memory_space<vmem>>)
      %dma_wait3A_90 = arith.constant 0 : i32
      %dma_wait3A_91 = tpu.memref_slice %arg4[%dma_wait3A_90] : memref<327680xi32, #tpu.memory_space<hbm>> -> memref<128xi32, #tpu.memory_space<hbm>>
      %dma_wait3A_92 = arith.constant 0 : i32
      %dma_wait3A_93 = tpu.memref_slice %arg4[%dma_wait3A_92] : memref<327680xi32, #tpu.memory_space<hbm>> -> memref<128xi32, #tpu.memory_space<hbm>>
      tpu.wait_dma2 semaphore(%arg23 : memref<!tpu.dma_semaphore, #tpu.memory_space<semaphore_mem>>) src(%dma_wait3A_93 : memref<128xi32, #tpu.memory_space<hbm>>) dst(%arg11 : memref<128xi32, #tpu.memory_space<vmem>>)
      "tpu.region"() ({
        %run_scoped3A = tpu.sem_alloc : memref<!tpu.dma_semaphore, #tpu.memory_space<semaphore_mem>>
        %dma_start3A_161 = arith.constant 0 : i32
        %dma_start3A_162 = arith.constant 0 : i32
        %dma_start3A_163 = tpu.memref_slice %arg32[%dma_start3A_161, %dma_start3A_162] : memref<10112x128xf32, #tpu.memory_space<vmem_shared>> -> memref<10112x128xf32, #tpu.memory_space<vmem_shared>>
        tpu.enqueue_indirect_dma source(%arg18 : memref<128x128xf32, #tpu.memory_space<vmem>>) target(%dma_start3A_163 : memref<10112x128xf32, #tpu.memory_space<vmem_shared>>) offsets(%arg11 : memref<128xi32, #tpu.memory_space<vmem>>) semaphore(%run_scoped3A : memref<!tpu.dma_semaphore, #tpu.memory_space<semaphore_mem>>) {add = true}
        %dma_wait3A_164 = arith.constant 0 : i32
        %dma_wait3A_165 = arith.constant 0 : i32
        %dma_wait3A_166 = tpu.memref_slice %arg32[%dma_wait3A_164, %dma_wait3A_165] : memref<10112x128xf32, #tpu.memory_space<vmem_shared>> -> memref<10112x128xf32, #tpu.memory_space<vmem_shared>>
        tpu.wait_indirect_dma semaphore(%run_scoped3A : memref<!tpu.dma_semaphore, #tpu.memory_space<semaphore_mem>>) src(%arg18 : memref<128x128xf32, #tpu.memory_space<vmem>>) dst(%dma_wait3A_166 : memref<10112x128xf32, #tpu.memory_space<vmem_shared>>)
        tpu.yield
      }) : () -> ()
      "tpu.region"() ({
        %run_scoped3A = tpu.sem_alloc : memref<!tpu.dma_semaphore, #tpu.memory_space<semaphore_mem>>
        %dma_start3A_161 = arith.constant 0 : i32
        %dma_start3A_162 = tpu.memref_slice %arg33[%dma_start3A_161] : memref<10112xf32, #tpu.memory_space<vmem_shared>> -> memref<10112xf32, #tpu.memory_space<vmem_shared>>
        tpu.enqueue_indirect_dma source(%arg20 : memref<128xf32, #tpu.memory_space<vmem>>) target(%dma_start3A_162 : memref<10112xf32, #tpu.memory_space<vmem_shared>>) offsets(%arg11 : memref<128xi32, #tpu.memory_space<vmem>>) semaphore(%run_scoped3A : memref<!tpu.dma_semaphore, #tpu.memory_space<semaphore_mem>>) {add = true}
        %dma_wait3A_163 = arith.constant 0 : i32
        %dma_wait3A_164 = tpu.memref_slice %arg33[%dma_wait3A_163] : memref<10112xf32, #tpu.memory_space<vmem_shared>> -> memref<10112xf32, #tpu.memory_space<vmem_shared>>
        tpu.wait_indirect_dma semaphore(%run_scoped3A : memref<!tpu.dma_semaphore, #tpu.memory_space<semaphore_mem>>) src(%arg20 : memref<128xf32, #tpu.memory_space<vmem>>) dst(%dma_wait3A_164 : memref<10112xf32, #tpu.memory_space<vmem_shared>>)
        tpu.yield
      }) : () -> ()
      %add3A_94 = arith.constant 4 : i32
      %add3A_95 = arith.addi %mul3A_79, %add3A_94 : i32
      %lt3A = arith.constant 80 : i32
      %lt3A_96 = arith.cmpi slt, %add3A_95, %lt3A : i32
      %convert_element_type3A = arith.extui %lt3A_96 : i1 to i32
      %cond3A = arith.constant 0 : i32
      %cond3A_97 = arith.cmpi ne, %convert_element_type3A, %cond3A : i32
      scf.if %cond3A_97 {
        %add3A_161 = arith.constant 4 : i32
        %add3A_162 = arith.addi %mul3A_79, %add3A_161 : i32
        %add3A_163 = arith.addi %mul3A_2, %add3A_162 : i32
        %mul3A_164 = arith.constant 128 : i32
        %mul3A_165 = arith.muli %add3A_163, %mul3A_164 : i32
        %dma_start3A_166 = tpu.memref_slice %arg3[%mul3A_165] : memref<327680xi32, #tpu.memory_space<hbm>> -> memref<128xi32, #tpu.memory_space<hbm>>
        %dma_start3A_167 = tpu.memref_slice %arg3[%mul3A_165] : memref<327680xi32, #tpu.memory_space<hbm>> -> memref<128xi32, #tpu.memory_space<hbm>>
        tpu.enqueue_dma source(%dma_start3A_167 : memref<128xi32, #tpu.memory_space<hbm>>) target(%arg10 : memref<128xi32, #tpu.memory_space<vmem>>) target_semaphore(%arg22 : memref<!tpu.dma_semaphore, #tpu.memory_space<semaphore_mem>>)
        %add3A_168 = arith.addi %mul3A_2, %add3A_162 : i32
        %mul3A_169 = arith.constant 128 : i32
        %mul3A_170 = arith.muli %add3A_168, %mul3A_169 : i32
        %dma_start3A_171 = tpu.memref_slice %arg4[%mul3A_170] : memref<327680xi32, #tpu.memory_space<hbm>> -> memref<128xi32, #tpu.memory_space<hbm>>
        %dma_start3A_172 = tpu.memref_slice %arg4[%mul3A_170] : memref<327680xi32, #tpu.memory_space<hbm>> -> memref<128xi32, #tpu.memory_space<hbm>>
        tpu.enqueue_dma source(%dma_start3A_172 : memref<128xi32, #tpu.memory_space<hbm>>) target(%arg11 : memref<128xi32, #tpu.memory_space<vmem>>) target_semaphore(%arg23 : memref<!tpu.dma_semaphore, #tpu.memory_space<semaphore_mem>>)
      } else {
      }
      %dma_wait3A_98 = arith.constant 0 : i32
      %dma_wait3A_99 = tpu.memref_slice %arg3[%dma_wait3A_98] : memref<327680xi32, #tpu.memory_space<hbm>> -> memref<128xi32, #tpu.memory_space<hbm>>
      %dma_wait3A_100 = arith.constant 0 : i32
      %dma_wait3A_101 = tpu.memref_slice %arg3[%dma_wait3A_100] : memref<327680xi32, #tpu.memory_space<hbm>> -> memref<128xi32, #tpu.memory_space<hbm>>
      tpu.wait_dma2 semaphore(%arg26 : memref<!tpu.dma_semaphore, #tpu.memory_space<semaphore_mem>>) src(%dma_wait3A_101 : memref<128xi32, #tpu.memory_space<hbm>>) dst(%arg14 : memref<128xi32, #tpu.memory_space<vmem>>)
      %dma_start3A_102 = arith.constant 0 : i32
      %dma_start3A_103 = arith.constant 0 : i32
      %dma_start3A_104 = tpu.memref_slice %arg2[%dma_start3A_102, %dma_start3A_103] : memref<10000x128xf32, #tpu.memory_space<hbm>> -> memref<10000x128xf32, #tpu.memory_space<hbm>>
      tpu.enqueue_indirect_dma source(%dma_start3A_104 : memref<10000x128xf32, #tpu.memory_space<hbm>>) target(%arg18 : memref<128x128xf32, #tpu.memory_space<vmem>>) offsets(%arg14 : memref<128xi32, #tpu.memory_space<vmem>>) semaphore(%arg30 : memref<!tpu.dma_semaphore, #tpu.memory_space<semaphore_mem>>)
      %dma_wait3A_105 = arith.constant 0 : i32
      %dma_wait3A_106 = arith.constant 0 : i32
      %dma_wait3A_107 = tpu.memref_slice %arg2[%dma_wait3A_105, %dma_wait3A_106] : memref<10000x128xf32, #tpu.memory_space<hbm>> -> memref<10000x128xf32, #tpu.memory_space<hbm>>
      tpu.wait_indirect_dma semaphore(%arg31 : memref<!tpu.dma_semaphore, #tpu.memory_space<semaphore_mem>>) src(%dma_wait3A_107 : memref<10000x128xf32, #tpu.memory_space<hbm>>) dst(%arg19 : memref<128x128xf32, #tpu.memory_space<vmem>>)
      %dma_wait3A_108 = arith.constant 0 : i32
      %dma_wait3A_109 = tpu.memref_slice %arg4[%dma_wait3A_108] : memref<327680xi32, #tpu.memory_space<hbm>> -> memref<128xi32, #tpu.memory_space<hbm>>
      %dma_wait3A_110 = arith.constant 0 : i32
      %dma_wait3A_111 = tpu.memref_slice %arg4[%dma_wait3A_110] : memref<327680xi32, #tpu.memory_space<hbm>> -> memref<128xi32, #tpu.memory_space<hbm>>
      tpu.wait_dma2 semaphore(%arg25 : memref<!tpu.dma_semaphore, #tpu.memory_space<semaphore_mem>>) src(%dma_wait3A_111 : memref<128xi32, #tpu.memory_space<hbm>>) dst(%arg13 : memref<128xi32, #tpu.memory_space<vmem>>)
      "tpu.region"() ({
        %run_scoped3A = tpu.sem_alloc : memref<!tpu.dma_semaphore, #tpu.memory_space<semaphore_mem>>
        %dma_start3A_161 = arith.constant 0 : i32
        %dma_start3A_162 = arith.constant 0 : i32
        %dma_start3A_163 = tpu.memref_slice %arg32[%dma_start3A_161, %dma_start3A_162] : memref<10112x128xf32, #tpu.memory_space<vmem_shared>> -> memref<10112x128xf32, #tpu.memory_space<vmem_shared>>
        tpu.enqueue_indirect_dma source(%arg19 : memref<128x128xf32, #tpu.memory_space<vmem>>) target(%dma_start3A_163 : memref<10112x128xf32, #tpu.memory_space<vmem_shared>>) offsets(%arg13 : memref<128xi32, #tpu.memory_space<vmem>>) semaphore(%run_scoped3A : memref<!tpu.dma_semaphore, #tpu.memory_space<semaphore_mem>>) {add = true}
        %dma_wait3A_164 = arith.constant 0 : i32
        %dma_wait3A_165 = arith.constant 0 : i32
        %dma_wait3A_166 = tpu.memref_slice %arg32[%dma_wait3A_164, %dma_wait3A_165] : memref<10112x128xf32, #tpu.memory_space<vmem_shared>> -> memref<10112x128xf32, #tpu.memory_space<vmem_shared>>
        tpu.wait_indirect_dma semaphore(%run_scoped3A : memref<!tpu.dma_semaphore, #tpu.memory_space<semaphore_mem>>) src(%arg19 : memref<128x128xf32, #tpu.memory_space<vmem>>) dst(%dma_wait3A_166 : memref<10112x128xf32, #tpu.memory_space<vmem_shared>>)
        tpu.yield
      }) : () -> ()
      "tpu.region"() ({
        %run_scoped3A = tpu.sem_alloc : memref<!tpu.dma_semaphore, #tpu.memory_space<semaphore_mem>>
        %dma_start3A_161 = arith.constant 0 : i32
        %dma_start3A_162 = tpu.memref_slice %arg33[%dma_start3A_161] : memref<10112xf32, #tpu.memory_space<vmem_shared>> -> memref<10112xf32, #tpu.memory_space<vmem_shared>>
        tpu.enqueue_indirect_dma source(%arg20 : memref<128xf32, #tpu.memory_space<vmem>>) target(%dma_start3A_162 : memref<10112xf32, #tpu.memory_space<vmem_shared>>) offsets(%arg13 : memref<128xi32, #tpu.memory_space<vmem>>) semaphore(%run_scoped3A : memref<!tpu.dma_semaphore, #tpu.memory_space<semaphore_mem>>) {add = true}
        %dma_wait3A_163 = arith.constant 0 : i32
        %dma_wait3A_164 = tpu.memref_slice %arg33[%dma_wait3A_163] : memref<10112xf32, #tpu.memory_space<vmem_shared>> -> memref<10112xf32, #tpu.memory_space<vmem_shared>>
        tpu.wait_indirect_dma semaphore(%run_scoped3A : memref<!tpu.dma_semaphore, #tpu.memory_space<semaphore_mem>>) src(%arg20 : memref<128xf32, #tpu.memory_space<vmem>>) dst(%dma_wait3A_164 : memref<10112xf32, #tpu.memory_space<vmem_shared>>)
        tpu.yield
      }) : () -> ()
      %add3A_112 = arith.constant 5 : i32
      %add3A_113 = arith.addi %mul3A_79, %add3A_112 : i32
      %lt3A_114 = arith.constant 80 : i32
      %lt3A_115 = arith.cmpi slt, %add3A_113, %lt3A_114 : i32
      %convert_element_type3A_116 = arith.extui %lt3A_115 : i1 to i32
      %cond3A_117 = arith.constant 0 : i32
      %cond3A_118 = arith.cmpi ne, %convert_element_type3A_116, %cond3A_117 : i32
      scf.if %cond3A_118 {
        %add3A_161 = arith.constant 5 : i32
        %add3A_162 = arith.addi %mul3A_79, %add3A_161 : i32
        %add3A_163 = arith.addi %mul3A_2, %add3A_162 : i32
        %mul3A_164 = arith.constant 128 : i32
        %mul3A_165 = arith.muli %add3A_163, %mul3A_164 : i32
        %dma_start3A_166 = tpu.memref_slice %arg3[%mul3A_165] : memref<327680xi32, #tpu.memory_space<hbm>> -> memref<128xi32, #tpu.memory_space<hbm>>
        %dma_start3A_167 = tpu.memref_slice %arg3[%mul3A_165] : memref<327680xi32, #tpu.memory_space<hbm>> -> memref<128xi32, #tpu.memory_space<hbm>>
        tpu.enqueue_dma source(%dma_start3A_167 : memref<128xi32, #tpu.memory_space<hbm>>) target(%arg12 : memref<128xi32, #tpu.memory_space<vmem>>) target_semaphore(%arg24 : memref<!tpu.dma_semaphore, #tpu.memory_space<semaphore_mem>>)
        %add3A_168 = arith.addi %mul3A_2, %add3A_162 : i32
        %mul3A_169 = arith.constant 128 : i32
        %mul3A_170 = arith.muli %add3A_168, %mul3A_169 : i32
        %dma_start3A_171 = tpu.memref_slice %arg4[%mul3A_170] : memref<327680xi32, #tpu.memory_space<hbm>> -> memref<128xi32, #tpu.memory_space<hbm>>
        %dma_start3A_172 = tpu.memref_slice %arg4[%mul3A_170] : memref<327680xi32, #tpu.memory_space<hbm>> -> memref<128xi32, #tpu.memory_space<hbm>>
        tpu.enqueue_dma source(%dma_start3A_172 : memref<128xi32, #tpu.memory_space<hbm>>) target(%arg13 : memref<128xi32, #tpu.memory_space<vmem>>) target_semaphore(%arg25 : memref<!tpu.dma_semaphore, #tpu.memory_space<semaphore_mem>>)
      } else {
      }
      %dma_wait3A_119 = arith.constant 0 : i32
      %dma_wait3A_120 = tpu.memref_slice %arg3[%dma_wait3A_119] : memref<327680xi32, #tpu.memory_space<hbm>> -> memref<128xi32, #tpu.memory_space<hbm>>
      %dma_wait3A_121 = arith.constant 0 : i32
      %dma_wait3A_122 = tpu.memref_slice %arg3[%dma_wait3A_121] : memref<327680xi32, #tpu.memory_space<hbm>> -> memref<128xi32, #tpu.memory_space<hbm>>
      tpu.wait_dma2 semaphore(%arg28 : memref<!tpu.dma_semaphore, #tpu.memory_space<semaphore_mem>>) src(%dma_wait3A_122 : memref<128xi32, #tpu.memory_space<hbm>>) dst(%arg16 : memref<128xi32, #tpu.memory_space<vmem>>)
      %dma_start3A_123 = arith.constant 0 : i32
      %dma_start3A_124 = arith.constant 0 : i32
      %dma_start3A_125 = tpu.memref_slice %arg2[%dma_start3A_123, %dma_start3A_124] : memref<10000x128xf32, #tpu.memory_space<hbm>> -> memref<10000x128xf32, #tpu.memory_space<hbm>>
      tpu.enqueue_indirect_dma source(%dma_start3A_125 : memref<10000x128xf32, #tpu.memory_space<hbm>>) target(%arg19 : memref<128x128xf32, #tpu.memory_space<vmem>>) offsets(%arg16 : memref<128xi32, #tpu.memory_space<vmem>>) semaphore(%arg31 : memref<!tpu.dma_semaphore, #tpu.memory_space<semaphore_mem>>)
      %dma_wait3A_126 = arith.constant 0 : i32
      %dma_wait3A_127 = arith.constant 0 : i32
      %dma_wait3A_128 = tpu.memref_slice %arg2[%dma_wait3A_126, %dma_wait3A_127] : memref<10000x128xf32, #tpu.memory_space<hbm>> -> memref<10000x128xf32, #tpu.memory_space<hbm>>
      tpu.wait_indirect_dma semaphore(%arg30 : memref<!tpu.dma_semaphore, #tpu.memory_space<semaphore_mem>>) src(%dma_wait3A_128 : memref<10000x128xf32, #tpu.memory_space<hbm>>) dst(%arg18 : memref<128x128xf32, #tpu.memory_space<vmem>>)
      %dma_wait3A_129 = arith.constant 0 : i32
      %dma_wait3A_130 = tpu.memref_slice %arg4[%dma_wait3A_129] : memref<327680xi32, #tpu.memory_space<hbm>> -> memref<128xi32, #tpu.memory_space<hbm>>
      %dma_wait3A_131 = arith.constant 0 : i32
      %dma_wait3A_132 = tpu.memref_slice %arg4[%dma_wait3A_131] : memref<327680xi32, #tpu.memory_space<hbm>> -> memref<128xi32, #tpu.memory_space<hbm>>
      tpu.wait_dma2 semaphore(%arg27 : memref<!tpu.dma_semaphore, #tpu.memory_space<semaphore_mem>>) src(%dma_wait3A_132 : memref<128xi32, #tpu.memory_space<hbm>>) dst(%arg15 : memref<128xi32, #tpu.memory_space<vmem>>)
      "tpu.region"() ({
        %run_scoped3A = tpu.sem_alloc : memref<!tpu.dma_semaphore, #tpu.memory_space<semaphore_mem>>
        %dma_start3A_161 = arith.constant 0 : i32
        %dma_start3A_162 = arith.constant 0 : i32
        %dma_start3A_163 = tpu.memref_slice %arg32[%dma_start3A_161, %dma_start3A_162] : memref<10112x128xf32, #tpu.memory_space<vmem_shared>> -> memref<10112x128xf32, #tpu.memory_space<vmem_shared>>
        tpu.enqueue_indirect_dma source(%arg18 : memref<128x128xf32, #tpu.memory_space<vmem>>) target(%dma_start3A_163 : memref<10112x128xf32, #tpu.memory_space<vmem_shared>>) offsets(%arg15 : memref<128xi32, #tpu.memory_space<vmem>>) semaphore(%run_scoped3A : memref<!tpu.dma_semaphore, #tpu.memory_space<semaphore_mem>>) {add = true}
        %dma_wait3A_164 = arith.constant 0 : i32
        %dma_wait3A_165 = arith.constant 0 : i32
        %dma_wait3A_166 = tpu.memref_slice %arg32[%dma_wait3A_164, %dma_wait3A_165] : memref<10112x128xf32, #tpu.memory_space<vmem_shared>> -> memref<10112x128xf32, #tpu.memory_space<vmem_shared>>
        tpu.wait_indirect_dma semaphore(%run_scoped3A : memref<!tpu.dma_semaphore, #tpu.memory_space<semaphore_mem>>) src(%arg18 : memref<128x128xf32, #tpu.memory_space<vmem>>) dst(%dma_wait3A_166 : memref<10112x128xf32, #tpu.memory_space<vmem_shared>>)
        tpu.yield
      }) : () -> ()
      "tpu.region"() ({
        %run_scoped3A = tpu.sem_alloc : memref<!tpu.dma_semaphore, #tpu.memory_space<semaphore_mem>>
        %dma_start3A_161 = arith.constant 0 : i32
        %dma_start3A_162 = tpu.memref_slice %arg33[%dma_start3A_161] : memref<10112xf32, #tpu.memory_space<vmem_shared>> -> memref<10112xf32, #tpu.memory_space<vmem_shared>>
        tpu.enqueue_indirect_dma source(%arg20 : memref<128xf32, #tpu.memory_space<vmem>>) target(%dma_start3A_162 : memref<10112xf32, #tpu.memory_space<vmem_shared>>) offsets(%arg15 : memref<128xi32, #tpu.memory_space<vmem>>) semaphore(%run_scoped3A : memref<!tpu.dma_semaphore, #tpu.memory_space<semaphore_mem>>) {add = true}
        %dma_wait3A_163 = arith.constant 0 : i32
        %dma_wait3A_164 = tpu.memref_slice %arg33[%dma_wait3A_163] : memref<10112xf32, #tpu.memory_space<vmem_shared>> -> memref<10112xf32, #tpu.memory_space<vmem_shared>>
        tpu.wait_indirect_dma semaphore(%run_scoped3A : memref<!tpu.dma_semaphore, #tpu.memory_space<semaphore_mem>>) src(%arg20 : memref<128xf32, #tpu.memory_space<vmem>>) dst(%dma_wait3A_164 : memref<10112xf32, #tpu.memory_space<vmem_shared>>)
        tpu.yield
      }) : () -> ()
      %add3A_133 = arith.constant 6 : i32
      %add3A_134 = arith.addi %mul3A_79, %add3A_133 : i32
      %lt3A_135 = arith.constant 80 : i32
      %lt3A_136 = arith.cmpi slt, %add3A_134, %lt3A_135 : i32
      %convert_element_type3A_137 = arith.extui %lt3A_136 : i1 to i32
      %cond3A_138 = arith.constant 0 : i32
      %cond3A_139 = arith.cmpi ne, %convert_element_type3A_137, %cond3A_138 : i32
      scf.if %cond3A_139 {
        %add3A_161 = arith.constant 6 : i32
        %add3A_162 = arith.addi %mul3A_79, %add3A_161 : i32
        %add3A_163 = arith.addi %mul3A_2, %add3A_162 : i32
        %mul3A_164 = arith.constant 128 : i32
        %mul3A_165 = arith.muli %add3A_163, %mul3A_164 : i32
        %dma_start3A_166 = tpu.memref_slice %arg3[%mul3A_165] : memref<327680xi32, #tpu.memory_space<hbm>> -> memref<128xi32, #tpu.memory_space<hbm>>
        %dma_start3A_167 = tpu.memref_slice %arg3[%mul3A_165] : memref<327680xi32, #tpu.memory_space<hbm>> -> memref<128xi32, #tpu.memory_space<hbm>>
        tpu.enqueue_dma source(%dma_start3A_167 : memref<128xi32, #tpu.memory_space<hbm>>) target(%arg14 : memref<128xi32, #tpu.memory_space<vmem>>) target_semaphore(%arg26 : memref<!tpu.dma_semaphore, #tpu.memory_space<semaphore_mem>>)
        %add3A_168 = arith.addi %mul3A_2, %add3A_162 : i32
        %mul3A_169 = arith.constant 128 : i32
        %mul3A_170 = arith.muli %add3A_168, %mul3A_169 : i32
        %dma_start3A_171 = tpu.memref_slice %arg4[%mul3A_170] : memref<327680xi32, #tpu.memory_space<hbm>> -> memref<128xi32, #tpu.memory_space<hbm>>
        %dma_start3A_172 = tpu.memref_slice %arg4[%mul3A_170] : memref<327680xi32, #tpu.memory_space<hbm>> -> memref<128xi32, #tpu.memory_space<hbm>>
        tpu.enqueue_dma source(%dma_start3A_172 : memref<128xi32, #tpu.memory_space<hbm>>) target(%arg15 : memref<128xi32, #tpu.memory_space<vmem>>) target_semaphore(%arg27 : memref<!tpu.dma_semaphore, #tpu.memory_space<semaphore_mem>>)
      } else {
      }
      %add3A_140 = arith.constant 4 : i32
      %add3A_141 = arith.addi %mul3A_79, %add3A_140 : i32
      %lt3A_142 = arith.constant 80 : i32
      %lt3A_143 = arith.cmpi slt, %add3A_141, %lt3A_142 : i32
      %convert_element_type3A_144 = arith.extui %lt3A_143 : i1 to i32
      %cond3A_145 = arith.constant 0 : i32
      %cond3A_146 = arith.cmpi ne, %convert_element_type3A_144, %cond3A_145 : i32
      scf.if %cond3A_146 {
        %dma_wait3A_161 = arith.constant 0 : i32
        %dma_wait3A_162 = tpu.memref_slice %arg3[%dma_wait3A_161] : memref<327680xi32, #tpu.memory_space<hbm>> -> memref<128xi32, #tpu.memory_space<hbm>>
        %dma_wait3A_163 = arith.constant 0 : i32
        %dma_wait3A_164 = tpu.memref_slice %arg3[%dma_wait3A_163] : memref<327680xi32, #tpu.memory_space<hbm>> -> memref<128xi32, #tpu.memory_space<hbm>>
        tpu.wait_dma2 semaphore(%arg22 : memref<!tpu.dma_semaphore, #tpu.memory_space<semaphore_mem>>) src(%dma_wait3A_164 : memref<128xi32, #tpu.memory_space<hbm>>) dst(%arg10 : memref<128xi32, #tpu.memory_space<vmem>>)
        %dma_start3A_165 = arith.constant 0 : i32
        %dma_start3A_166 = arith.constant 0 : i32
        %dma_start3A_167 = tpu.memref_slice %arg2[%dma_start3A_165, %dma_start3A_166] : memref<10000x128xf32, #tpu.memory_space<hbm>> -> memref<10000x128xf32, #tpu.memory_space<hbm>>
        tpu.enqueue_indirect_dma source(%dma_start3A_167 : memref<10000x128xf32, #tpu.memory_space<hbm>>) target(%arg18 : memref<128x128xf32, #tpu.memory_space<vmem>>) offsets(%arg10 : memref<128xi32, #tpu.memory_space<vmem>>) semaphore(%arg30 : memref<!tpu.dma_semaphore, #tpu.memory_space<semaphore_mem>>)
      } else {
      }
      %dma_wait3A_147 = arith.constant 0 : i32
      %dma_wait3A_148 = arith.constant 0 : i32
      %dma_wait3A_149 = tpu.memref_slice %arg2[%dma_wait3A_147, %dma_wait3A_148] : memref<10000x128xf32, #tpu.memory_space<hbm>> -> memref<10000x128xf32, #tpu.memory_space<hbm>>
      tpu.wait_indirect_dma semaphore(%arg31 : memref<!tpu.dma_semaphore, #tpu.memory_space<semaphore_mem>>) src(%dma_wait3A_149 : memref<10000x128xf32, #tpu.memory_space<hbm>>) dst(%arg19 : memref<128x128xf32, #tpu.memory_space<vmem>>)
      %dma_wait3A_150 = arith.constant 0 : i32
      %dma_wait3A_151 = tpu.memref_slice %arg4[%dma_wait3A_150] : memref<327680xi32, #tpu.memory_space<hbm>> -> memref<128xi32, #tpu.memory_space<hbm>>
      %dma_wait3A_152 = arith.constant 0 : i32
      %dma_wait3A_153 = tpu.memref_slice %arg4[%dma_wait3A_152] : memref<327680xi32, #tpu.memory_space<hbm>> -> memref<128xi32, #tpu.memory_space<hbm>>
      tpu.wait_dma2 semaphore(%arg29 : memref<!tpu.dma_semaphore, #tpu.memory_space<semaphore_mem>>) src(%dma_wait3A_153 : memref<128xi32, #tpu.memory_space<hbm>>) dst(%arg17 : memref<128xi32, #tpu.memory_space<vmem>>)
      "tpu.region"() ({
        %run_scoped3A = tpu.sem_alloc : memref<!tpu.dma_semaphore, #tpu.memory_space<semaphore_mem>>
        %dma_start3A_161 = arith.constant 0 : i32
        %dma_start3A_162 = arith.constant 0 : i32
        %dma_start3A_163 = tpu.memref_slice %arg32[%dma_start3A_161, %dma_start3A_162] : memref<10112x128xf32, #tpu.memory_space<vmem_shared>> -> memref<10112x128xf32, #tpu.memory_space<vmem_shared>>
        tpu.enqueue_indirect_dma source(%arg19 : memref<128x128xf32, #tpu.memory_space<vmem>>) target(%dma_start3A_163 : memref<10112x128xf32, #tpu.memory_space<vmem_shared>>) offsets(%arg17 : memref<128xi32, #tpu.memory_space<vmem>>) semaphore(%run_scoped3A : memref<!tpu.dma_semaphore, #tpu.memory_space<semaphore_mem>>) {add = true}
        %dma_wait3A_164 = arith.constant 0 : i32
        %dma_wait3A_165 = arith.constant 0 : i32
        %dma_wait3A_166 = tpu.memref_slice %arg32[%dma_wait3A_164, %dma_wait3A_165] : memref<10112x128xf32, #tpu.memory_space<vmem_shared>> -> memref<10112x128xf32, #tpu.memory_space<vmem_shared>>
        tpu.wait_indirect_dma semaphore(%run_scoped3A : memref<!tpu.dma_semaphore, #tpu.memory_space<semaphore_mem>>) src(%arg19 : memref<128x128xf32, #tpu.memory_space<vmem>>) dst(%dma_wait3A_166 : memref<10112x128xf32, #tpu.memory_space<vmem_shared>>)
        tpu.yield
      }) : () -> ()
      "tpu.region"() ({
        %run_scoped3A = tpu.sem_alloc : memref<!tpu.dma_semaphore, #tpu.memory_space<semaphore_mem>>
        %dma_start3A_161 = arith.constant 0 : i32
        %dma_start3A_162 = tpu.memref_slice %arg33[%dma_start3A_161] : memref<10112xf32, #tpu.memory_space<vmem_shared>> -> memref<10112xf32, #tpu.memory_space<vmem_shared>>
        tpu.enqueue_indirect_dma source(%arg20 : memref<128xf32, #tpu.memory_space<vmem>>) target(%dma_start3A_162 : memref<10112xf32, #tpu.memory_space<vmem_shared>>) offsets(%arg17 : memref<128xi32, #tpu.memory_space<vmem>>) semaphore(%run_scoped3A : memref<!tpu.dma_semaphore, #tpu.memory_space<semaphore_mem>>) {add = true}
        %dma_wait3A_163 = arith.constant 0 : i32
        %dma_wait3A_164 = tpu.memref_slice %arg33[%dma_wait3A_163] : memref<10112xf32, #tpu.memory_space<vmem_shared>> -> memref<10112xf32, #tpu.memory_space<vmem_shared>>
        tpu.wait_indirect_dma semaphore(%run_scoped3A : memref<!tpu.dma_semaphore, #tpu.memory_space<semaphore_mem>>) src(%arg20 : memref<128xf32, #tpu.memory_space<vmem>>) dst(%dma_wait3A_164 : memref<10112xf32, #tpu.memory_space<vmem_shared>>)
        tpu.yield
      }) : () -> ()
      %add3A_154 = arith.constant 7 : i32
      %add3A_155 = arith.addi %mul3A_79, %add3A_154 : i32
      %lt3A_156 = arith.constant 80 : i32
      %lt3A_157 = arith.cmpi slt, %add3A_155, %lt3A_156 : i32
      %convert_element_type3A_158 = arith.extui %lt3A_157 : i1 to i32
      %cond3A_159 = arith.constant 0 : i32
      %cond3A_160 = arith.cmpi ne, %convert_element_type3A_158, %cond3A_159 : i32
      scf.if %cond3A_160 {
        %add3A_161 = arith.constant 7 : i32
        %add3A_162 = arith.addi %mul3A_79, %add3A_161 : i32
        %add3A_163 = arith.addi %mul3A_2, %add3A_162 : i32
        %mul3A_164 = arith.constant 128 : i32
        %mul3A_165 = arith.muli %add3A_163, %mul3A_164 : i32
        %dma_start3A_166 = tpu.memref_slice %arg3[%mul3A_165] : memref<327680xi32, #tpu.memory_space<hbm>> -> memref<128xi32, #tpu.memory_space<hbm>>
        %dma_start3A_167 = tpu.memref_slice %arg3[%mul3A_165] : memref<327680xi32, #tpu.memory_space<hbm>> -> memref<128xi32, #tpu.memory_space<hbm>>
        tpu.enqueue_dma source(%dma_start3A_167 : memref<128xi32, #tpu.memory_space<hbm>>) target(%arg16 : memref<128xi32, #tpu.memory_space<vmem>>) target_semaphore(%arg28 : memref<!tpu.dma_semaphore, #tpu.memory_space<semaphore_mem>>)
        %add3A_168 = arith.addi %mul3A_2, %add3A_162 : i32
        %mul3A_169 = arith.constant 128 : i32
        %mul3A_170 = arith.muli %add3A_168, %mul3A_169 : i32
        %dma_start3A_171 = tpu.memref_slice %arg4[%mul3A_170] : memref<327680xi32, #tpu.memory_space<hbm>> -> memref<128xi32, #tpu.memory_space<hbm>>
        %dma_start3A_172 = tpu.memref_slice %arg4[%mul3A_170] : memref<327680xi32, #tpu.memory_space<hbm>> -> memref<128xi32, #tpu.memory_space<hbm>>
        tpu.enqueue_dma source(%dma_start3A_172 : memref<128xi32, #tpu.memory_space<hbm>>) target(%arg17 : memref<128xi32, #tpu.memory_space<vmem>>) target_semaphore(%arg29 : memref<!tpu.dma_semaphore, #tpu.memory_space<semaphore_mem>>)
      } else {
      }
    }
    %scan3A_64 = arith.constant 20 : i32
    %barrier3A_65 = arith.constant 0 : index
    tpu.barrier barrier_id(%barrier3A_65)
    %mul3A_66 = arith.constant 632 : i32
    %mul3A_67 = arith.muli %arg1, %mul3A_66 : i32
    %mul3A_68 = arith.constant 632 : i32
    %mul3A_69 = arith.muli %arg1, %mul3A_68 : i32
    "tpu.region"() ({
      %run_scoped3A = tpu.sem_alloc : memref<!tpu.dma_semaphore, #tpu.memory_space<semaphore_mem>>
      %dma_start3A_77 = arith.constant 0 : i32
      %dma_start3A_78 = tpu.memref_slice %arg8[%arg0, %mul3A_69, %dma_start3A_77] : memref<2x10112x128xf32, #tpu.memory_space<hbm>> -> memref<1x632x128xf32, #tpu.memory_space<hbm>>
      %dma_start3A_79 = tpu.memref_squeeze %dma_start3A_78 : memref<1x632x128xf32, #tpu.memory_space<hbm>> -> memref<632x128xf32, #tpu.memory_space<hbm>>
      %dma_start3A_80 = arith.constant 0 : i32
      %dma_start3A_81 = tpu.memref_slice %arg32[%mul3A_67, %dma_start3A_80] : memref<10112x128xf32, #tpu.memory_space<vmem_shared>> -> memref<632x128xf32, #tpu.memory_space<vmem_shared>>
      tpu.enqueue_dma source(%dma_start3A_81 : memref<632x128xf32, #tpu.memory_space<vmem_shared>>) target(%dma_start3A_79 : memref<632x128xf32, #tpu.memory_space<hbm>>) target_semaphore(%run_scoped3A : memref<!tpu.dma_semaphore, #tpu.memory_space<semaphore_mem>>)
      %dma_wait3A_82 = arith.constant 0 : i32
      %dma_wait3A_83 = tpu.memref_slice %arg8[%arg0, %mul3A_69, %dma_wait3A_82] : memref<2x10112x128xf32, #tpu.memory_space<hbm>> -> memref<1x632x128xf32, #tpu.memory_space<hbm>>
      %dma_wait3A_84 = tpu.memref_squeeze %dma_wait3A_83 : memref<1x632x128xf32, #tpu.memory_space<hbm>> -> memref<632x128xf32, #tpu.memory_space<hbm>>
      %dma_wait3A_85 = arith.constant 0 : i32
      %dma_wait3A_86 = tpu.memref_slice %arg32[%mul3A_67, %dma_wait3A_85] : memref<10112x128xf32, #tpu.memory_space<vmem_shared>> -> memref<632x128xf32, #tpu.memory_space<vmem_shared>>
      tpu.wait_dma2 semaphore(%run_scoped3A : memref<!tpu.dma_semaphore, #tpu.memory_space<semaphore_mem>>) src(%dma_wait3A_86 : memref<632x128xf32, #tpu.memory_space<vmem_shared>>) dst(%dma_wait3A_84 : memref<632x128xf32, #tpu.memory_space<hbm>>)
      tpu.yield
    }) : () -> ()
    %mul3A_70 = arith.constant 632 : i32
    %mul3A_71 = arith.muli %arg1, %mul3A_70 : i32
    "tpu.region"() ({
      %run_scoped3A = tpu.sem_alloc : memref<!tpu.dma_semaphore, #tpu.memory_space<semaphore_mem>>
      %dma_start3A_77 = tpu.memref_slice %arg33[%mul3A_71] : memref<10112xf32, #tpu.memory_space<vmem_shared>> -> memref<632xf32, #tpu.memory_space<vmem_shared>>
      %dma_start3A_78 = tpu.memref_slice %arg33[%mul3A_71] : memref<10112xf32, #tpu.memory_space<vmem_shared>> -> memref<632xf32, #tpu.memory_space<vmem_shared>>
      tpu.enqueue_dma source(%dma_start3A_78 : memref<632xf32, #tpu.memory_space<vmem_shared>>) target(%arg21 : memref<632xf32, #tpu.memory_space<vmem>>) target_semaphore(%run_scoped3A : memref<!tpu.dma_semaphore, #tpu.memory_space<semaphore_mem>>)
      %dma_wait3A_79 = tpu.memref_slice %arg33[%mul3A_71] : memref<10112xf32, #tpu.memory_space<vmem_shared>> -> memref<632xf32, #tpu.memory_space<vmem_shared>>
      %dma_wait3A_80 = tpu.memref_slice %arg33[%mul3A_71] : memref<10112xf32, #tpu.memory_space<vmem_shared>> -> memref<632xf32, #tpu.memory_space<vmem_shared>>
      tpu.wait_dma2 semaphore(%run_scoped3A : memref<!tpu.dma_semaphore, #tpu.memory_space<semaphore_mem>>) src(%dma_wait3A_80 : memref<632xf32, #tpu.memory_space<vmem_shared>>) dst(%arg21 : memref<632xf32, #tpu.memory_space<vmem>>)
      tpu.yield
    }) : () -> ()
    %mul3A_72 = arith.constant 10112 : i32
    %mul3A_73 = arith.muli %arg0, %mul3A_72 : i32
    %mul3A_74 = arith.constant 632 : i32
    %mul3A_75 = arith.muli %arg1, %mul3A_74 : i32
    %add3A_76 = arith.addi %mul3A_73, %mul3A_75 : i32
    "tpu.region"() ({
      %run_scoped3A = tpu.sem_alloc : memref<!tpu.dma_semaphore, #tpu.memory_space<semaphore_mem>>
      %dma_start3A_77 = tpu.memref_slice %arg9[%add3A_76] : memref<20224xf32, #tpu.memory_space<hbm>> -> memref<632xf32, #tpu.memory_space<hbm>>
      %dma_start3A_78 = tpu.memref_slice %arg9[%add3A_76] : memref<20224xf32, #tpu.memory_space<hbm>> -> memref<632xf32, #tpu.memory_space<hbm>>
      tpu.enqueue_dma source(%arg21 : memref<632xf32, #tpu.memory_space<vmem>>) target(%dma_start3A_78 : memref<632xf32, #tpu.memory_space<hbm>>) target_semaphore(%run_scoped3A : memref<!tpu.dma_semaphore, #tpu.memory_space<semaphore_mem>>)
      %dma_wait3A_79 = tpu.memref_slice %arg9[%add3A_76] : memref<20224xf32, #tpu.memory_space<hbm>> -> memref<632xf32, #tpu.memory_space<hbm>>
      %dma_wait3A_80 = tpu.memref_slice %arg9[%add3A_76] : memref<20224xf32, #tpu.memory_space<hbm>> -> memref<632xf32, #tpu.memory_space<hbm>>
      tpu.wait_dma2 semaphore(%run_scoped3A : memref<!tpu.dma_semaphore, #tpu.memory_space<semaphore_mem>>) src(%arg21 : memref<632xf32, #tpu.memory_space<vmem>>) dst(%dma_wait3A_80 : memref<632xf32, #tpu.memory_space<hbm>>)
      tpu.yield
    }) : () -> ()
    return
  }
}

#map = affine_map<(d0, d1) -> (0)>
module attributes {stable_mosaic.version = 14 : i64} {
  func.func @_final_body(%arg0: i32, %arg1: i32, %arg2: memref<10000xf32, #tpu.memory_space<hbm>>, %arg3: memref<10000xf32, #tpu.memory_space<hbm>>, %arg4: memref<100352xi32, #tpu.memory_space<hbm>>, %arg5: memref<100352xi32, #tpu.memory_space<hbm>>, %arg6: memref<16xf32, #tpu.memory_space<hbm>>, %arg7: memref<100352xf32, #tpu.memory_space<hbm>>, %arg8: memref<10000xf32, #tpu.memory_space<vmem>>, %arg9: memref<10000xf32, #tpu.memory_space<vmem>>, %arg10: memref<3136xi32, #tpu.memory_space<vmem>>, %arg11: memref<3136xi32, #tpu.memory_space<vmem>>, %arg12: memref<3136xf32, #tpu.memory_space<vmem>>, %arg13: memref<16xf32, #tpu.memory_space<vmem>>) attributes {dimension_semantics = [#tpu.dimension_semantics<core_parallel>, #tpu.dimension_semantics<subcore_parallel>], iteration_bounds = array<i64: 2, 16>, scalar_prefetch = 0 : i64, scratch_operands = 6 : i64, tpu.core_type = #tpu.core_type<sc_vector_subcore>, window_params = [{transform_indices = #map}, {transform_indices = #map}, {transform_indices = #map}, {transform_indices = #map}, {transform_indices = #map}, {transform_indices = #map}]} {
    %mul3A = arith.constant 2 : i32
    %mul3A_0 = arith.muli %arg1, %mul3A : i32
    %add3A = arith.addi %mul3A_0, %arg0 : i32
    "tpu.region"() ({
      %run_scoped3A = tpu.sem_alloc : memref<!tpu.dma_semaphore, #tpu.memory_space<semaphore_mem>>
      tpu.enqueue_dma source(%arg2 : memref<10000xf32, #tpu.memory_space<hbm>>) target(%arg8 : memref<10000xf32, #tpu.memory_space<vmem>>) target_semaphore(%run_scoped3A : memref<!tpu.dma_semaphore, #tpu.memory_space<semaphore_mem>>)
      tpu.wait_dma2 semaphore(%run_scoped3A : memref<!tpu.dma_semaphore, #tpu.memory_space<semaphore_mem>>) src(%arg2 : memref<10000xf32, #tpu.memory_space<hbm>>) dst(%arg8 : memref<10000xf32, #tpu.memory_space<vmem>>)
      tpu.yield
    }) : () -> ()
    "tpu.region"() ({
      %run_scoped3A = tpu.sem_alloc : memref<!tpu.dma_semaphore, #tpu.memory_space<semaphore_mem>>
      tpu.enqueue_dma source(%arg3 : memref<10000xf32, #tpu.memory_space<hbm>>) target(%arg9 : memref<10000xf32, #tpu.memory_space<vmem>>) target_semaphore(%run_scoped3A : memref<!tpu.dma_semaphore, #tpu.memory_space<semaphore_mem>>)
      tpu.wait_dma2 semaphore(%run_scoped3A : memref<!tpu.dma_semaphore, #tpu.memory_space<semaphore_mem>>) src(%arg3 : memref<10000xf32, #tpu.memory_space<hbm>>) dst(%arg9 : memref<10000xf32, #tpu.memory_space<vmem>>)
      tpu.yield
    }) : () -> ()
    %mul3A_1 = arith.constant 3136 : i32
    %mul3A_2 = arith.muli %add3A, %mul3A_1 : i32
    "tpu.region"() ({
      %run_scoped3A = tpu.sem_alloc : memref<!tpu.dma_semaphore, #tpu.memory_space<semaphore_mem>>
      %dma_start3A = tpu.memref_slice %arg4[%mul3A_2] : memref<100352xi32, #tpu.memory_space<hbm>> -> memref<3136xi32, #tpu.memory_space<hbm>>
      %dma_start3A_13 = tpu.memref_slice %arg4[%mul3A_2] : memref<100352xi32, #tpu.memory_space<hbm>> -> memref<3136xi32, #tpu.memory_space<hbm>>
      tpu.enqueue_dma source(%dma_start3A_13 : memref<3136xi32, #tpu.memory_space<hbm>>) target(%arg10 : memref<3136xi32, #tpu.memory_space<vmem>>) target_semaphore(%run_scoped3A : memref<!tpu.dma_semaphore, #tpu.memory_space<semaphore_mem>>)
      %dma_wait3A = tpu.memref_slice %arg4[%mul3A_2] : memref<100352xi32, #tpu.memory_space<hbm>> -> memref<3136xi32, #tpu.memory_space<hbm>>
      %dma_wait3A_14 = tpu.memref_slice %arg4[%mul3A_2] : memref<100352xi32, #tpu.memory_space<hbm>> -> memref<3136xi32, #tpu.memory_space<hbm>>
      tpu.wait_dma2 semaphore(%run_scoped3A : memref<!tpu.dma_semaphore, #tpu.memory_space<semaphore_mem>>) src(%dma_wait3A_14 : memref<3136xi32, #tpu.memory_space<hbm>>) dst(%arg10 : memref<3136xi32, #tpu.memory_space<vmem>>)
      tpu.yield
    }) : () -> ()
    %mul3A_3 = arith.constant 3136 : i32
    %mul3A_4 = arith.muli %add3A, %mul3A_3 : i32
    "tpu.region"() ({
      %run_scoped3A = tpu.sem_alloc : memref<!tpu.dma_semaphore, #tpu.memory_space<semaphore_mem>>
      %dma_start3A = tpu.memref_slice %arg5[%mul3A_4] : memref<100352xi32, #tpu.memory_space<hbm>> -> memref<3136xi32, #tpu.memory_space<hbm>>
      %dma_start3A_13 = tpu.memref_slice %arg5[%mul3A_4] : memref<100352xi32, #tpu.memory_space<hbm>> -> memref<3136xi32, #tpu.memory_space<hbm>>
      tpu.enqueue_dma source(%dma_start3A_13 : memref<3136xi32, #tpu.memory_space<hbm>>) target(%arg11 : memref<3136xi32, #tpu.memory_space<vmem>>) target_semaphore(%run_scoped3A : memref<!tpu.dma_semaphore, #tpu.memory_space<semaphore_mem>>)
      %dma_wait3A = tpu.memref_slice %arg5[%mul3A_4] : memref<100352xi32, #tpu.memory_space<hbm>> -> memref<3136xi32, #tpu.memory_space<hbm>>
      %dma_wait3A_14 = tpu.memref_slice %arg5[%mul3A_4] : memref<100352xi32, #tpu.memory_space<hbm>> -> memref<3136xi32, #tpu.memory_space<hbm>>
      tpu.wait_dma2 semaphore(%run_scoped3A : memref<!tpu.dma_semaphore, #tpu.memory_space<semaphore_mem>>) src(%dma_wait3A_14 : memref<3136xi32, #tpu.memory_space<hbm>>) dst(%arg11 : memref<3136xi32, #tpu.memory_space<vmem>>)
      tpu.yield
    }) : () -> ()
    "tpu.region"() ({
      %run_scoped3A = tpu.sem_alloc : memref<!tpu.dma_semaphore, #tpu.memory_space<semaphore_mem>>
      tpu.enqueue_dma source(%arg6 : memref<16xf32, #tpu.memory_space<hbm>>) target(%arg13 : memref<16xf32, #tpu.memory_space<vmem>>) target_semaphore(%run_scoped3A : memref<!tpu.dma_semaphore, #tpu.memory_space<semaphore_mem>>)
      tpu.wait_dma2 semaphore(%run_scoped3A : memref<!tpu.dma_semaphore, #tpu.memory_space<semaphore_mem>>) src(%arg6 : memref<16xf32, #tpu.memory_space<hbm>>) dst(%arg13 : memref<16xf32, #tpu.memory_space<vmem>>)
      tpu.yield
    }) : () -> ()
    %get3A = arith.constant 0 : index
    %get3A_5 = tpu.vector_load %arg13[%get3A] {strides = array<i32>} : memref<16xf32, #tpu.memory_space<vmem>>, vector<16xf32>,
    %scan3A = arith.constant 0 : i32
    %scan3A_6 = arith.constant 0 : i32
    %scan3A_7 = arith.constant 196 : i32
    %scan3A_8 = arith.addi %scan3A_6, %scan3A_7 : i32
    %scan3A_9 = arith.constant 1 : i32
    scf.for %scan3A_13 = %scan3A_6 to %scan3A_8 step %scan3A_9  : i32 {
      %mul3A_14 = arith.constant 16 : i32
      %mul3A_15 = arith.muli %scan3A_13, %mul3A_14 : i32
      %get3A_16 = arith.index_cast %mul3A_15 : i32 to index
      %get3A_17 = tpu.vector_load %arg10[%get3A_16] {strides = array<i32>} : memref<3136xi32, #tpu.memory_space<vmem>>, vector<16xi32>,
      %mul3A_18 = arith.constant 16 : i32
      %mul3A_19 = arith.muli %scan3A_13, %mul3A_18 : i32
      %get3A_20 = arith.index_cast %mul3A_19 : i32 to index
      %get3A_21 = tpu.vector_load %arg11[%get3A_20] {strides = array<i32>} : memref<3136xi32, #tpu.memory_space<vmem>>, vector<16xi32>,
      %gather3A = tpu.vector_load_idx %arg8[%get3A_17] : memref<10000xf32, #tpu.memory_space<vmem>>[vector<16xi32>], vector<16xf32>,
      %gather3A_22 = tpu.vector_load_idx %arg9[%get3A_21] : memref<10000xf32, #tpu.memory_space<vmem>>[vector<16xi32>], vector<16xf32>,
      %add3A_23 = arith.addf %gather3A, %gather3A_22 : vector<16xf32>
      %add3A_24 = arith.addf %add3A_23, %get3A_5 : vector<16xf32>
      %mul3A_25 = arith.constant 16 : i32
      %mul3A_26 = arith.muli %scan3A_13, %mul3A_25 : i32
      %swap3A = arith.index_cast %mul3A_26 : i32 to index
      %swap3A_27 = tpu.vector_load %arg12[%swap3A] {strides = array<i32>} : memref<3136xf32, #tpu.memory_space<vmem>>, vector<16xf32>,
      tpu.vector_store %arg12[%swap3A], %add3A_24 {strides = array<i32>} : memref<3136xf32, #tpu.memory_space<vmem>>, vector<16xf32>,
    }
    %scan3A_10 = arith.constant 196 : i32
    %mul3A_11 = arith.constant 3136 : i32
    %mul3A_12 = arith.muli %add3A, %mul3A_11 : i32
    "tpu.region"() ({
      %run_scoped3A = tpu.sem_alloc : memref<!tpu.dma_semaphore, #tpu.memory_space<semaphore_mem>>
      %dma_start3A = tpu.memref_slice %arg7[%mul3A_12] : memref<100352xf32, #tpu.memory_space<hbm>> -> memref<3136xf32, #tpu.memory_space<hbm>>
      %dma_start3A_13 = tpu.memref_slice %arg7[%mul3A_12] : memref<100352xf32, #tpu.memory_space<hbm>> -> memref<3136xf32, #tpu.memory_space<hbm>>
      tpu.enqueue_dma source(%arg12 : memref<3136xf32, #tpu.memory_space<vmem>>) target(%dma_start3A_13 : memref<3136xf32, #tpu.memory_space<hbm>>) target_semaphore(%run_scoped3A : memref<!tpu.dma_semaphore, #tpu.memory_space<semaphore_mem>>)
      %dma_wait3A = tpu.memref_slice %arg7[%mul3A_12] : memref<100352xf32, #tpu.memory_space<hbm>> -> memref<3136xf32, #tpu.memory_space<hbm>>
      %dma_wait3A_14 = tpu.memref_slice %arg7[%mul3A_12] : memref<100352xf32, #tpu.memory_space<hbm>> -> memref<3136xf32, #tpu.memory_space<hbm>>
      tpu.wait_dma2 semaphore(%run_scoped3A : memref<!tpu.dma_semaphore, #tpu.memory_space<semaphore_mem>>) src(%arg12 : memref<3136xf32, #tpu.memory_space<vmem>>) dst(%dma_wait3A_14 : memref<3136xf32, #tpu.memory_space<hbm>>)
      tpu.yield
    }) : () -> ()
    return
  }
}

module attributes {stable_mosaic.version = 14 : i64} {
  func.func @body(%arg0: i32, %arg1: memref<1x2000x128xf32, #tpu.memory_space<vmem>>, %arg2: memref<1x2000x128xf32, #tpu.memory_space<vmem>>, %arg3: memref<2000x1xf32, #tpu.memory_space<vmem>>, %arg4: memref<2000x1xf32, #tpu.memory_space<vmem>>, %arg5: memref<2000x128xf32, #tpu.memory_space<vmem>>, %arg6: memref<128x128xf32, #tpu.memory_space<vmem>>, %arg7: memref<128x128xf32, #tpu.memory_space<vmem>>, %arg8: memref<1x128xf32, #tpu.memory_space<vmem>>, %arg9: memref<1x128xf32, #tpu.memory_space<vmem>>, %arg10: memref<1x128xf32, #tpu.memory_space<vmem>>, %arg11: memref<2000x128xf32, #tpu.memory_space<vmem>>, %arg12: memref<5x2000x128xf32, #tpu.memory_space<vmem>>, %arg13: memref<1x128xf32, #tpu.memory_space<vmem>>, %arg14: memref<1x128xf32, #tpu.memory_space<vmem>>) attributes {dimension_semantics = [#tpu.dimension_semantics<arbitrary>], iteration_bounds = array<i64: 10>, scalar_prefetch = 0 : i64, scratch_operands = 3 : i64, tpu.core_type = #tpu.core_type<tc>, window_params = [{transform_indices = @transform_0, window_bounds = array<i64: 1, 2000, 128>}, {transform_indices = @transform_1, window_bounds = array<i64: 1, 2000, 128>}, {transform_indices = @transform_2, window_bounds = array<i64: 2000, 1>}, {transform_indices = @transform_3, window_bounds = array<i64: 2000, 1>}, {transform_indices = @transform_4, window_bounds = array<i64: 2000, 128>}, {pipeline_mode = #tpu.pipeline_mode<synchronous>, transform_indices = @transform_5, window_bounds = array<i64: 128, 128>}, {pipeline_mode = #tpu.pipeline_mode<synchronous>, transform_indices = @transform_6, window_bounds = array<i64: 128, 128>}, {pipeline_mode = #tpu.pipeline_mode<synchronous>, transform_indices = @transform_7, window_bounds = array<i64: 1, 128>}, {pipeline_mode = #tpu.pipeline_mode<synchronous>, transform_indices = @transform_8, window_bounds = array<i64: 1, 128>}, {pipeline_mode = #tpu.pipeline_mode<synchronous>, transform_indices = @transform_9, window_bounds = array<i64: 1, 128>}, {transform_indices = @transform_10, window_bounds = array<i64: 2000, 128>}]} {
    %lt3A = arith.constant 5 : i32
    %lt3A_0 = arith.cmpi slt, %arg0, %lt3A : i32
    %convert_element_type3A = arith.extui %lt3A_0 : i1 to i32
    %cond3A = arith.constant 0 : i32
    %cond3A_1 = arith.cmpi ne, %convert_element_type3A, %cond3A : i32
    scf.if %cond3A_1 {
      %get3A = arith.constant 0 : index
      %get3A_6 = arith.constant 0 : index
      %get3A_7 = vector.load %arg3[%get3A, %get3A_6] : memref<2000x1xf32, #tpu.memory_space<vmem>>, vector<2000x1xf32>
      %get3A_8 = arith.constant 0 : index
      %get3A_9 = arith.constant 0 : index
      %get3A_10 = vector.load %arg4[%get3A_8, %get3A_9] : memref<2000x1xf32, #tpu.memory_space<vmem>>, vector<2000x1xf32>
      %add3A = arith.addf %get3A_7, %get3A_10 : vector<2000x1xf32>
      %max3A = arith.constant 1.000000e+00 : f32
      %max3A_11 = vector.broadcast %max3A : f32 to vector<2000x1xf32>
      %max3A_12 = arith.maximumf %add3A, %max3A_11 : vector<2000x1xf32>
      %get3A_13 = arith.constant 0 : index
      %get3A_14 = arith.constant 0 : index
      %get3A_15 = arith.constant 0 : index
      %get3A_16 = vector.load %arg1[%get3A_13, %get3A_14, %get3A_15] : memref<1x2000x128xf32, #tpu.memory_space<vmem>>, vector<1x2000x128xf32>
      %get3A_17 = vector.shape_cast %get3A_16 : vector<1x2000x128xf32> to vector<2000x128xf32>
      %get3A_18 = arith.constant 0 : index
      %get3A_19 = arith.constant 0 : index
      %get3A_20 = arith.constant 0 : index
      %get3A_21 = vector.load %arg2[%get3A_18, %get3A_19, %get3A_20] : memref<1x2000x128xf32, #tpu.memory_space<vmem>>, vector<1x2000x128xf32>
      %get3A_22 = vector.shape_cast %get3A_21 : vector<1x2000x128xf32> to vector<2000x128xf32>
      %add3A_23 = arith.addf %get3A_17, %get3A_22 : vector<2000x128xf32>
      %div3A = vector.broadcast %max3A_12 : vector<2000x1xf32> to vector<2000x128xf32>
      %div3A_24 = arith.divf %add3A_23, %div3A : vector<2000x128xf32>
      %get3A_25 = arith.constant 0 : index
      %get3A_26 = arith.constant 0 : index
      %get3A_27 = vector.load %arg6[%get3A_25, %get3A_26] : memref<128x128xf32, #tpu.memory_space<vmem>>, vector<128x128xf32>
      %dot_general3A = arith.constant dense<0.000000e+00> : vector<2000x128xf32>
      %dot_general3A_28 = tpu.matmul %div3A_24, %get3A_27, %dot_general3A {dimension_numbers = #tpu.dot_dimension_numbers<[1], [1], [0], [0], [0, 0, 1, 0], [], []>, transpose_lhs_hint = false} : vector<2000x128xf32>, vector<128x128xf32>, vector<2000x128xf32> -> vector<2000x128xf32>
      %get3A_29 = arith.constant 0 : index
      %get3A_30 = arith.constant 0 : index
      %get3A_31 = vector.load %arg5[%get3A_29, %get3A_30] : memref<2000x128xf32, #tpu.memory_space<vmem>>, vector<2000x128xf32>
      %get3A_32 = arith.constant 0 : index
      %get3A_33 = arith.constant 0 : index
      %get3A_34 = vector.load %arg7[%get3A_32, %get3A_33] : memref<128x128xf32, #tpu.memory_space<vmem>>, vector<128x128xf32>
      %dot_general3A_35 = arith.constant dense<0.000000e+00> : vector<2000x128xf32>
      %dot_general3A_36 = tpu.matmul %get3A_31, %get3A_34, %dot_general3A_35 {dimension_numbers = #tpu.dot_dimension_numbers<[1], [1], [0], [0], [0, 0, 1, 0], [], []>, transpose_lhs_hint = false} : vector<2000x128xf32>, vector<128x128xf32>, vector<2000x128xf32> -> vector<2000x128xf32>
      %add3A_37 = arith.addf %dot_general3A_28, %dot_general3A_36 : vector<2000x128xf32>
      %get3A_38 = arith.constant 0 : index
      %get3A_39 = arith.constant 0 : index
      %get3A_40 = vector.load %arg8[%get3A_38, %get3A_39] : memref<1x128xf32, #tpu.memory_space<vmem>>, vector<1x128xf32>
      %add3A_41 = vector.broadcast %get3A_40 : vector<1x128xf32> to vector<2000x128xf32>
      %add3A_42 = arith.addf %add3A_37, %add3A_41 : vector<2000x128xf32>
      %mul3A = arith.mulf %add3A_42, %add3A_42 : vector<2000x128xf32>
      %reduce_sum3A = arith.constant dense<0.000000e+00> : vector<2000xf32>
      %reduce_sum3A_43 = vector.multi_reduction <add>, %mul3A, %reduce_sum3A [1] : vector<2000x128xf32> to vector<2000xf32>
      %broadcast_in_dim3A = vector.shape_cast %reduce_sum3A_43 : vector<2000xf32> to vector<2000x1xf32>
      %max3A_44 = arith.constant 1.000000e-24 : f32
      %max3A_45 = vector.broadcast %max3A_44 : f32 to vector<2000x1xf32>
      %max3A_46 = arith.maximumf %broadcast_in_dim3A, %max3A_45 : vector<2000x1xf32>
      %rsqrt3A = math.rsqrt %max3A_46 : vector<2000x1xf32>
      %mul3A_47 = vector.broadcast %rsqrt3A : vector<2000x1xf32> to vector<2000x128xf32>
      %mul3A_48 = arith.mulf %add3A_42, %mul3A_47 : vector<2000x128xf32>
      %reshape3A = vector.shape_cast %mul3A_48 : vector<2000x128xf32> to vector<1x2000x128xf32>
      %swap3A = arith.index_cast %arg0 : i32 to index
      %swap3A_49 = arith.constant 0 : index
      %swap3A_50 = arith.constant 0 : index
      %swap3A_51 = vector.load %arg12[%swap3A, %swap3A_49, %swap3A_50] : memref<5x2000x128xf32, #tpu.memory_space<vmem>>, vector<1x2000x128xf32>
      tpu.vector_store %arg12[%swap3A, %swap3A_49, %swap3A_50], %reshape3A {strides = array<i32>} : memref<5x2000x128xf32, #tpu.memory_space<vmem>>, vector<1x2000x128xf32>,
      %reduce_sum3A_52 = arith.constant dense<0.000000e+00> : vector<128xf32>
      %reduce_sum3A_53 = vector.multi_reduction <add>, %mul3A_48, %reduce_sum3A_52 [0] : vector<2000x128xf32> to vector<128xf32>
      %broadcast_in_dim3A_54 = vector.shape_cast %reduce_sum3A_53 : vector<128xf32> to vector<1x128xf32>
      %mul3A_55 = arith.mulf %mul3A_48, %mul3A_48 : vector<2000x128xf32>
      %reduce_sum3A_56 = arith.constant dense<0.000000e+00> : vector<128xf32>
      %reduce_sum3A_57 = vector.multi_reduction <add>, %mul3A_55, %reduce_sum3A_56 [0] : vector<2000x128xf32> to vector<128xf32>
      %broadcast_in_dim3A_58 = vector.shape_cast %reduce_sum3A_57 : vector<128xf32> to vector<1x128xf32>
      %eq3A = arith.constant 0 : i32
      %eq3A_59 = arith.cmpi eq, %arg0, %eq3A : i32
      %get3A_60 = arith.constant 0 : index
      %get3A_61 = arith.constant 0 : index
      %get3A_62 = vector.load %arg13[%get3A_60, %get3A_61] : memref<1x128xf32, #tpu.memory_space<vmem>>, vector<1x128xf32>
      %add3A_63 = arith.addf %get3A_62, %broadcast_in_dim3A_54 : vector<1x128xf32>
      %select_n3A = arith.select %eq3A_59, %broadcast_in_dim3A_54, %add3A_63 : vector<1x128xf32>
      %swap3A_64 = arith.constant 0 : index
      %swap3A_65 = arith.constant 0 : index
      %swap3A_66 = vector.load %arg13[%swap3A_64, %swap3A_65] : memref<1x128xf32, #tpu.memory_space<vmem>>, vector<1x128xf32>
      tpu.vector_store %arg13[%swap3A_64, %swap3A_65], %select_n3A {strides = array<i32>} : memref<1x128xf32, #tpu.memory_space<vmem>>, vector<1x128xf32>,
      %eq3A_67 = arith.constant 0 : i32
      %eq3A_68 = arith.cmpi eq, %arg0, %eq3A_67 : i32
      %get3A_69 = arith.constant 0 : index
      %get3A_70 = arith.constant 0 : index
      %get3A_71 = vector.load %arg14[%get3A_69, %get3A_70] : memref<1x128xf32, #tpu.memory_space<vmem>>, vector<1x128xf32>
      %add3A_72 = arith.addf %get3A_71, %broadcast_in_dim3A_58 : vector<1x128xf32>
      %select_n3A_73 = arith.select %eq3A_68, %broadcast_in_dim3A_58, %add3A_72 : vector<1x128xf32>
      %swap3A_74 = arith.constant 0 : index
      %swap3A_75 = arith.constant 0 : index
      %swap3A_76 = vector.load %arg14[%swap3A_74, %swap3A_75] : memref<1x128xf32, #tpu.memory_space<vmem>>, vector<1x128xf32>
      tpu.vector_store %arg14[%swap3A_74, %swap3A_75], %select_n3A_73 {strides = array<i32>} : memref<1x128xf32, #tpu.memory_space<vmem>>, vector<1x128xf32>,
    } else {
    }
    %ge3A = arith.constant 5 : i32
    %ge3A_2 = arith.cmpi sge, %arg0, %ge3A : i32
    %convert_element_type3A_3 = arith.extui %ge3A_2 : i1 to i32
    %cond3A_4 = arith.constant 0 : i32
    %cond3A_5 = arith.cmpi ne, %convert_element_type3A_3, %cond3A_4 : i32
    scf.if %cond3A_5 {
      %sub3A = arith.constant 5 : i32
      %sub3A_6 = arith.subi %arg0, %sub3A : i32
      %get3A = arith.index_cast %sub3A_6 : i32 to index
      %get3A_7 = arith.constant 0 : index
      %get3A_8 = arith.constant 0 : index
      %get3A_9 = vector.load %arg12[%get3A, %get3A_7, %get3A_8] : memref<5x2000x128xf32, #tpu.memory_space<vmem>>, vector<1x2000x128xf32>
      %reshape3A = vector.shape_cast %get3A_9 : vector<1x2000x128xf32> to vector<2000x128xf32>
      %get3A_10 = arith.constant 0 : index
      %get3A_11 = arith.constant 0 : index
      %get3A_12 = vector.load %arg13[%get3A_10, %get3A_11] : memref<1x128xf32, #tpu.memory_space<vmem>>, vector<1x128xf32>
      %mul3A = arith.constant 9.99999974E-5 : f32
      %mul3A_13 = vector.broadcast %mul3A : f32 to vector<1x128xf32>
      %mul3A_14 = arith.mulf %get3A_12, %mul3A_13 : vector<1x128xf32>
      %get3A_15 = arith.constant 0 : index
      %get3A_16 = arith.constant 0 : index
      %get3A_17 = vector.load %arg14[%get3A_15, %get3A_16] : memref<1x128xf32, #tpu.memory_space<vmem>>, vector<1x128xf32>
      %mul3A_18 = arith.constant 9.99999974E-5 : f32
      %mul3A_19 = vector.broadcast %mul3A_18 : f32 to vector<1x128xf32>
      %mul3A_20 = arith.mulf %get3A_17, %mul3A_19 : vector<1x128xf32>
      %mul3A_21 = arith.mulf %mul3A_14, %mul3A_14 : vector<1x128xf32>
      %sub3A_22 = arith.subf %mul3A_20, %mul3A_21 : vector<1x128xf32>
      %sub3A_23 = vector.broadcast %mul3A_14 : vector<1x128xf32> to vector<2000x128xf32>
      %sub3A_24 = arith.subf %reshape3A, %sub3A_23 : vector<2000x128xf32>
      %add3A = arith.constant 9.99999974E-6 : f32
      %add3A_25 = vector.broadcast %add3A : f32 to vector<1x128xf32>
      %add3A_26 = arith.addf %sub3A_22, %add3A_25 : vector<1x128xf32>
      %rsqrt3A = math.rsqrt %add3A_26 : vector<1x128xf32>
      %mul3A_27 = vector.broadcast %rsqrt3A : vector<1x128xf32> to vector<2000x128xf32>
      %mul3A_28 = arith.mulf %sub3A_24, %mul3A_27 : vector<2000x128xf32>
      %get3A_29 = arith.constant 0 : index
      %get3A_30 = arith.constant 0 : index
      %get3A_31 = vector.load %arg9[%get3A_29, %get3A_30] : memref<1x128xf32, #tpu.memory_space<vmem>>, vector<1x128xf32>
      %mul3A_32 = vector.broadcast %get3A_31 : vector<1x128xf32> to vector<2000x128xf32>
      %mul3A_33 = arith.mulf %mul3A_28, %mul3A_32 : vector<2000x128xf32>
      %get3A_34 = arith.constant 0 : index
      %get3A_35 = arith.constant 0 : index
      %get3A_36 = vector.load %arg10[%get3A_34, %get3A_35] : memref<1x128xf32, #tpu.memory_space<vmem>>, vector<1x128xf32>
      %add3A_37 = vector.broadcast %get3A_36 : vector<1x128xf32> to vector<2000x128xf32>
      %add3A_38 = arith.addf %mul3A_33, %add3A_37 : vector<2000x128xf32>
      %max3A = arith.constant 0.000000e+00 : f32
      %max3A_39 = vector.broadcast %max3A : f32 to vector<2000x128xf32>
      %max3A_40 = arith.maximumf %add3A_38, %max3A_39 : vector<2000x128xf32>
      %swap3A = arith.constant 0 : index
      %swap3A_41 = arith.constant 0 : index
      %swap3A_42 = vector.load %arg11[%swap3A, %swap3A_41] : memref<2000x128xf32, #tpu.memory_space<vmem>>, vector<2000x128xf32>
      tpu.vector_store %arg11[%swap3A, %swap3A_41], %max3A_40 {strides = array<i32>} : memref<2000x128xf32, #tpu.memory_space<vmem>>, vector<2000x128xf32>,
    } else {
    }
    return
  }
  func.func @transform_0(%arg0: i32) -> (i32, i32, i32) {
    %lt3A = arith.constant 5 : i32
    %lt3A_0 = arith.cmpi slt, %arg0, %lt3A : i32
    %jit3A = arith.constant 0 : i32
    %select_n3A = arith.select %lt3A_0, %arg0, %jit3A : i32
    %c0_i32 = arith.constant 0 : i32
    %c0_i32_1 = arith.constant 0 : i32
    %c0_i32_2 = arith.constant 0 : i32
    return %c0_i32, %select_n3A, %c0_i32_1 : i32, i32, i32
  }
  func.func @transform_1(%arg0: i32) -> (i32, i32, i32) {
    %lt3A = arith.constant 5 : i32
    %lt3A_0 = arith.cmpi slt, %arg0, %lt3A : i32
    %jit3A = arith.constant 0 : i32
    %select_n3A = arith.select %lt3A_0, %arg0, %jit3A : i32
    %c1_i32 = arith.constant 1 : i32
    %c0_i32 = arith.constant 0 : i32
    %c0_i32_1 = arith.constant 0 : i32
    return %c1_i32, %select_n3A, %c0_i32 : i32, i32, i32
  }
  func.func @transform_2(%arg0: i32) -> (i32, i32) {
    %lt3A = arith.constant 5 : i32
    %lt3A_0 = arith.cmpi slt, %arg0, %lt3A : i32
    %jit3A = arith.constant 0 : i32
    %select_n3A = arith.select %lt3A_0, %arg0, %jit3A : i32
    %c0_i32 = arith.constant 0 : i32
    %c0_i32_1 = arith.constant 0 : i32
    return %select_n3A, %c0_i32 : i32, i32
  }
  func.func @transform_3(%arg0: i32) -> (i32, i32) {
    %lt3A = arith.constant 5 : i32
    %lt3A_0 = arith.cmpi slt, %arg0, %lt3A : i32
    %jit3A = arith.constant 0 : i32
    %select_n3A = arith.select %lt3A_0, %arg0, %jit3A : i32
    %c0_i32 = arith.constant 0 : i32
    %c0_i32_1 = arith.constant 0 : i32
    return %select_n3A, %c0_i32 : i32, i32
  }
  func.func @transform_4(%arg0: i32) -> (i32, i32) {
    %lt3A = arith.constant 5 : i32
    %lt3A_0 = arith.cmpi slt, %arg0, %lt3A : i32
    %jit3A = arith.constant 0 : i32
    %select_n3A = arith.select %lt3A_0, %arg0, %jit3A : i32
    %c0_i32 = arith.constant 0 : i32
    %c0_i32_1 = arith.constant 0 : i32
    return %select_n3A, %c0_i32 : i32, i32
  }
  func.func @transform_5(%arg0: i32) -> (i32, i32) {
    %c0_i32 = arith.constant 0 : i32
    %c0_i32_0 = arith.constant 0 : i32
    %c0_i32_1 = arith.constant 0 : i32
    return %c0_i32, %c0_i32_0 : i32, i32
  }
  func.func @transform_6(%arg0: i32) -> (i32, i32) {
    %c0_i32 = arith.constant 0 : i32
    %c0_i32_0 = arith.constant 0 : i32
    %c0_i32_1 = arith.constant 0 : i32
    return %c0_i32, %c0_i32_0 : i32, i32
  }
  func.func @transform_7(%arg0: i32) -> (i32, i32) {
    %c0_i32 = arith.constant 0 : i32
    %c0_i32_0 = arith.constant 0 : i32
    %c0_i32_1 = arith.constant 0 : i32
    return %c0_i32, %c0_i32_0 : i32, i32
  }
  func.func @transform_8(%arg0: i32) -> (i32, i32) {
    %c0_i32 = arith.constant 0 : i32
    %c0_i32_0 = arith.constant 0 : i32
    %c0_i32_1 = arith.constant 0 : i32
    return %c0_i32, %c0_i32_0 : i32, i32
  }
  func.func @transform_9(%arg0: i32) -> (i32, i32) {
    %c0_i32 = arith.constant 0 : i32
    %c0_i32_0 = arith.constant 0 : i32
    %c0_i32_1 = arith.constant 0 : i32
    return %c0_i32, %c0_i32_0 : i32, i32
  }
  func.func @transform_10(%arg0: i32) -> (i32, i32) {
    %ge3A = arith.constant 5 : i32
    %ge3A_0 = arith.cmpi sge, %arg0, %ge3A : i32
    %sub3A = arith.constant 5 : i32
    %sub3A_1 = arith.subi %arg0, %sub3A : i32
    %jit3A = arith.constant 0 : i32
    %select_n3A = arith.select %ge3A_0, %sub3A_1, %jit3A : i32
    %c0_i32 = arith.constant 0 : i32
    %c0_i32_2 = arith.constant 0 : i32
    return %select_n3A, %c0_i32 : i32, i32
  }
}

module attributes {stable_mosaic.version = 14 : i64} {
  func.func @body(%arg0: i32, %arg1: memref<1x2000x128xf32, #tpu.memory_space<vmem>>, %arg2: memref<1x2000x128xf32, #tpu.memory_space<vmem>>, %arg3: memref<2000x1xf32, #tpu.memory_space<vmem>>, %arg4: memref<2000x1xf32, #tpu.memory_space<vmem>>, %arg5: memref<2000x128xf32, #tpu.memory_space<vmem>>, %arg6: memref<128x128xf32, #tpu.memory_space<vmem>>, %arg7: memref<128x128xf32, #tpu.memory_space<vmem>>, %arg8: memref<1x128xf32, #tpu.memory_space<vmem>>, %arg9: memref<1x128xf32, #tpu.memory_space<vmem>>, %arg10: memref<1x128xf32, #tpu.memory_space<vmem>>, %arg11: memref<1x128xf32, #tpu.memory_space<vmem>>, %arg12: memref<1x128xf32, #tpu.memory_space<vmem>>, %arg13: memref<2000x128xf32, #tpu.memory_space<vmem>>, %arg14: memref<2000x1xf32, #tpu.memory_space<vmem>>, %arg15: memref<2000x1xf32, #tpu.memory_space<vmem>>, %arg16: memref<5x2000x128xf32, #tpu.memory_space<vmem>>, %arg17: memref<1x128xf32, #tpu.memory_space<vmem>>, %arg18: memref<1x128xf32, #tpu.memory_space<vmem>>) attributes {dimension_semantics = [#tpu.dimension_semantics<arbitrary>], iteration_bounds = array<i64: 10>, scalar_prefetch = 0 : i64, scratch_operands = 3 : i64, tpu.core_type = #tpu.core_type<tc>, window_params = [{transform_indices = @transform_0, window_bounds = array<i64: 1, 2000, 128>}, {transform_indices = @transform_1, window_bounds = array<i64: 1, 2000, 128>}, {transform_indices = @transform_2, window_bounds = array<i64: 2000, 1>}, {transform_indices = @transform_3, window_bounds = array<i64: 2000, 1>}, {transform_indices = @transform_4, window_bounds = array<i64: 2000, 128>}, {pipeline_mode = #tpu.pipeline_mode<synchronous>, transform_indices = @transform_5, window_bounds = array<i64: 128, 128>}, {pipeline_mode = #tpu.pipeline_mode<synchronous>, transform_indices = @transform_6, window_bounds = array<i64: 128, 128>}, {pipeline_mode = #tpu.pipeline_mode<synchronous>, transform_indices = @transform_7, window_bounds = array<i64: 1, 128>}, {pipeline_mode = #tpu.pipeline_mode<synchronous>, transform_indices = @transform_8, window_bounds = array<i64: 1, 128>}, {pipeline_mode = #tpu.pipeline_mode<synchronous>, transform_indices = @transform_9, window_bounds = array<i64: 1, 128>}, {pipeline_mode = #tpu.pipeline_mode<synchronous>, transform_indices = @transform_10, window_bounds = array<i64: 1, 128>}, {pipeline_mode = #tpu.pipeline_mode<synchronous>, transform_indices = @transform_11, window_bounds = array<i64: 1, 128>}, {transform_indices = @transform_12, window_bounds = array<i64: 2000, 128>}, {transform_indices = @transform_13, window_bounds = array<i64: 2000, 1>}, {transform_indices = @transform_14, window_bounds = array<i64: 2000, 1>}]} {
    %lt3A = arith.constant 5 : i32
    %lt3A_0 = arith.cmpi slt, %arg0, %lt3A : i32
    %convert_element_type3A = arith.extui %lt3A_0 : i1 to i32
    %cond3A = arith.constant 0 : i32
    %cond3A_1 = arith.cmpi ne, %convert_element_type3A, %cond3A : i32
    scf.if %cond3A_1 {
      %get3A = arith.constant 0 : index
      %get3A_6 = arith.constant 0 : index
      %get3A_7 = vector.load %arg3[%get3A, %get3A_6] : memref<2000x1xf32, #tpu.memory_space<vmem>>, vector<2000x1xf32>
      %get3A_8 = arith.constant 0 : index
      %get3A_9 = arith.constant 0 : index
      %get3A_10 = vector.load %arg4[%get3A_8, %get3A_9] : memref<2000x1xf32, #tpu.memory_space<vmem>>, vector<2000x1xf32>
      %add3A = arith.addf %get3A_7, %get3A_10 : vector<2000x1xf32>
      %max3A = arith.constant 1.000000e+00 : f32
      %max3A_11 = vector.broadcast %max3A : f32 to vector<2000x1xf32>
      %max3A_12 = arith.maximumf %add3A, %max3A_11 : vector<2000x1xf32>
      %get3A_13 = arith.constant 0 : index
      %get3A_14 = arith.constant 0 : index
      %get3A_15 = arith.constant 0 : index
      %get3A_16 = vector.load %arg1[%get3A_13, %get3A_14, %get3A_15] : memref<1x2000x128xf32, #tpu.memory_space<vmem>>, vector<1x2000x128xf32>
      %get3A_17 = vector.shape_cast %get3A_16 : vector<1x2000x128xf32> to vector<2000x128xf32>
      %get3A_18 = arith.constant 0 : index
      %get3A_19 = arith.constant 0 : index
      %get3A_20 = arith.constant 0 : index
      %get3A_21 = vector.load %arg2[%get3A_18, %get3A_19, %get3A_20] : memref<1x2000x128xf32, #tpu.memory_space<vmem>>, vector<1x2000x128xf32>
      %get3A_22 = vector.shape_cast %get3A_21 : vector<1x2000x128xf32> to vector<2000x128xf32>
      %add3A_23 = arith.addf %get3A_17, %get3A_22 : vector<2000x128xf32>
      %div3A = vector.broadcast %max3A_12 : vector<2000x1xf32> to vector<2000x128xf32>
      %div3A_24 = arith.divf %add3A_23, %div3A : vector<2000x128xf32>
      %get3A_25 = arith.constant 0 : index
      %get3A_26 = arith.constant 0 : index
      %get3A_27 = vector.load %arg6[%get3A_25, %get3A_26] : memref<128x128xf32, #tpu.memory_space<vmem>>, vector<128x128xf32>
      %dot_general3A = arith.constant dense<0.000000e+00> : vector<2000x128xf32>
      %dot_general3A_28 = tpu.matmul %div3A_24, %get3A_27, %dot_general3A {dimension_numbers = #tpu.dot_dimension_numbers<[1], [1], [0], [0], [0, 0, 1, 0], [], []>, transpose_lhs_hint = false} : vector<2000x128xf32>, vector<128x128xf32>, vector<2000x128xf32> -> vector<2000x128xf32>
      %get3A_29 = arith.constant 0 : index
      %get3A_30 = arith.constant 0 : index
      %get3A_31 = vector.load %arg5[%get3A_29, %get3A_30] : memref<2000x128xf32, #tpu.memory_space<vmem>>, vector<2000x128xf32>
      %get3A_32 = arith.constant 0 : index
      %get3A_33 = arith.constant 0 : index
      %get3A_34 = vector.load %arg7[%get3A_32, %get3A_33] : memref<128x128xf32, #tpu.memory_space<vmem>>, vector<128x128xf32>
      %dot_general3A_35 = arith.constant dense<0.000000e+00> : vector<2000x128xf32>
      %dot_general3A_36 = tpu.matmul %get3A_31, %get3A_34, %dot_general3A_35 {dimension_numbers = #tpu.dot_dimension_numbers<[1], [1], [0], [0], [0, 0, 1, 0], [], []>, transpose_lhs_hint = false} : vector<2000x128xf32>, vector<128x128xf32>, vector<2000x128xf32> -> vector<2000x128xf32>
      %add3A_37 = arith.addf %dot_general3A_28, %dot_general3A_36 : vector<2000x128xf32>
      %get3A_38 = arith.constant 0 : index
      %get3A_39 = arith.constant 0 : index
      %get3A_40 = vector.load %arg8[%get3A_38, %get3A_39] : memref<1x128xf32, #tpu.memory_space<vmem>>, vector<1x128xf32>
      %add3A_41 = vector.broadcast %get3A_40 : vector<1x128xf32> to vector<2000x128xf32>
      %add3A_42 = arith.addf %add3A_37, %add3A_41 : vector<2000x128xf32>
      %mul3A = arith.mulf %add3A_42, %add3A_42 : vector<2000x128xf32>
      %reduce_sum3A = arith.constant dense<0.000000e+00> : vector<2000xf32>
      %reduce_sum3A_43 = vector.multi_reduction <add>, %mul3A, %reduce_sum3A [1] : vector<2000x128xf32> to vector<2000xf32>
      %broadcast_in_dim3A = vector.shape_cast %reduce_sum3A_43 : vector<2000xf32> to vector<2000x1xf32>
      %max3A_44 = arith.constant 1.000000e-24 : f32
      %max3A_45 = vector.broadcast %max3A_44 : f32 to vector<2000x1xf32>
      %max3A_46 = arith.maximumf %broadcast_in_dim3A, %max3A_45 : vector<2000x1xf32>
      %rsqrt3A = math.rsqrt %max3A_46 : vector<2000x1xf32>
      %mul3A_47 = vector.broadcast %rsqrt3A : vector<2000x1xf32> to vector<2000x128xf32>
      %mul3A_48 = arith.mulf %add3A_42, %mul3A_47 : vector<2000x128xf32>
      %reshape3A = vector.shape_cast %mul3A_48 : vector<2000x128xf32> to vector<1x2000x128xf32>
      %swap3A = arith.index_cast %arg0 : i32 to index
      %swap3A_49 = arith.constant 0 : index
      %swap3A_50 = arith.constant 0 : index
      %swap3A_51 = vector.load %arg16[%swap3A, %swap3A_49, %swap3A_50] : memref<5x2000x128xf32, #tpu.memory_space<vmem>>, vector<1x2000x128xf32>
      tpu.vector_store %arg16[%swap3A, %swap3A_49, %swap3A_50], %reshape3A {strides = array<i32>} : memref<5x2000x128xf32, #tpu.memory_space<vmem>>, vector<1x2000x128xf32>,
      %reduce_sum3A_52 = arith.constant dense<0.000000e+00> : vector<128xf32>
      %reduce_sum3A_53 = vector.multi_reduction <add>, %mul3A_48, %reduce_sum3A_52 [0] : vector<2000x128xf32> to vector<128xf32>
      %broadcast_in_dim3A_54 = vector.shape_cast %reduce_sum3A_53 : vector<128xf32> to vector<1x128xf32>
      %mul3A_55 = arith.mulf %mul3A_48, %mul3A_48 : vector<2000x128xf32>
      %reduce_sum3A_56 = arith.constant dense<0.000000e+00> : vector<128xf32>
      %reduce_sum3A_57 = vector.multi_reduction <add>, %mul3A_55, %reduce_sum3A_56 [0] : vector<2000x128xf32> to vector<128xf32>
      %broadcast_in_dim3A_58 = vector.shape_cast %reduce_sum3A_57 : vector<128xf32> to vector<1x128xf32>
      %eq3A = arith.constant 0 : i32
      %eq3A_59 = arith.cmpi eq, %arg0, %eq3A : i32
      %get3A_60 = arith.constant 0 : index
      %get3A_61 = arith.constant 0 : index
      %get3A_62 = vector.load %arg17[%get3A_60, %get3A_61] : memref<1x128xf32, #tpu.memory_space<vmem>>, vector<1x128xf32>
      %add3A_63 = arith.addf %get3A_62, %broadcast_in_dim3A_54 : vector<1x128xf32>
      %select_n3A = arith.select %eq3A_59, %broadcast_in_dim3A_54, %add3A_63 : vector<1x128xf32>
      %swap3A_64 = arith.constant 0 : index
      %swap3A_65 = arith.constant 0 : index
      %swap3A_66 = vector.load %arg17[%swap3A_64, %swap3A_65] : memref<1x128xf32, #tpu.memory_space<vmem>>, vector<1x128xf32>
      tpu.vector_store %arg17[%swap3A_64, %swap3A_65], %select_n3A {strides = array<i32>} : memref<1x128xf32, #tpu.memory_space<vmem>>, vector<1x128xf32>,
      %eq3A_67 = arith.constant 0 : i32
      %eq3A_68 = arith.cmpi eq, %arg0, %eq3A_67 : i32
      %get3A_69 = arith.constant 0 : index
      %get3A_70 = arith.constant 0 : index
      %get3A_71 = vector.load %arg18[%get3A_69, %get3A_70] : memref<1x128xf32, #tpu.memory_space<vmem>>, vector<1x128xf32>
      %add3A_72 = arith.addf %get3A_71, %broadcast_in_dim3A_58 : vector<1x128xf32>
      %select_n3A_73 = arith.select %eq3A_68, %broadcast_in_dim3A_58, %add3A_72 : vector<1x128xf32>
      %swap3A_74 = arith.constant 0 : index
      %swap3A_75 = arith.constant 0 : index
      %swap3A_76 = vector.load %arg18[%swap3A_74, %swap3A_75] : memref<1x128xf32, #tpu.memory_space<vmem>>, vector<1x128xf32>
      tpu.vector_store %arg18[%swap3A_74, %swap3A_75], %select_n3A_73 {strides = array<i32>} : memref<1x128xf32, #tpu.memory_space<vmem>>, vector<1x128xf32>,
    } else {
    }
    %ge3A = arith.constant 5 : i32
    %ge3A_2 = arith.cmpi sge, %arg0, %ge3A : i32
    %convert_element_type3A_3 = arith.extui %ge3A_2 : i1 to i32
    %cond3A_4 = arith.constant 0 : i32
    %cond3A_5 = arith.cmpi ne, %convert_element_type3A_3, %cond3A_4 : i32
    scf.if %cond3A_5 {
      %sub3A = arith.constant 5 : i32
      %sub3A_6 = arith.subi %arg0, %sub3A : i32
      %get3A = arith.index_cast %sub3A_6 : i32 to index
      %get3A_7 = arith.constant 0 : index
      %get3A_8 = arith.constant 0 : index
      %get3A_9 = vector.load %arg16[%get3A, %get3A_7, %get3A_8] : memref<5x2000x128xf32, #tpu.memory_space<vmem>>, vector<1x2000x128xf32>
      %reshape3A = vector.shape_cast %get3A_9 : vector<1x2000x128xf32> to vector<2000x128xf32>
      %get3A_10 = arith.constant 0 : index
      %get3A_11 = arith.constant 0 : index
      %get3A_12 = vector.load %arg17[%get3A_10, %get3A_11] : memref<1x128xf32, #tpu.memory_space<vmem>>, vector<1x128xf32>
      %mul3A = arith.constant 9.99999974E-5 : f32
      %mul3A_13 = vector.broadcast %mul3A : f32 to vector<1x128xf32>
      %mul3A_14 = arith.mulf %get3A_12, %mul3A_13 : vector<1x128xf32>
      %get3A_15 = arith.constant 0 : index
      %get3A_16 = arith.constant 0 : index
      %get3A_17 = vector.load %arg18[%get3A_15, %get3A_16] : memref<1x128xf32, #tpu.memory_space<vmem>>, vector<1x128xf32>
      %mul3A_18 = arith.constant 9.99999974E-5 : f32
      %mul3A_19 = vector.broadcast %mul3A_18 : f32 to vector<1x128xf32>
      %mul3A_20 = arith.mulf %get3A_17, %mul3A_19 : vector<1x128xf32>
      %mul3A_21 = arith.mulf %mul3A_14, %mul3A_14 : vector<1x128xf32>
      %sub3A_22 = arith.subf %mul3A_20, %mul3A_21 : vector<1x128xf32>
      %sub3A_23 = vector.broadcast %mul3A_14 : vector<1x128xf32> to vector<2000x128xf32>
      %sub3A_24 = arith.subf %reshape3A, %sub3A_23 : vector<2000x128xf32>
      %add3A = arith.constant 9.99999974E-6 : f32
      %add3A_25 = vector.broadcast %add3A : f32 to vector<1x128xf32>
      %add3A_26 = arith.addf %sub3A_22, %add3A_25 : vector<1x128xf32>
      %rsqrt3A = math.rsqrt %add3A_26 : vector<1x128xf32>
      %mul3A_27 = vector.broadcast %rsqrt3A : vector<1x128xf32> to vector<2000x128xf32>
      %mul3A_28 = arith.mulf %sub3A_24, %mul3A_27 : vector<2000x128xf32>
      %get3A_29 = arith.constant 0 : index
      %get3A_30 = arith.constant 0 : index
      %get3A_31 = vector.load %arg9[%get3A_29, %get3A_30] : memref<1x128xf32, #tpu.memory_space<vmem>>, vector<1x128xf32>
      %mul3A_32 = vector.broadcast %get3A_31 : vector<1x128xf32> to vector<2000x128xf32>
      %mul3A_33 = arith.mulf %mul3A_28, %mul3A_32 : vector<2000x128xf32>
      %get3A_34 = arith.constant 0 : index
      %get3A_35 = arith.constant 0 : index
      %get3A_36 = vector.load %arg10[%get3A_34, %get3A_35] : memref<1x128xf32, #tpu.memory_space<vmem>>, vector<1x128xf32>
      %add3A_37 = vector.broadcast %get3A_36 : vector<1x128xf32> to vector<2000x128xf32>
      %add3A_38 = arith.addf %mul3A_33, %add3A_37 : vector<2000x128xf32>
      %max3A = arith.constant 0.000000e+00 : f32
      %max3A_39 = vector.broadcast %max3A : f32 to vector<2000x128xf32>
      %max3A_40 = arith.maximumf %add3A_38, %max3A_39 : vector<2000x128xf32>
      %swap3A = arith.constant 0 : index
      %swap3A_41 = arith.constant 0 : index
      %swap3A_42 = vector.load %arg13[%swap3A, %swap3A_41] : memref<2000x128xf32, #tpu.memory_space<vmem>>, vector<2000x128xf32>
      tpu.vector_store %arg13[%swap3A, %swap3A_41], %max3A_40 {strides = array<i32>} : memref<2000x128xf32, #tpu.memory_space<vmem>>, vector<2000x128xf32>,
      %get3A_43 = arith.constant 0 : index
      %get3A_44 = arith.constant 0 : index
      %get3A_45 = vector.load %arg11[%get3A_43, %get3A_44] : memref<1x128xf32, #tpu.memory_space<vmem>>, vector<1x128xf32>
      %mul3A_46 = vector.broadcast %get3A_45 : vector<1x128xf32> to vector<2000x128xf32>
      %mul3A_47 = arith.mulf %max3A_40, %mul3A_46 : vector<2000x128xf32>
      %reduce_sum3A = arith.constant dense<0.000000e+00> : vector<2000xf32>
      %reduce_sum3A_48 = vector.multi_reduction <add>, %mul3A_47, %reduce_sum3A [1] : vector<2000x128xf32> to vector<2000xf32>
      %broadcast_in_dim3A = vector.shape_cast %reduce_sum3A_48 : vector<2000xf32> to vector<2000x1xf32>
      %swap3A_49 = arith.constant 0 : index
      %swap3A_50 = arith.constant 0 : index
      %swap3A_51 = vector.load %arg14[%swap3A_49, %swap3A_50] : memref<2000x1xf32, #tpu.memory_space<vmem>>, vector<2000x1xf32>
      tpu.vector_store %arg14[%swap3A_49, %swap3A_50], %broadcast_in_dim3A {strides = array<i32>} : memref<2000x1xf32, #tpu.memory_space<vmem>>, vector<2000x1xf32>,
      %get3A_52 = arith.constant 0 : index
      %get3A_53 = arith.constant 0 : index
      %get3A_54 = vector.load %arg12[%get3A_52, %get3A_53] : memref<1x128xf32, #tpu.memory_space<vmem>>, vector<1x128xf32>
      %mul3A_55 = vector.broadcast %get3A_54 : vector<1x128xf32> to vector<2000x128xf32>
      %mul3A_56 = arith.mulf %max3A_40, %mul3A_55 : vector<2000x128xf32>
      %reduce_sum3A_57 = arith.constant dense<0.000000e+00> : vector<2000xf32>
      %reduce_sum3A_58 = vector.multi_reduction <add>, %mul3A_56, %reduce_sum3A_57 [1] : vector<2000x128xf32> to vector<2000xf32>
      %broadcast_in_dim3A_59 = vector.shape_cast %reduce_sum3A_58 : vector<2000xf32> to vector<2000x1xf32>
      %swap3A_60 = arith.constant 0 : index
      %swap3A_61 = arith.constant 0 : index
      %swap3A_62 = vector.load %arg15[%swap3A_60, %swap3A_61] : memref<2000x1xf32, #tpu.memory_space<vmem>>, vector<2000x1xf32>
      tpu.vector_store %arg15[%swap3A_60, %swap3A_61], %broadcast_in_dim3A_59 {strides = array<i32>} : memref<2000x1xf32, #tpu.memory_space<vmem>>, vector<2000x1xf32>,
    } else {
    }
    return
  }
  func.func @transform_0(%arg0: i32) -> (i32, i32, i32) {
    %lt3A = arith.constant 5 : i32
    %lt3A_0 = arith.cmpi slt, %arg0, %lt3A : i32
    %jit3A = arith.constant 0 : i32
    %select_n3A = arith.select %lt3A_0, %arg0, %jit3A : i32
    %c0_i32 = arith.constant 0 : i32
    %c0_i32_1 = arith.constant 0 : i32
    %c0_i32_2 = arith.constant 0 : i32
    return %c0_i32, %select_n3A, %c0_i32_1 : i32, i32, i32
  }
  func.func @transform_1(%arg0: i32) -> (i32, i32, i32) {
    %lt3A = arith.constant 5 : i32
    %lt3A_0 = arith.cmpi slt, %arg0, %lt3A : i32
    %jit3A = arith.constant 0 : i32
    %select_n3A = arith.select %lt3A_0, %arg0, %jit3A : i32
    %c1_i32 = arith.constant 1 : i32
    %c0_i32 = arith.constant 0 : i32
    %c0_i32_1 = arith.constant 0 : i32
    return %c1_i32, %select_n3A, %c0_i32 : i32, i32, i32
  }
  func.func @transform_2(%arg0: i32) -> (i32, i32) {
    %lt3A = arith.constant 5 : i32
    %lt3A_0 = arith.cmpi slt, %arg0, %lt3A : i32
    %jit3A = arith.constant 0 : i32
    %select_n3A = arith.select %lt3A_0, %arg0, %jit3A : i32
    %c0_i32 = arith.constant 0 : i32
    %c0_i32_1 = arith.constant 0 : i32
    return %select_n3A, %c0_i32 : i32, i32
  }
  func.func @transform_3(%arg0: i32) -> (i32, i32) {
    %lt3A = arith.constant 5 : i32
    %lt3A_0 = arith.cmpi slt, %arg0, %lt3A : i32
    %jit3A = arith.constant 0 : i32
    %select_n3A = arith.select %lt3A_0, %arg0, %jit3A : i32
    %c0_i32 = arith.constant 0 : i32
    %c0_i32_1 = arith.constant 0 : i32
    return %select_n3A, %c0_i32 : i32, i32
  }
  func.func @transform_4(%arg0: i32) -> (i32, i32) {
    %lt3A = arith.constant 5 : i32
    %lt3A_0 = arith.cmpi slt, %arg0, %lt3A : i32
    %jit3A = arith.constant 0 : i32
    %select_n3A = arith.select %lt3A_0, %arg0, %jit3A : i32
    %c0_i32 = arith.constant 0 : i32
    %c0_i32_1 = arith.constant 0 : i32
    return %select_n3A, %c0_i32 : i32, i32
  }
  func.func @transform_5(%arg0: i32) -> (i32, i32) {
    %c0_i32 = arith.constant 0 : i32
    %c0_i32_0 = arith.constant 0 : i32
    %c0_i32_1 = arith.constant 0 : i32
    return %c0_i32, %c0_i32_0 : i32, i32
  }
  func.func @transform_6(%arg0: i32) -> (i32, i32) {
    %c0_i32 = arith.constant 0 : i32
    %c0_i32_0 = arith.constant 0 : i32
    %c0_i32_1 = arith.constant 0 : i32
    return %c0_i32, %c0_i32_0 : i32, i32
  }
  func.func @transform_7(%arg0: i32) -> (i32, i32) {
    %c0_i32 = arith.constant 0 : i32
    %c0_i32_0 = arith.constant 0 : i32
    %c0_i32_1 = arith.constant 0 : i32
    return %c0_i32, %c0_i32_0 : i32, i32
  }
  func.func @transform_8(%arg0: i32) -> (i32, i32) {
    %c0_i32 = arith.constant 0 : i32
    %c0_i32_0 = arith.constant 0 : i32
    %c0_i32_1 = arith.constant 0 : i32
    return %c0_i32, %c0_i32_0 : i32, i32
  }
  func.func @transform_9(%arg0: i32) -> (i32, i32) {
    %c0_i32 = arith.constant 0 : i32
    %c0_i32_0 = arith.constant 0 : i32
    %c0_i32_1 = arith.constant 0 : i32
    return %c0_i32, %c0_i32_0 : i32, i32
  }
  func.func @transform_10(%arg0: i32) -> (i32, i32) {
    %c0_i32 = arith.constant 0 : i32
    %c0_i32_0 = arith.constant 0 : i32
    %c0_i32_1 = arith.constant 0 : i32
    return %c0_i32, %c0_i32_0 : i32, i32
  }
  func.func @transform_11(%arg0: i32) -> (i32, i32) {
    %c0_i32 = arith.constant 0 : i32
    %c0_i32_0 = arith.constant 0 : i32
    %c0_i32_1 = arith.constant 0 : i32
    return %c0_i32, %c0_i32_0 : i32, i32
  }
  func.func @transform_12(%arg0: i32) -> (i32, i32) {
    %ge3A = arith.constant 5 : i32
    %ge3A_0 = arith.cmpi sge, %arg0, %ge3A : i32
    %sub3A = arith.constant 5 : i32
    %sub3A_1 = arith.subi %arg0, %sub3A : i32
    %jit3A = arith.constant 0 : i32
    %select_n3A = arith.select %ge3A_0, %sub3A_1, %jit3A : i32
    %c0_i32 = arith.constant 0 : i32
    %c0_i32_2 = arith.constant 0 : i32
    return %select_n3A, %c0_i32 : i32, i32
  }
  func.func @transform_13(%arg0: i32) -> (i32, i32) {
    %ge3A = arith.constant 5 : i32
    %ge3A_0 = arith.cmpi sge, %arg0, %ge3A : i32
    %sub3A = arith.constant 5 : i32
    %sub3A_1 = arith.subi %arg0, %sub3A : i32
    %jit3A = arith.constant 0 : i32
    %select_n3A = arith.select %ge3A_0, %sub3A_1, %jit3A : i32
    %c0_i32 = arith.constant 0 : i32
    %c0_i32_2 = arith.constant 0 : i32
    return %select_n3A, %c0_i32 : i32, i32
  }
  func.func @transform_14(%arg0: i32) -> (i32, i32) {
    %ge3A = arith.constant 5 : i32
    %ge3A_0 = arith.cmpi sge, %arg0, %ge3A : i32
    %sub3A = arith.constant 5 : i32
    %sub3A_1 = arith.subi %arg0, %sub3A : i32
    %jit3A = arith.constant 0 : i32
    %select_n3A = arith.select %ge3A_0, %sub3A_1, %jit3A : i32
    %c0_i32 = arith.constant 0 : i32
    %c0_i32_2 = arith.constant 0 : i32
    return %select_n3A, %c0_i32 : i32, i32
  }
}

</mosaic_0001>

<sc_bundles>
// kernel: _forward.10.cloned.1.call-start
scs
__scs_entry_jumppad:
0x0: {  	(pc) =	sbr.rel $0x88, $3  }
0x1: {  	(tag) =	ssettag $0x0;
	lr =	simm.s32 $0x1  }
0x2: {  	[smem:$0x3F92] =	sst lr;
	_ =	strace $0xD0000000  }
0x3: {  	_ = 	snop  }
0x4: {  	_ = 	snop  }
0x5: {  	_ = 	snop  }
0x6: {  	_ = 	snop  }
0x7: {  	_ = 	snop  }
__scs_overlays_trampoline_lowered:
0x8: {  	[smem:$0x3FA1] =	sst s0  }
0x9: {  	[smem:$0x3FA2] =	sst s1  }
0xa: {  	[smem:$0x3FA3] =	sst s2  }
0xb: {  	[smem:$0x3FA4] =	sst s3  }
0xc: {  	[smem:$0x3FA5] =	sst s4  }
0xd: {  	[smem:$0x3FA6] =	sst s5  }
0xe: {  	[smem:$0x3FA7] =	sst s6  }
0xf: {  	[smem:$0x3FA8] =	sst s7  }
0x10: {  	[smem:$0x3FA9] =	sst s8  }
0x11: {  	[smem:$0x3FAA] =	sst s9;
	s0 =	simm.s32 @!p0 $0x0  }
0x12: {  	s1 =	sld [smem:$0x3F90];
	s0 =	simm.s32 @p0 $0x1  }
0x13: {  	[smem:$0x3FAB] =	sst s0;
	s0 =	simm.s32 @!p1 $0x0  }
0x14: {  	s2 =	sld [smem:$0x3F8F];
	s0 =	simm.s32 @p1 $0x1  }
0x15: {  	[smem:$0x3FAC] =	sst s0;
	s0 =	simm.s32 @!p2 $0x0  }
0x16: {  	s3 =	sld [smem:$0x3FDB];
	s0 =	simm.s32 @p2 $0x1  }
0x17: {  	s4 =	simm.s32 $0x1BF5;
	[smem:$0x3FAE] =	sst s0  }
0x18: {  	s0 =	sld [smem:$0x3F91];
	_ =	swait.ge [sflag:s4], $0x0  }
0x19: {  	s7 =	sld [smem:$0x3F92]  }
0x1a: {  	s8 =	sadd.s32 $0xFFFFE003, lr  }
0x1b: {  	s9 =	sadd.s32 $0xFFFFFEF7, lr;
	s5 =	simm.s32 $0xFFFFFFFF;
	p2 =	slt.u32 s8, $0xFFFFF086  }
0x1c: {  	p1 =	slt.u32 s9, $0xF7A;
	s5 =	simm.s32 @!p2 $0x0  }
0x1d: {  	s5 =	simm.s32 @p1 $0x1;
	p0 =	seq.s32 s7, s2  }
0x1e: {  	s7 =	smul.u32 @!p0 $0xF7A, s2;
	p2 =	seq.s32 @!p0 s5, $0x0  }
0x1f: {  	s9 =	smul.u32 $0xF7A, s1;
	s8 =	simm.s32 @!p0 $0x1BF5;
	p2 =	por !p2, p0  }
0x20: {  	[sflag:s8] =	ssyncset.s32 @!p0 $0xFFFFF086;
	s6 =	sadd.s32 @!p0 s3, s7;
	s7 =	simm.s32 @!p0 $0x108  }
0x21: {  	s3 =	sadd.s32 s3, s9;
	s6 =	sadd.s32 @!p0 $0x88, s6;
	s7 =	simm.s32 @p2 $0x1082  }
0x22: {  	[simem:s7], [sflag:s8] =	dma.local @!p0 [hbm:s6], $0xF7A  }
0x23: {  	s9 =	sor.u32 $0xD0000000, s2;
	s6 =	simm.s32 $0x108;
	_ =	swait.ge @!p0 [sflag:s8], $0x0  }
0x24: {  	s3 =	sadd.s32 $0x88, s3;
	s6 =	simm.s32 @!p1 $0x1082;
	[sflag:s4] =	ssyncset.s32 $0xFFFFF086  }
0x25: {  	[simem:s6], [sflag:s4] =	dma.local [hbm:s3], $0xF7A  }
0x26: {  	[smem:$0x3F92] =	sst s1;
	(tag) =	ssettag s2;
	_ =	strace s9  }
0x27: {  	s1 =	sld [smem:$0x3FA2]  }
0x28: {  	s2 =	sld [smem:$0x3FA3]  }
0x29: {  	s4 =	sld [smem:$0x3FA5]  }
0x2a: {  	p0 =	seq.s32 s5, $0x0;
	s5 =	sld [smem:$0x3FA6]  }
0x2b: {  	s6 =	sld [smem:$0x3FA7]  }
0x2c: {  	s7 =	sld [smem:$0x3FA8]  }
0x2d: {  	s3 =	simm.s32 $0x108;
	s8 =	sld [smem:$0x3FA9]  }
0x2e: {  	s3 =	simm.s32 @!p0 $0x1082;
	s9 =	sld [smem:$0x3FAA]  }
0x2f: {  	lr =	sadd.s32 s0, s3;
	s0 =	sld [smem:$0x3FA1]  }
0x30: {  	s3 =	sld [smem:$0x3FA4]  }
0x31: {  	[smem:$0x3FAD] =	sst s10  }
0x32: {  	s10 =	sld [smem:$0x3FAB];
	_ =	sdelay $0x3  }
0x33: {  	p0 =	seq.s32 s10, $0x1;
	s10 =	sld [smem:$0x3FAD];
	_ =	sdelay $0x3  }
0x34: {  	[smem:$0x3FAD] =	sst s10  }
0x35: {  	s10 =	sld [smem:$0x3FAC];
	_ =	sdelay $0x3  }
0x36: {  	p1 =	seq.s32 s10, $0x1;
	s10 =	sld [smem:$0x3FAD];
	_ =	sdelay $0x3  }
0x37: {  	[smem:$0x3FAD] =	sst s10  }
0x38: {  	s10 =	sld [smem:$0x3FAE]  }
0x39: {  	_ = 	snop;
	(pc) =	sbr.ind lr, $3  }
0x3a: {  	_ = 	snop  }
0x3b: {  	_ = 	snop  }
0x3c: {  	p2 =	seq.s32 s10, $0x1;
	s10 =	sld [smem:$0x3FAD]  }
0x3d: {  	_ =	shalt  }
0x3e: {  	_ =	shalt  }
0x3f: {  	_ =	shalt  }
0x40: {  	_ =	shalt  }
0x41: {  	_ =	shalt  }
0x42: {  	_ =	shalt  }
0x43: {  	_ =	shalt  }
0x44: {  	_ =	shalt  }
0x45: {  	_ =	shalt  }
0x46: {  	_ =	shalt  }
0x47: {  	_ =	shalt  }
0x48: {  	_ =	shalt  }
0x49: {  	_ =	shalt  }
0x4a: {  	_ =	shalt  }
0x4b: {  	_ =	shalt  }
0x4c: {  	_ =	shalt  }
0x4d: {  	_ =	shalt  }
0x4e: {  	_ =	shalt  }
0x4f: {  	_ =	shalt  }
0x50: {  	_ =	shalt  }
0x51: {  	_ =	shalt  }
0x52: {  	_ =	shalt  }
0x53: {  	_ =	shalt  }
0x54: {  	_ =	shalt  }
0x55: {  	_ =	shalt  }
0x56: {  	_ =	shalt  }
0x57: {  	_ =	shalt  }
0x58: {  	_ =	shalt  }
0x59: {  	_ =	shalt  }
0x5a: {  	_ =	shalt  }
0x5b: {  	_ =	shalt  }
0x5c: {  	_ =	shalt  }
0x5d: {  	_ =	shalt  }
0x5e: {  	_ =	shalt  }
0x5f: {  	_ =	shalt  }
0x60: {  	_ =	shalt  }
0x61: {  	_ =	shalt  }
0x62: {  	_ =	shalt  }
0x63: {  	_ =	shalt  }
0x64: {  	_ =	shalt  }
0x65: {  	_ =	shalt  }
0x66: {  	_ =	shalt  }
0x67: {  	_ =	shalt  }
0x68: {  	_ =	shalt  }
0x69: {  	_ =	shalt  }
0x6a: {  	_ =	shalt  }
0x6b: {  	_ =	shalt  }
0x6c: {  	_ =	shalt  }
0x6d: {  	_ =	shalt  }
0x6e: {  	_ =	shalt  }
0x6f: {  	_ =	shalt  }
0x70: {  	_ =	shalt  }
0x71: {  	_ =	shalt  }
0x72: {  	_ =	shalt  }
0x73: {  	_ =	shalt  }
0x74: {  	_ =	shalt  }
0x75: {  	_ =	shalt  }
0x76: {  	_ =	shalt  }
0x77: {  	_ =	shalt  }
0x78: {  	_ =	shalt  }
0x79: {  	_ =	shalt  }
0x7a: {  	_ =	shalt  }
0x7b: {  	_ =	shalt  }
0x7c: {  	_ =	shalt  }
0x7d: {  	_ =	shalt  }
0x7e: {  	_ =	shalt  }
0x7f: {  	_ =	shalt  }
0x80: {  	_ =	shalt  }
0x81: {  	_ =	shalt  }
0x82: {  	_ =	shalt  }
0x83: {  	_ =	shalt  }
0x84: {  	_ =	shalt  }
0x85: {  	_ =	shalt  }
0x86: {  	_ =	shalt  }
0x87: {  	_ =	shalt  }
.Lfunc_end0:
.L_simem_size_0:
called_computation.1_lowered:
.L_overlay_start_0:
0x88: {  	s2 =	sld [smem:$0x3FD9]  }
0x89: {  	s3 =	sld [smem:$0x3FFE];
	_ =	sdelay $0x1  }
0x8a: {  	s1 =	srdreg.scid  }
0x8b: {  	s0 =	sand.u32 $0x1, s1  }
0x8c: {  	s17 =	sshll.u32 s0, $0xA;
	s2 =	sadd.s32 s3, s2  }
0x8d: {  	s2 =	sadd.s32 s2, s17  }
0x8e: {  	[smem:$0x3FB9] =	sst s2  }
0x8f: {  	_ = 	snop  }
0x90: {  	s2 =	sld [smem:$0x3FD0];
	(tm) =	ssettm $0x1  }
0x91: {  	s18 =	sld [smem:$0x3FFB];
	_ =	sdelay $0x3  }
0x92: {  	_ =	strace s18  }
0x93: {  	s3 =	sld [smem:$0x3FFC];
	_ =	sdelay $0x3  }
0x94: {  	_ =	strace s3  }
0x95: {  	s3 =	sld [smem:$0x3FFD];
	_ =	sdelay $0x3  }
0x96: {  	_ =	strace s3  }
0x97: {  	_ =	strace $0x8FFFFFFF  }
0x98: {  	s19 =	sld [smem:$0x3FDB];
	_ =	sdelay $0x1  }
0x99: {  	s4 =	simm.s32 $_scs_section_size  }
0x9a: {  	s5 =	simm.s32 $_size__tile_overlayer_lowered;
	s6 =	simm.s32 $_tile_overlayer_lowered  }
0x9b: {  	s22 =	simm.s32 $0x1BFF;
	s21 =	sshll.u32 s6, $0x1;
	s3 =	sadd.s32 s4, s19  }
0x9c: {  	s7 =	simm.s32 $0x0;
	s20 =	sshll.u32 s5, $0x1;
	s5 =	sadd.s32 s21, s3  }
0x9d: {  	[timem:s7], [sflag:s22] =	dma.local [hbm:s5], s20  }
0x9e: {  	_ =	swait.ge [sflag:s22], s20  }
0x9f: {  	s4 =	ssub.s32 $0x0, s20;
	[sflag:s22] =	ssyncset.done $0x0  }
0xa0: {  	[sflag:s22] =	ssyncadd.s32 s4;
	_ =	sdelay $0x1  }
0xa1: {  	s23 =	simm.s32 $0x1B8B  }
0xa2: {  	_ =	swait.ge [sflag:s23], $0x1  }
0xa3: {  	[sflag:s23] =	ssyncset.done $0x0  }
0xa4: {  	s25 =	simm.s32 $0x1B8E;
	s24 =	sld [smem:$0x3FFE];
	[sflag:s23] =	ssyncadd.s32 $0xFFFFFFFF  }
0xa5: {  	s26 =	simm.s32 $execute0_lowered;
	[smem:$0x3FD2] =	sst s25  }
0xa6: {  	s5 =	sshll.u32 s26, $0x1;
	_ =	strace $0x80000049;
	[dreg:$0x1] =	wrdreg $0xFFFFFFFF  }
0xa7: {  	s28 =	simm.s32 $_size_execute0_lowered;
	s3 =	sadd.s32 s3, s5;
	[dreg:$0x0] =	wrdreg $0x0  }
0xa8: {  	s5 =	sshll.u32 s28, $0x1;
	[dreg:$0x2] =	wrdreg s3  }
0xa9: {  	[dreg:$0x3] =	wrdreg s5  }
0xaa: {  	[dreg:$0x4] =	wrdreg $0xC0  }
0xab: {  	_ =	task [dreg:s7], $0x5FFFF  }
0xac: {  	[dreg:$0x1] =	wrdreg $0xFFFFFFFF  }
0xad: {  	[dreg:$0x0] =	wrdreg $0x60  }
0xae: {  	[dreg:$0x2] =	wrdreg s24  }
0xaf: {  	[dreg:$0x3] =	wrdreg s2  }
0xb0: {  	[dreg:$0x4] =	wrdreg $0x84000  }
0xb1: {  	[dreg:$0x5] =	wrdreg $0x9  }
0xb2: {  	_ =	task.clear_ibuf [dreg:s7], $0x6FFFF;
	_ =	strace $0x90000049  }
0xb3: {  	s29 =	simm.s32 $0x9;
	_ =	strace $0x8000004B  }
0xb4: {  	_ =	swait.ge [sflag:s29], $0x1  }
0xb5: {  	[sflag:s29] =	ssyncadd.s32 $0xFFFFFFFF  }
0xb6: {  	_ =	strace $0x9000004B  }
0xb7: {  	_ =	sfence  }
0xb8: {  	s30 =	sld [smem:$0x0];
	_ =	sdelay $0x2  }
0xb9: {  	s31 =	sshll.u32 s1, $0xD;
	s1 =	sshrl.u32 s1, $0x2  }
0xba: {  	s3 =	sand.u32 $0x4000, s31;
	s1 =	sadd.s32 s1, s30  }
0xbb: {  	s0 =	sor.u32 s3, s0;
	s1 =	sshll.u32 s1, $0x11  }
0xbc: {  	s0 =	sor.u32 s1, s0  }
0xbd: {  	s0 =	sadd.s32 $0x8F2B, s0  }
0xbe: {  	[sflag:s0] =	ssyncadd.remote.s32 $0x1  }
0xbf: {  	_ =	sfence.sel $0xFFFF  }
0xc0: {  	[dreg:$0x0] =	wrdreg $0xFFFFFFFF;
	(pc) =	sbr.abs _section_cstart, $3  }
0xc1: {  	[dreg:$0x1] =	wrdreg $0xFFFFFFFF  }
0xc2: {  	_ =	task.clear_ibuf [dreg:s7], $0x2FFFF;
	_ =	strace $0x9FFFFFFF  }
0xc3: {  	(tm) =	ssettm $0x7FFFFFFF  }
tec
execute0_lowered:
.L_overlay_start_1:
0x0: {  	(tag) =	ssettag $0x1  }
0x1: {  	s0 =	rddreg [dreg:$0x0]  }
0x2: {  	s2 =	rddreg [dreg:$0x2];
	s1 =	srdreg.scid  }
0x3: {  	s4 =	simm.s32 $0x0;
	s11 =	stileid.u32;
	s29 =	simm.s32 $0x200  }
0x4: {  	s30 =	simm.s32 $0x280;
	s31 =	simm.s32 $0x300;
	s1 =	sand.u32 $0x1, s1  }
0x5: {  	[smem:$0x7FF] =	sst s4;
	s6 =	smul.u32 $0x13C00, s11;
	s5 =	sadd.s32 $0x15E00, s0  }
0x6: {  	s7 =	sadd.s32 $0x1E00, s0;
	s8 =	sshll.u32 s11, $0x1;
	s10 =	smul.u32 $0x4F000, s11  }
0x7: {  	s14 =	sshll.u32 s11, $0x6;
	s19 =	smul.u32 $0xA0, s11;
	s11 =	simm.s32 $0x5  }
0x8: {  	s3 =	smul.u32 $0x13C000, s1;
	_ =	strace $0x8000004A;
	s9 =	ssub.s32 $0x2, s1  }
0x9: {  	s8 =	sor.u32 s1, s8;
	s17 =	sor.u32 $0x1C0B, s14;
	s1 =	smul.u32 $0x50, s1  }
0xa: {  	s14 =	simm.s32 $0x7;
	s12 =	sshrl.u32 s9, $0x1;
	s8 =	smul.u32 $0x500, s8  }
0xb: {  	s13 =	sshrl.u32 s10, $0x2;
	s10 =	simm.s32 $0x2;
	[dreg:$0x5] =	wrdreg s17  }
0xc: {  	s3 =	sadd.s32 s6, s3;
	s6 =	sadd.s32 $0xBE00, s0;
	s1 =	sadd.s32 s1, s19  }
0xd: {  	s3 =	sshrl.u32 s3, $0x3;
	s15 =	sadd.s32 s7, s8;
	s16 =	sadd.s32 s6, s8  }
0xe: {  	s18 =	sor.u32 $0x10, s8;
	s21 =	sor.u32 $0x20, s8;
	s8 =	sor.u32 $0x30, s8  }
0xf: {  	s25 =	sshll.u32 s1, $0x4;
	s1 =	simm.s32 $0x400;
	s0 =	sadd.s32 s3, s0  }
0x10: {  	s3 =	ssub.s32 s9, s12;
	s9 =	sadd.s32 s13, s2;
	[dreg:$0x6] =	wrdreg s15  }
0x11: {  	[dreg:$0x7] =	wrdreg s16;
	s20 =	sadd.s32 s7, s18;
	s22 =	sadd.s32 s7, s21  }
0x12: {  	s23 =	sadd.s32 s6, s21;
	s24 =	sadd.s32 s7, s8;
	[dreg:$0x4] =	wrdreg s9  }
0x13: {  	s8 =	sadd.s32 s6, s8;
	s28 =	sor.u32 $0x60, s25;
	[dreg:$0x8] =	wrdreg s20  }
0x14: {  	s19 =	sadd.s32 s25, s6;
	s12 =	simm.s32 $0xA;
	[dreg:$0xa] =	wrdreg s22  }
0x15: {  	s13 =	simm.s32 $0x4;
	s15 =	simm.s32 $0x6;
	[dreg:$0xb] =	wrdreg s23  }
0x16: {  	s16 =	simm.s32 $0x8;
	s9 =	sadd.s32 s6, s18;
	[dreg:$0xc] =	wrdreg s24  }
0x17: {  	[dreg:$0xd] =	wrdreg s8;
	s0 =	sadd.s32 $0x8CE00, s0;
	s26 =	smax.u32 s3, $0x1  }
0x18: {  	s18 =	sadd.s32 s25, s7;
	s20 =	sadd.s32 s28, s7;
	s21 =	sadd.s32 s28, s6  }
.Ltmp0:
0x19: {  	s24 =	simm.s32 $0xB;
	[dreg:$0x9] =	wrdreg s9;
	(pc) =	sbr.rel .LBB2_1-.Ltmp0, $4  }
0x1a: {  	s3 =	simm.s32 $0x1;
	s8 =	simm.s32 $0x4400;
	[dreg:$0xe] =	wrdreg s0  }
0x1b: {  	[dreg:$0xf] =	wrdreg s26;
	s0 =	sor.u32 $0x40, s25;
	s25 =	simm.s32 $0x80  }
0x1c: {  	s9 =	simm.s32 $0x9;
	s26 =	simm.s32 $0x0;
	s22 =	sadd.s32 s0, s7  }
0x1d: {  	s23 =	sadd.s32 s0, s6;
	s0 =	simm.s32 $0x380;
	s6 =	simm.s32 $0x3  }
.LBB2_4:
0x1e: {  	_ =	swait.ge [sflag:s12], $0x4000  }
0x1f: {  	[sflag:s12] =	ssyncset.done $0x0  }
0x20: {  	[sflag:s12] =	ssyncadd.s32 $0xFFFFC000  }
0x21: {  	_ =	swait.ge [sflag:s16], $0x80  }
0x22: {  	[sflag:s16] =	ssyncset.done $0x0  }
0x23: {  	[sflag:s16] =	ssyncadd.s32 $0xFFFFFF80  }
0x24: {  	[spmem:s2] =	stream.indirect.scatter.add.f32 [tilespmem:s8], [sflag:$0xB], $0x80, s0, s25, $0xb8;
	[tilespmem:$0x1C000] =	vst v63  }
0x25: {  	_ =	swait.ge [sflag:s24], $0x4000  }
0x26: {  	[sflag:s24] =	ssyncset.done $0x0  }
0x27: {  	[sflag:s24] =	ssyncadd.s32 $0xFFFFC000  }
0x28: {  	[bflag:$0x0] =	sbarrier.arrive $0xFFFF  }
0x29: {  	s17 =	rddreg [dreg:$0x5]  }
0x2a: {  	s7 =	rddreg [dreg:$0xe]  }
0x2b: {  	s26 =	rddreg [dreg:$0x11]  }
0x2c: {  	[hbm:s7], [sflag:s17] =	dma.local [spmem:s26], $0x2780  }
0x2d: {  	_ =	swait.ge [sflag:s24], $0x2780  }
0x2e: {  	s7 =	rddreg [dreg:$0x10]  }
0x2f: {  	s28 =	rddreg [dreg:$0xf];
	s26 =	sadd.s32 $0x1, s7  }
0x30: {  	p0 =	sne.s32 s26, s28  }
.Ltmp1:
0x31: {  	_ = 	snop;
	(pc) =	sbr.rel @!p0 .LBB2_5-.Ltmp1, $3  }
0x32: {  	_ =	sdelay $0x1  }
0x33: {  	[sflag:s24] =	ssyncset.done $0x0  }
0x34: {  	[sflag:s24] =	ssyncadd.s32 $0xFFFFD880  }
.LBB2_1:
0x35: {  	[dreg:$0x10] =	wrdreg s26  }
0x36: {  	s7 =	rddreg [dreg:$0x4]  }
0x37: {  	s28 =	rddreg [dreg:$0x1];
	s7 =	sshrl.u32 s7, $0x3  }
0x38: {  	[dreg:$0x11] =	wrdreg s7  }
0x39: {  	[spmem:s7], [sflag:s17] =	dma.local [hbm:s28], $0x2780  }
0x3a: {  	_ =	swait.ge [sflag:s24], $0x2780  }
0x3b: {  	[sflag:s24] =	ssyncset.done $0x0  }
0x3c: {  	[sflag:s24] =	ssyncadd.s32 $0xFFFFD880  }
0x3d: {  	[bflag:$0x0] =	sbarrier.arrive $0xFFFF  }
0x3e: {  	s28 =	rddreg [dreg:$0x6]  }
0x3f: {  	[tilespmem:s4], [sflag:$0x1] =	stream.linear.gather [hbm4b:s28+s4], $0x80, $0x38;
	[tilespmem:$0x1C000] =	vst v63  }
0x40: {  	s17 =	rddreg [dreg:$0x7]  }
0x41: {  	[tilespmem:s25], [sflag:$0x2] =	stream.linear.gather [hbm4b:s17+s4], $0x80, $0x38;
	[tilespmem:$0x1C000] =	vst v63  }
0x42: {  	s26 =	rddreg [dreg:$0x8];
	s28 =	simm.s32 $0x100  }
0x43: {  	[tilespmem:s28], [sflag:$0x3] =	stream.linear.gather [hbm4b:s26+s4], $0x80, $0x38;
	[tilespmem:$0x1C000] =	vst v63  }
0x44: {  	s17 =	rddreg [dreg:$0x9];
	s26 =	simm.s32 $0x180  }
0x45: {  	[tilespmem:s26], [sflag:$0x4] =	stream.linear.gather [hbm4b:s17+s4], $0x80, $0x38;
	[tilespmem:$0x1C000] =	vst v63  }
0x46: {  	s28 =	rddreg [dreg:$0xa]  }
0x47: {  	[tilespmem:s29], [sflag:$0x5] =	stream.linear.gather [hbm4b:s28+s4], $0x80, $0x38;
	[tilespmem:$0x1C000] =	vst v63  }
0x48: {  	s17 =	rddreg [dreg:$0xb]  }
0x49: {  	[tilespmem:s30], [sflag:$0x6] =	stream.linear.gather [hbm4b:s17+s4], $0x80, $0x38;
	[tilespmem:$0x1C000] =	vst v63  }
0x4a: {  	s26 =	rddreg [dreg:$0xc]  }
0x4b: {  	[tilespmem:s31], [sflag:$0x7] =	stream.linear.gather [hbm4b:s26+s4], $0x80, $0x38;
	[tilespmem:$0x1C000] =	vst v63  }
0x4c: {  	s28 =	rddreg [dreg:$0xd]  }
0x4d: {  	[tilespmem:s0], [sflag:$0x8] =	stream.linear.gather [hbm4b:s28+s4], $0x80, $0x38;
	[tilespmem:$0x1C000] =	vst v63  }
0x4e: {  	_ =	swait.ge [sflag:s3], $0x80  }
0x4f: {  	[sflag:s3] =	ssyncset.done $0x0  }
0x50: {  	s7 =	simm.s32 $0x0;
	[sflag:s3] =	ssyncadd.s32 $0xFFFFFF80  }
0x51: {  	[tilespmem:s1], [sflag:$0x9] =	stream.indirect.gather [hbm4b:s5+s25], $0x80, s4, s25, $0xb8;
	[tilespmem:$0x1C000] =	vst v63  }
.LBB2_2:
0x52: {  	_ =	swait.ge [sflag:s6], $0x80  }
0x53: {  	[sflag:s6] =	ssyncset.done $0x0  }
0x54: {  	s17 =	simm.s32 $0x100;
	[sflag:s6] =	ssyncadd.s32 $0xFFFFFF80  }
0x55: {  	[tilespmem:s8], [sflag:$0xA] =	stream.indirect.gather [hbm4b:s5+s25], $0x80, s17, s25, $0xb8;
	[tilespmem:$0x1C000] =	vst v63  }
0x56: {  	_ =	swait.ge [sflag:s9], $0x4000  }
0x57: {  	[sflag:s9] =	ssyncset.done $0x0  }
0x58: {  	[sflag:s9] =	ssyncadd.s32 $0xFFFFC000  }
0x59: {  	_ =	swait.ge [sflag:s10], $0x80  }
0x5a: {  	[sflag:s10] =	ssyncset.done $0x0  }
0x5b: {  	[sflag:s10] =	ssyncadd.s32 $0xFFFFFF80  }
0x5c: {  	[spmem:s2] =	stream.indirect.scatter.add.f32 [tilespmem:s1], [sflag:$0xB], $0x80, s25, s25, $0xb8;
	[tilespmem:$0x1C000] =	vst v63  }
0x5d: {  	_ =	swait.ge [sflag:s24], $0x4000  }
0x5e: {  	p0 =	seq.s32 s7, $0x4C0;
	[sflag:s24] =	ssyncset.done $0x0  }
0x5f: {  	s26 =	simm.s32 @!p0 $0x0;
	s17 =	sadd.s32 @!p0 s7, s22;
	[sflag:s24] =	ssyncadd.s32 $0xFFFFC000  }
0x60: {  	[tilespmem:s26], [sflag:$0x1] =	stream.linear.gather @!p0 [hbm4b:s17+s26], $0x80, $0x38;
	[tilespmem:$0x1C000] =	vst v63  }
0x61: {  	s28 =	simm.s32 @!p0 $0x80;
	s17 =	sadd.s32 @!p0 s7, s23  }
0x62: {  	[tilespmem:s28], [sflag:$0x2] =	stream.linear.gather @!p0 [hbm4b:s17+s26], $0x80, $0x38;
	[tilespmem:$0x1C000] =	vst v63  }
0x63: {  	_ =	swait.ge [sflag:s11], $0x80  }
0x64: {  	[sflag:s11] =	ssyncset.done $0x0  }
0x65: {  	[sflag:s11] =	ssyncadd.s32 $0xFFFFFF80  }
0x66: {  	[tilespmem:s1], [sflag:$0x9] =	stream.indirect.gather [hbm4b:s5+s25], $0x80, s29, s25, $0xb8;
	[tilespmem:$0x1C000] =	vst v63  }
0x67: {  	_ =	swait.ge [sflag:s12], $0x4000  }
0x68: {  	[sflag:s12] =	ssyncset.done $0x0  }
0x69: {  	[sflag:s12] =	ssyncadd.s32 $0xFFFFC000  }
0x6a: {  	_ =	swait.ge [sflag:s13], $0x80  }
0x6b: {  	[sflag:s13] =	ssyncset.done $0x0  }
0x6c: {  	s28 =	simm.s32 $0x180;
	[sflag:s13] =	ssyncadd.s32 $0xFFFFFF80  }
0x6d: {  	[spmem:s2] =	stream.indirect.scatter.add.f32 [tilespmem:s8], [sflag:$0xB], $0x80, s28, s25, $0xb8;
	[tilespmem:$0x1C000] =	vst v63  }
0x6e: {  	_ =	swait.ge [sflag:s24], $0x4000  }
0x6f: {  	s17 =	sadd.s32 @!p0 s7, s18;
	[sflag:s24] =	ssyncset.done $0x0  }
0x70: {  	s17 =	sadd.s32 @!p0 $0x50, s17;
	s28 =	simm.s32 @!p0 $0x100;
	[sflag:s24] =	ssyncadd.s32 $0xFFFFC000  }
0x71: {  	[tilespmem:s28], [sflag:$0x3] =	stream.linear.gather @!p0 [hbm4b:s17+s26], $0x80, $0x38;
	[tilespmem:$0x1C000] =	vst v63  }
0x72: {  	s17 =	sadd.s32 @!p0 s7, s19  }
0x73: {  	s28 =	simm.s32 @!p0 $0x180;
	s17 =	sadd.s32 @!p0 $0x50, s17  }
0x74: {  	[tilespmem:s28], [sflag:$0x4] =	stream.linear.gather @!p0 [hbm4b:s17+s26], $0x80, $0x38;
	[tilespmem:$0x1C000] =	vst v63  }
0x75: {  	_ =	swait.ge [sflag:s14], $0x80  }
0x76: {  	[sflag:s14] =	ssyncset.done $0x0  }
0x77: {  	[sflag:s14] =	ssyncadd.s32 $0xFFFFFF80  }
0x78: {  	[tilespmem:s8], [sflag:$0xA] =	stream.indirect.gather [hbm4b:s5+s25], $0x80, s31, s25, $0xb8;
	[tilespmem:$0x1C000] =	vst v63  }
0x79: {  	_ =	swait.ge [sflag:s9], $0x4000  }
0x7a: {  	[sflag:s9] =	ssyncset.done $0x0  }
0x7b: {  	[sflag:s9] =	ssyncadd.s32 $0xFFFFC000  }
0x7c: {  	_ =	swait.ge [sflag:s15], $0x80  }
0x7d: {  	[sflag:s15] =	ssyncset.done $0x0  }
.Ltmp2:
0x7e: {  	[sflag:s15] =	ssyncadd.s32 $0xFFFFFF80;
	(pc) =	sbr.rel @p0 .LBB2_4-.Ltmp2, $4  }
0x7f: {  	[spmem:s2] =	stream.indirect.scatter.add.f32 [tilespmem:s1], [sflag:$0xB], $0x80, s30, s25, $0xb8;
	[tilespmem:$0x1C000] =	vst v63  }
0x80: {  	_ =	swait.ge [sflag:s24], $0x4000  }
0x81: {  	[sflag:s24] =	ssyncset.done $0x0  }
0x82: {  	[sflag:s24] =	ssyncadd.s32 $0xFFFFC000  }
0x83: {  	s17 =	sadd.s32 s7, s20  }
0x84: {  	[tilespmem:s29], [sflag:$0x5] =	stream.linear.gather [hbm4b:s17+s4], $0x80, $0x38;
	[tilespmem:$0x1C000] =	vst v63  }
0x85: {  	s28 =	sadd.s32 s7, s21  }
0x86: {  	[tilespmem:s30], [sflag:$0x6] =	stream.linear.gather [hbm4b:s28+s4], $0x80, $0x38;
	[tilespmem:$0x1C000] =	vst v63  }
0x87: {  	_ =	swait.ge [sflag:s3], $0x80  }
0x88: {  	[sflag:s3] =	ssyncset.done $0x0  }
0x89: {  	[sflag:s3] =	ssyncadd.s32 $0xFFFFFF80  }
0x8a: {  	[tilespmem:s1], [sflag:$0x9] =	stream.indirect.gather [hbm4b:s5+s25], $0x80, s4, s25, $0xb8;
	[tilespmem:$0x1C000] =	vst v63  }
0x8b: {  	_ =	swait.ge [sflag:s12], $0x4000  }
0x8c: {  	[sflag:s12] =	ssyncset.done $0x0  }
0x8d: {  	[sflag:s12] =	ssyncadd.s32 $0xFFFFC000  }
0x8e: {  	_ =	swait.ge [sflag:s16], $0x80  }
0x8f: {  	[sflag:s16] =	ssyncset.done $0x0  }
0x90: {  	[sflag:s16] =	ssyncadd.s32 $0xFFFFFF80  }
0x91: {  	[spmem:s2] =	stream.indirect.scatter.add.f32 [tilespmem:s8], [sflag:$0xB], $0x80, s0, s25, $0xb8;
	[tilespmem:$0x1C000] =	vst v63  }
0x92: {  	_ =	swait.ge [sflag:s24], $0x4000  }
.Ltmp3:
0x93: {  	s26 =	sadd.s32 s7, s18;
	[sflag:s24] =	ssyncset.done $0x0;
	(pc) =	sbr.rel .LBB2_2-.Ltmp3, $4  }
0x94: {  	s17 =	sadd.s32 $0x70, s26;
	s28 =	sadd.s32 s7, s19;
	[sflag:s24] =	ssyncadd.s32 $0xFFFFC000  }
0x95: {  	[tilespmem:s31], [sflag:$0x7] =	stream.linear.gather [hbm4b:s17+s4], $0x80, $0x38;
	[tilespmem:$0x1C000] =	vst v63  }
0x96: {  	s7 =	sadd.s32 $0x40, s7;
	s17 =	sadd.s32 $0x70, s28  }
0x97: {  	[tilespmem:s0], [sflag:$0x8] =	stream.linear.gather [hbm4b:s17+s4], $0x80, $0x38;
	[tilespmem:$0x1C000] =	vst v63  }
.LBB2_5:
0x98: {  	_ =	sfence.sel $0x180000  }
0x99: {  	[bflag:$0x0] =	sbarrier.arrive $0xFFFF  }
0x9a: {  	_ =	strace $0x9000004A  }
0x9b: {  	s0 =	stileid.u32;
	[bflag:$0x2] =	sbarrier.arrive $0xFFFF  }
0x9c: {  	p0 =	sne.s32 s0, $0x0;
	s0 =	rddreg [dreg:$0x3]  }
0x9d: {  	s0 =	sadd.s32 @!p0 $0x100000, s0  }
0x9e: {  	[sflag:s0] =	ssyncadd.tile.s32 @!p0 $0x1;
	_ =	shalt  }
.Lfunc_end2:
_tile_overlayer_lowered:
.L_overlay_start_2:
0x9f: {  	(tag) =	ssettag $0x2  }
0xa0: {  	s0 =	rddreg [dreg:$0x0];
	s2 =	stileid.u32  }
0xa1: {  	s1 =	rddreg [dreg:$0x1];
	p0 =	sne.s32 s2, $0x0  }
0xa2: {  	s3 =	rddreg [dreg:$0x2];
	[bflag:$0x3] =	sbarrier.arrive $0xFFFF;
	s2 =	simm.s32 @!p0 $0x1C0B  }
0xa3: {  	[timem:s3], [sflag:s2] =	dma.local @!p0 [hbm:s0], s1  }
0xa4: {  	s0 =	simm.s32 @!p0 $0xB  }
0xa5: {  	_ =	swait.ge @!p0 [sflag:s0], s1  }
0xa6: {  	s1 =	ssub.s32 @!p0 $0x0, s1;
	[sflag:s0] =	ssyncset.done @!p0 $0x0  }
0xa7: {  	[sflag:s0] =	ssyncadd.s32 @!p0 s1  }
0xa8: {  	[bflag:$0x3] =	sbarrier.arrive $0xFFFF  }
0xa9: {  	_ =	shalt  }

// kernel: _forward.13.cloned.1.call-start
scs
__scs_entry_jumppad:
0x0: {  	(pc) =	sbr.rel $0x88, $3  }
0x1: {  	(tag) =	ssettag $0x0;
	lr =	simm.s32 $0x1  }
0x2: {  	[smem:$0x3F92] =	sst lr;
	_ =	strace $0xD0000000  }
0x3: {  	_ = 	snop  }
0x4: {  	_ = 	snop  }
0x5: {  	_ = 	snop  }
0x6: {  	_ = 	snop  }
0x7: {  	_ = 	snop  }
__scs_overlays_trampoline_lowered:
0x8: {  	[smem:$0x3FA1] =	sst s0  }
0x9: {  	[smem:$0x3FA2] =	sst s1  }
0xa: {  	[smem:$0x3FA3] =	sst s2  }
0xb: {  	[smem:$0x3FA4] =	sst s3  }
0xc: {  	[smem:$0x3FA5] =	sst s4  }
0xd: {  	[smem:$0x3FA6] =	sst s5  }
0xe: {  	[smem:$0x3FA7] =	sst s6  }
0xf: {  	[smem:$0x3FA8] =	sst s7  }
0x10: {  	[smem:$0x3FA9] =	sst s8  }
0x11: {  	[smem:$0x3FAA] =	sst s9;
	s0 =	simm.s32 @!p0 $0x0  }
0x12: {  	s1 =	sld [smem:$0x3F90];
	s0 =	simm.s32 @p0 $0x1  }
0x13: {  	[smem:$0x3FAB] =	sst s0;
	s0 =	simm.s32 @!p1 $0x0  }
0x14: {  	s2 =	sld [smem:$0x3F8F];
	s0 =	simm.s32 @p1 $0x1  }
0x15: {  	[smem:$0x3FAC] =	sst s0;
	s0 =	simm.s32 @!p2 $0x0  }
0x16: {  	s3 =	sld [smem:$0x3FDB];
	s0 =	simm.s32 @p2 $0x1  }
0x17: {  	s4 =	simm.s32 $0x1BF5;
	[smem:$0x3FAE] =	sst s0  }
0x18: {  	s0 =	sld [smem:$0x3F91];
	_ =	swait.ge [sflag:s4], $0x0  }
0x19: {  	s7 =	sld [smem:$0x3F92]  }
0x1a: {  	s8 =	sadd.s32 $0xFFFFE003, lr  }
0x1b: {  	s9 =	sadd.s32 $0xFFFFFEF7, lr;
	s5 =	simm.s32 $0xFFFFFFFF;
	p2 =	slt.u32 s8, $0xFFFFF086  }
0x1c: {  	p1 =	slt.u32 s9, $0xF7A;
	s5 =	simm.s32 @!p2 $0x0  }
0x1d: {  	s5 =	simm.s32 @p1 $0x1;
	p0 =	seq.s32 s7, s2  }
0x1e: {  	s7 =	smul.u32 @!p0 $0xF7A, s2;
	p2 =	seq.s32 @!p0 s5, $0x0  }
0x1f: {  	s9 =	smul.u32 $0xF7A, s1;
	s8 =	simm.s32 @!p0 $0x1BF5;
	p2 =	por !p2, p0  }
0x20: {  	[sflag:s8] =	ssyncset.s32 @!p0 $0xFFFFF086;
	s6 =	sadd.s32 @!p0 s3, s7;
	s7 =	simm.s32 @!p0 $0x108  }
0x21: {  	s3 =	sadd.s32 s3, s9;
	s6 =	sadd.s32 @!p0 $0x88, s6;
	s7 =	simm.s32 @p2 $0x1082  }
0x22: {  	[simem:s7], [sflag:s8] =	dma.local @!p0 [hbm:s6], $0xF7A  }
0x23: {  	s9 =	sor.u32 $0xD0000000, s2;
	s6 =	simm.s32 $0x108;
	_ =	swait.ge @!p0 [sflag:s8], $0x0  }
0x24: {  	s3 =	sadd.s32 $0x88, s3;
	s6 =	simm.s32 @!p1 $0x1082;
	[sflag:s4] =	ssyncset.s32 $0xFFFFF086  }
0x25: {  	[simem:s6], [sflag:s4] =	dma.local [hbm:s3], $0xF7A  }
0x26: {  	[smem:$0x3F92] =	sst s1;
	(tag) =	ssettag s2;
	_ =	strace s9  }
0x27: {  	s1 =	sld [smem:$0x3FA2]  }
0x28: {  	s2 =	sld [smem:$0x3FA3]  }
0x29: {  	s4 =	sld [smem:$0x3FA5]  }
0x2a: {  	p0 =	seq.s32 s5, $0x0;
	s5 =	sld [smem:$0x3FA6]  }
0x2b: {  	s6 =	sld [smem:$0x3FA7]  }
0x2c: {  	s7 =	sld [smem:$0x3FA8]  }
0x2d: {  	s3 =	simm.s32 $0x108;
	s8 =	sld [smem:$0x3FA9]  }
0x2e: {  	s3 =	simm.s32 @!p0 $0x1082;
	s9 =	sld [smem:$0x3FAA]  }
0x2f: {  	lr =	sadd.s32 s0, s3;
	s0 =	sld [smem:$0x3FA1]  }
0x30: {  	s3 =	sld [smem:$0x3FA4]  }
0x31: {  	[smem:$0x3FAD] =	sst s10  }
0x32: {  	s10 =	sld [smem:$0x3FAB];
	_ =	sdelay $0x3  }
0x33: {  	p0 =	seq.s32 s10, $0x1;
	s10 =	sld [smem:$0x3FAD];
	_ =	sdelay $0x3  }
0x34: {  	[smem:$0x3FAD] =	sst s10  }
0x35: {  	s10 =	sld [smem:$0x3FAC];
	_ =	sdelay $0x3  }
0x36: {  	p1 =	seq.s32 s10, $0x1;
	s10 =	sld [smem:$0x3FAD];
	_ =	sdelay $0x3  }
0x37: {  	[smem:$0x3FAD] =	sst s10  }
0x38: {  	s10 =	sld [smem:$0x3FAE]  }
0x39: {  	_ = 	snop;
	(pc) =	sbr.ind lr, $3  }
0x3a: {  	_ = 	snop  }
0x3b: {  	_ = 	snop  }
0x3c: {  	p2 =	seq.s32 s10, $0x1;
	s10 =	sld [smem:$0x3FAD]  }
0x3d: {  	_ =	shalt  }
0x3e: {  	_ =	shalt  }
0x3f: {  	_ =	shalt  }
0x40: {  	_ =	shalt  }
0x41: {  	_ =	shalt  }
0x42: {  	_ =	shalt  }
0x43: {  	_ =	shalt  }
0x44: {  	_ =	shalt  }
0x45: {  	_ =	shalt  }
0x46: {  	_ =	shalt  }
0x47: {  	_ =	shalt  }
0x48: {  	_ =	shalt  }
0x49: {  	_ =	shalt  }
0x4a: {  	_ =	shalt  }
0x4b: {  	_ =	shalt  }
0x4c: {  	_ =	shalt  }
0x4d: {  	_ =	shalt  }
0x4e: {  	_ =	shalt  }
0x4f: {  	_ =	shalt  }
0x50: {  	_ =	shalt  }
0x51: {  	_ =	shalt  }
0x52: {  	_ =	shalt  }
0x53: {  	_ =	shalt  }
0x54: {  	_ =	shalt  }
0x55: {  	_ =	shalt  }
0x56: {  	_ =	shalt  }
0x57: {  	_ =	shalt  }
0x58: {  	_ =	shalt  }
0x59: {  	_ =	shalt  }
0x5a: {  	_ =	shalt  }
0x5b: {  	_ =	shalt  }
0x5c: {  	_ =	shalt  }
0x5d: {  	_ =	shalt  }
0x5e: {  	_ =	shalt  }
0x5f: {  	_ =	shalt  }
0x60: {  	_ =	shalt  }
0x61: {  	_ =	shalt  }
0x62: {  	_ =	shalt  }
0x63: {  	_ =	shalt  }
0x64: {  	_ =	shalt  }
0x65: {  	_ =	shalt  }
0x66: {  	_ =	shalt  }
0x67: {  	_ =	shalt  }
0x68: {  	_ =	shalt  }
0x69: {  	_ =	shalt  }
0x6a: {  	_ =	shalt  }
0x6b: {  	_ =	shalt  }
0x6c: {  	_ =	shalt  }
0x6d: {  	_ =	shalt  }
0x6e: {  	_ =	shalt  }
0x6f: {  	_ =	shalt  }
0x70: {  	_ =	shalt  }
0x71: {  	_ =	shalt  }
0x72: {  	_ =	shalt  }
0x73: {  	_ =	shalt  }
0x74: {  	_ =	shalt  }
0x75: {  	_ =	shalt  }
0x76: {  	_ =	shalt  }
0x77: {  	_ =	shalt  }
0x78: {  	_ =	shalt  }
0x79: {  	_ =	shalt  }
0x7a: {  	_ =	shalt  }
0x7b: {  	_ =	shalt  }
0x7c: {  	_ =	shalt  }
0x7d: {  	_ =	shalt  }
0x7e: {  	_ =	shalt  }
0x7f: {  	_ =	shalt  }
0x80: {  	_ =	shalt  }
0x81: {  	_ =	shalt  }
0x82: {  	_ =	shalt  }
0x83: {  	_ =	shalt  }
0x84: {  	_ =	shalt  }
0x85: {  	_ =	shalt  }
0x86: {  	_ =	shalt  }
0x87: {  	_ =	shalt  }
.Lfunc_end0:
.L_simem_size_0:
called_computation.2_lowered:
.L_overlay_start_0:
0x88: {  	s2 =	sld [smem:$0x3FD9]  }
0x89: {  	s3 =	sld [smem:$0x3FFE];
	_ =	sdelay $0x1  }
0x8a: {  	s1 =	srdreg.scid  }
0x8b: {  	s0 =	sand.u32 $0x1, s1  }
0x8c: {  	s17 =	sshll.u32 s0, $0xA;
	s2 =	sadd.s32 s3, s2  }
0x8d: {  	s2 =	sadd.s32 s2, s17  }
0x8e: {  	[smem:$0x3FB9] =	sst s2  }
0x8f: {  	_ = 	snop  }
0x90: {  	s2 =	sld [smem:$0x3FD0];
	(tm) =	ssettm $0x1  }
0x91: {  	s18 =	sld [smem:$0x3FFB];
	_ =	sdelay $0x3  }
0x92: {  	_ =	strace s18  }
0x93: {  	s3 =	sld [smem:$0x3FFC];
	_ =	sdelay $0x3  }
0x94: {  	_ =	strace s3  }
0x95: {  	s3 =	sld [smem:$0x3FFD];
	_ =	sdelay $0x3  }
0x96: {  	_ =	strace s3  }
0x97: {  	_ =	strace $0x8FFFFFFF  }
0x98: {  	s19 =	sld [smem:$0x3FDB];
	_ =	sdelay $0x1  }
0x99: {  	s4 =	simm.s32 $_scs_section_size  }
0x9a: {  	s5 =	simm.s32 $_size__tile_overlayer_lowered;
	s6 =	simm.s32 $_tile_overlayer_lowered  }
0x9b: {  	s22 =	simm.s32 $0x1BFF;
	s21 =	sshll.u32 s6, $0x1;
	s3 =	sadd.s32 s4, s19  }
0x9c: {  	s7 =	simm.s32 $0x0;
	s20 =	sshll.u32 s5, $0x1;
	s5 =	sadd.s32 s21, s3  }
0x9d: {  	[timem:s7], [sflag:s22] =	dma.local [hbm:s5], s20  }
0x9e: {  	_ =	swait.ge [sflag:s22], s20  }
0x9f: {  	s4 =	ssub.s32 $0x0, s20;
	[sflag:s22] =	ssyncset.done $0x0  }
0xa0: {  	[sflag:s22] =	ssyncadd.s32 s4;
	_ =	sdelay $0x1  }
0xa1: {  	s23 =	simm.s32 $0x1B8B  }
0xa2: {  	_ =	swait.ge [sflag:s23], $0x1  }
0xa3: {  	[sflag:s23] =	ssyncset.done $0x0  }
0xa4: {  	s25 =	simm.s32 $0x1B8E;
	s24 =	sld [smem:$0x3FFE];
	[sflag:s23] =	ssyncadd.s32 $0xFFFFFFFF  }
0xa5: {  	s26 =	simm.s32 $execute0_lowered;
	[smem:$0x3FD2] =	sst s25  }
0xa6: {  	s5 =	sshll.u32 s26, $0x1;
	_ =	strace $0x8000004C;
	[dreg:$0x1] =	wrdreg $0xFFFFFFFF  }
0xa7: {  	s28 =	simm.s32 $_size_execute0_lowered;
	s3 =	sadd.s32 s3, s5;
	[dreg:$0x0] =	wrdreg $0x0  }
0xa8: {  	s5 =	sshll.u32 s28, $0x1;
	[dreg:$0x2] =	wrdreg s3  }
0xa9: {  	[dreg:$0x3] =	wrdreg s5  }
0xaa: {  	[dreg:$0x4] =	wrdreg $0xC0  }
0xab: {  	_ =	task [dreg:s7], $0x5FFFF  }
0xac: {  	[dreg:$0x1] =	wrdreg $0xFFFFFFFF  }
0xad: {  	[dreg:$0x0] =	wrdreg $0x60  }
0xae: {  	[dreg:$0x2] =	wrdreg s24  }
0xaf: {  	[dreg:$0x3] =	wrdreg s2  }
0xb0: {  	[dreg:$0x4] =	wrdreg $0x9  }
0xb1: {  	_ =	task.clear_ibuf [dreg:s7], $0x5FFFF;
	_ =	strace $0x9000004C  }
0xb2: {  	s29 =	simm.s32 $0x9;
	_ =	strace $0x8000004E  }
0xb3: {  	_ =	swait.ge [sflag:s29], $0x1  }
0xb4: {  	[sflag:s29] =	ssyncadd.s32 $0xFFFFFFFF  }
0xb5: {  	_ =	strace $0x9000004E  }
0xb6: {  	_ =	sfence  }
0xb7: {  	s30 =	sld [smem:$0x0];
	_ =	sdelay $0x2  }
0xb8: {  	s31 =	sshll.u32 s1, $0xD;
	s1 =	sshrl.u32 s1, $0x2  }
0xb9: {  	s3 =	sand.u32 $0x4000, s31;
	s1 =	sadd.s32 s1, s30  }
0xba: {  	s0 =	sor.u32 s3, s0;
	s1 =	sshll.u32 s1, $0x11  }
0xbb: {  	s0 =	sor.u32 s1, s0  }
0xbc: {  	s0 =	sadd.s32 $0x8F2B, s0  }
0xbd: {  	[sflag:s0] =	ssyncadd.remote.s32 $0x1  }
0xbe: {  	_ =	sfence.sel $0xFFFF  }
0xbf: {  	[dreg:$0x0] =	wrdreg $0xFFFFFFFF;
	(pc) =	sbr.abs _section_cstart, $3  }
0xc0: {  	[dreg:$0x1] =	wrdreg $0xFFFFFFFF  }
0xc1: {  	_ =	task.clear_ibuf [dreg:s7], $0x2FFFF;
	_ =	strace $0x9FFFFFFF  }
0xc2: {  	(tm) =	ssettm $0x7FFFFFFF  }
0xc3: {  	_ =	shalt  }
tec
execute0_lowered:
.L_overlay_start_1:
0x0: {  	(tag) =	ssettag $0x1  }
0x1: {  	s5 =	rddreg [dreg:$0x0]  }
0x2: {  	s8 =	rddreg [dreg:$0x1]  }
0x3: {  	s0 =	rddreg [dreg:$0x2]  }
0x4: {  	s3 =	srdreg.scid;
	s1 =	stileid.u32;
	s2 =	simm.s32 $0x0  }
0x5: {  	s11 =	simm.s32 $0x2780;
	s12 =	simm.s32 $0x4F00;
	s13 =	simm.s32 $0x5B80  }
0x6: {  	s14 =	simm.s32 $0x7480;
	s6 =	sand.u32 $0x1, s3;
	s31 =	sshll.u32 s1, $0x1  }
0x7: {  	s15 =	simm.s32 $0x6800;
	s16 =	simm.s32 $0x0;
	s3 =	sor.u32 s6, s31  }
0x8: {  	[smem:$0x7FF] =	sst s2;
	s6 =	ssub.s32 $0x2, s6;
	s9 =	smul.u32 $0x188, s3  }
0x9: {  	s4 =	sadd.s32 $0x2400, s5;
	_ =	strace $0x8000004D;
	s10 =	sshrl.u32 s6, $0x1  }
0xa: {  	s3 =	sadd.s32 $0x1E00, s5;
	s10 =	ssub.s32 s6, s10;
	s7 =	sadd.s32 s9, s5  }
0xb: {  	s5 =	sadd.s32 $0x2A00, s5;
	s8 =	sadd.s32 s8, s9;
	s9 =	smax.u32 s10, $0x1  }
0xc: {  	s10 =	simm.s32 $0x1;
	s6 =	sadd.s32 $0x3D000, s7;
	s7 =	sadd.s32 $0x40200, s7  }
.LBB2_1:
0xd: {  	[tilespmem:s2], [sflag:$0x1] =	stream.linear.gather [hbm4b:s3+s2], $0x2780, $0x38;
	[tilespmem:$0x7500] =	vst v63  }
0xe: {  	_ =	swait.ge [sflag:s10], $0x2780  }
0xf: {  	[sflag:s10] =	ssyncset.done $0x0  }
0x10: {  	[sflag:s10] =	ssyncadd.s32 $0xFFFFD880  }
0x11: {  	[tilespmem:s11], [sflag:$0x1] =	stream.linear.gather [hbm4b:s4+s2], $0x2780, $0x38;
	[tilespmem:$0x7500] =	vst v63  }
0x12: {  	_ =	swait.ge [sflag:s10], $0x2780  }
0x13: {  	[sflag:s10] =	ssyncset.done $0x0  }
0x14: {  	[sflag:s10] =	ssyncadd.s32 $0xFFFFD880  }
0x15: {  	[tilespmem:s12], [sflag:$0x1] =	stream.linear.gather [hbm4b:s6+s2], $0xC40, $0x38;
	[tilespmem:$0x7500] =	vst v63  }
0x16: {  	_ =	swait.ge [sflag:s10], $0xC40  }
0x17: {  	[sflag:s10] =	ssyncset.done $0x0  }
0x18: {  	[sflag:s10] =	ssyncadd.s32 $0xFFFFF3C0  }
0x19: {  	[tilespmem:s13], [sflag:$0x1] =	stream.linear.gather [hbm4b:s7+s2], $0xC40, $0x38;
	[tilespmem:$0x7500] =	vst v63  }
0x1a: {  	_ =	swait.ge [sflag:s10], $0xC40  }
0x1b: {  	[sflag:s10] =	ssyncset.done $0x0  }
0x1c: {  	[sflag:s10] =	ssyncadd.s32 $0xFFFFF3C0  }
0x1d: {  	[tilespmem:s14], [sflag:$0x1] =	stream.linear.gather [hbm4b:s5+s2], $0x80, $0x38;
	[tilespmem:$0x7500] =	vst v63  }
0x1e: {  	_ =	swait.ge [sflag:s10], $0x80  }
0x1f: {  	[sflag:s10] =	ssyncset.done $0x0  }
0x20: {  	s17 =	simm.s32 $0x0;
	[sflag:s10] =	ssyncadd.s32 $0xFFFFFF80  }
0x21: {  	v1 =	vld [tilespmem:s17+$0x5B80]  }
0x22: {  	v3 =	vld [tilespmem:s17+$0x4F00];
	_ =	sdelay $0x6  }
0x23: {  	v2 =	vld.idx.msk [tilespmem:v1+s11+$0x0], $0xffff  }
0x24: {  	v3 =	vld.idx.msk [tilespmem:v3+s2+$0x0], $0xffff  }
0x25: {  	s18 =	simm.s32 $0x10;
	v0 =	vld [tilespmem:$0x7480]  }
0x26: {  	s19 =	simm.s32 $0x80;
	v1 =	vld [tilespmem:s18+$0x5B80]  }
.LBB2_2:
0x27: {  	p0 =	sne.s32 s19, $0x30C0;
	v4 =	vld [tilespmem:s18+$0x4F00];
	_ =	sdelay $0x1  }
0x28: {  	v2 =	vadd.f32 v2, v3;
	_ =	sdelay $0x1  }
0x29: {  	v2 =	vadd.f32 v2, v0;
	_ =	sdelay $0x1  }
0x2a: {  	[tilespmem:s17+$0x6800] =	vst v2;
	s17 =	smov.u32 s18  }
.Ltmp0:
0x2b: {  	v2 =	vld.idx.msk [tilespmem:v1+s11+$0x0], $0xffff;
	(pc) =	sbr.rel @p0 .LBB2_2-.Ltmp0, $3  }
0x2c: {  	v3 =	vld.idx.msk [tilespmem:v4+s2+$0x0], $0xffff;
	_ =	sdelay $0x1  }
0x2d: {  	s18 =	sshra.s32 s19, $0x2  }
0x2e: {  	s19 =	sadd.s32 $0x40, s19;
	v1 =	vld [tilespmem:s18+$0x5B80]  }
0x2f: {  	_ = 	snop  }
0x30: {  	v4 =	vld [tilespmem:s18+$0x4F00];
	_ =	sdelay $0x1  }
0x31: {  	v2 =	vadd.f32 v2, v3;
	_ =	sdelay $0x1  }
0x32: {  	v2 =	vadd.f32 v2, v0;
	_ =	sdelay $0x1  }
0x33: {  	[tilespmem:s17+$0x6800] =	vst v2  }
0x34: {  	v1 =	vld.idx.msk [tilespmem:v1+s11+$0x0], $0xffff  }
0x35: {  	v2 =	vld.idx.msk [tilespmem:v4+s2+$0x0], $0xffff;
	_ =	sdelay $0x4  }
0x36: {  	v1 =	vadd.f32 v1, v2;
	_ =	sdelay $0x1  }
0x37: {  	s16 =	sadd.s32 $0x1, s16;
	v63 =	vadd.f32 v1, v0  }
0x38: {  	p0 =	sne.s32 s16, s9  }
.Ltmp1:
0x39: {  	[tilespmem:s18+$0x6800] =	vst v63;
	(pc) =	sbr.rel @p0 .LBB2_1-.Ltmp1, $4  }
0x3a: {  	[hbm4b:s8+s2] =	stream.linear.scatter [tilespmem:s15], [sflag:$0x1], $0xC40, $0x38;
	[tilespmem:$0x7500] =	vst v63  }
0x3b: {  	_ =	swait.ge [sflag:s10], $0xC40  }
0x3c: {  	[sflag:s10] =	ssyncset.done $0x0  }
0x3d: {  	[sflag:s10] =	ssyncadd.s32 $0xFFFFF3C0  }
0x3e: {  	_ =	sfence.sel $0x180000  }
0x3f: {  	[bflag:$0x0] =	sbarrier.arrive $0xFFFF  }
0x40: {  	p0 =	sne.s32 s1, $0x0;
	_ =	strace $0x9000004D  }
0x41: {  	s0 =	sadd.s32 @!p0 $0x100000, s0;
	[bflag:$0x2] =	sbarrier.arrive $0xFFFF  }
0x42: {  	[sflag:s0] =	ssyncadd.tile.s32 @!p0 $0x1;
	_ =	shalt  }
.Lfunc_end2:
_tile_overlayer_lowered:
.L_overlay_start_2:
0x43: {  	(tag) =	ssettag $0x2  }
0x44: {  	s0 =	rddreg [dreg:$0x0];
	s2 =	stileid.u32  }
0x45: {  	s1 =	rddreg [dreg:$0x1];
	p0 =	sne.s32 s2, $0x0  }
0x46: {  	s3 =	rddreg [dreg:$0x2];
	[bflag:$0x3] =	sbarrier.arrive $0xFFFF;
	s2 =	simm.s32 @!p0 $0x1C01  }
0x47: {  	[timem:s3], [sflag:s2] =	dma.local @!p0 [hbm:s0], s1  }
0x48: {  	s0 =	simm.s32 @!p0 $0x1  }
0x49: {  	_ =	swait.ge @!p0 [sflag:s0], s1  }
0x4a: {  	s1 =	ssub.s32 @!p0 $0x0, s1;
	[sflag:s0] =	ssyncset.done @!p0 $0x0  }
0x4b: {  	[sflag:s0] =	ssyncadd.s32 @!p0 s1  }
0x4c: {  	[bflag:$0x3] =	sbarrier.arrive $0xFFFF  }
0x4d: {  	_ =	shalt  }

// kernel: _forward.7.cloned.1.call-start
scs
__scs_entry_jumppad:
0x0: {  	(pc) =	sbr.rel $0x88, $3  }
0x1: {  	(tag) =	ssettag $0x0;
	lr =	simm.s32 $0x1  }
0x2: {  	[smem:$0x3F92] =	sst lr;
	_ =	strace $0xD0000000  }
0x3: {  	_ = 	snop  }
0x4: {  	_ = 	snop  }
0x5: {  	_ = 	snop  }
0x6: {  	_ = 	snop  }
0x7: {  	_ = 	snop  }
__scs_overlays_trampoline_lowered:
0x8: {  	[smem:$0x3FA1] =	sst s0  }
0x9: {  	[smem:$0x3FA2] =	sst s1  }
0xa: {  	[smem:$0x3FA3] =	sst s2  }
0xb: {  	[smem:$0x3FA4] =	sst s3  }
0xc: {  	[smem:$0x3FA5] =	sst s4  }
0xd: {  	[smem:$0x3FA6] =	sst s5  }
0xe: {  	[smem:$0x3FA7] =	sst s6  }
0xf: {  	[smem:$0x3FA8] =	sst s7  }
0x10: {  	[smem:$0x3FA9] =	sst s8  }
0x11: {  	[smem:$0x3FAA] =	sst s9;
	s0 =	simm.s32 @!p0 $0x0  }
0x12: {  	s1 =	sld [smem:$0x3F90];
	s0 =	simm.s32 @p0 $0x1  }
0x13: {  	[smem:$0x3FAB] =	sst s0;
	s0 =	simm.s32 @!p1 $0x0  }
0x14: {  	s2 =	sld [smem:$0x3F8F];
	s0 =	simm.s32 @p1 $0x1  }
0x15: {  	[smem:$0x3FAC] =	sst s0;
	s0 =	simm.s32 @!p2 $0x0  }
0x16: {  	s3 =	sld [smem:$0x3FDB];
	s0 =	simm.s32 @p2 $0x1  }
0x17: {  	s4 =	simm.s32 $0x1BF5;
	[smem:$0x3FAE] =	sst s0  }
0x18: {  	s0 =	sld [smem:$0x3F91];
	_ =	swait.ge [sflag:s4], $0x0  }
0x19: {  	s7 =	sld [smem:$0x3F92]  }
0x1a: {  	s8 =	sadd.s32 $0xFFFFE003, lr  }
0x1b: {  	s9 =	sadd.s32 $0xFFFFFEF7, lr;
	s5 =	simm.s32 $0xFFFFFFFF;
	p2 =	slt.u32 s8, $0xFFFFF086  }
0x1c: {  	p1 =	slt.u32 s9, $0xF7A;
	s5 =	simm.s32 @!p2 $0x0  }
0x1d: {  	s5 =	simm.s32 @p1 $0x1;
	p0 =	seq.s32 s7, s2  }
0x1e: {  	s7 =	smul.u32 @!p0 $0xF7A, s2;
	p2 =	seq.s32 @!p0 s5, $0x0  }
0x1f: {  	s9 =	smul.u32 $0xF7A, s1;
	s8 =	simm.s32 @!p0 $0x1BF5;
	p2 =	por !p2, p0  }
0x20: {  	[sflag:s8] =	ssyncset.s32 @!p0 $0xFFFFF086;
	s6 =	sadd.s32 @!p0 s3, s7;
	s7 =	simm.s32 @!p0 $0x108  }
0x21: {  	s3 =	sadd.s32 s3, s9;
	s6 =	sadd.s32 @!p0 $0x88, s6;
	s7 =	simm.s32 @p2 $0x1082  }
0x22: {  	[simem:s7], [sflag:s8] =	dma.local @!p0 [hbm:s6], $0xF7A  }
0x23: {  	s9 =	sor.u32 $0xD0000000, s2;
	s6 =	simm.s32 $0x108;
	_ =	swait.ge @!p0 [sflag:s8], $0x0  }
0x24: {  	s3 =	sadd.s32 $0x88, s3;
	s6 =	simm.s32 @!p1 $0x1082;
	[sflag:s4] =	ssyncset.s32 $0xFFFFF086  }
0x25: {  	[simem:s6], [sflag:s4] =	dma.local [hbm:s3], $0xF7A  }
0x26: {  	[smem:$0x3F92] =	sst s1;
	(tag) =	ssettag s2;
	_ =	strace s9  }
0x27: {  	s1 =	sld [smem:$0x3FA2]  }
0x28: {  	s2 =	sld [smem:$0x3FA3]  }
0x29: {  	s4 =	sld [smem:$0x3FA5]  }
0x2a: {  	p0 =	seq.s32 s5, $0x0;
	s5 =	sld [smem:$0x3FA6]  }
0x2b: {  	s6 =	sld [smem:$0x3FA7]  }
0x2c: {  	s7 =	sld [smem:$0x3FA8]  }
0x2d: {  	s3 =	simm.s32 $0x108;
	s8 =	sld [smem:$0x3FA9]  }
0x2e: {  	s3 =	simm.s32 @!p0 $0x1082;
	s9 =	sld [smem:$0x3FAA]  }
0x2f: {  	lr =	sadd.s32 s0, s3;
	s0 =	sld [smem:$0x3FA1]  }
0x30: {  	s3 =	sld [smem:$0x3FA4]  }
0x31: {  	[smem:$0x3FAD] =	sst s10  }
0x32: {  	s10 =	sld [smem:$0x3FAB];
	_ =	sdelay $0x3  }
0x33: {  	p0 =	seq.s32 s10, $0x1;
	s10 =	sld [smem:$0x3FAD];
	_ =	sdelay $0x3  }
0x34: {  	[smem:$0x3FAD] =	sst s10  }
0x35: {  	s10 =	sld [smem:$0x3FAC];
	_ =	sdelay $0x3  }
0x36: {  	p1 =	seq.s32 s10, $0x1;
	s10 =	sld [smem:$0x3FAD];
	_ =	sdelay $0x3  }
0x37: {  	[smem:$0x3FAD] =	sst s10  }
0x38: {  	s10 =	sld [smem:$0x3FAE]  }
0x39: {  	_ = 	snop;
	(pc) =	sbr.ind lr, $3  }
0x3a: {  	_ = 	snop  }
0x3b: {  	_ = 	snop  }
0x3c: {  	p2 =	seq.s32 s10, $0x1;
	s10 =	sld [smem:$0x3FAD]  }
0x3d: {  	_ =	shalt  }
0x3e: {  	_ =	shalt  }
0x3f: {  	_ =	shalt  }
0x40: {  	_ =	shalt  }
0x41: {  	_ =	shalt  }
0x42: {  	_ =	shalt  }
0x43: {  	_ =	shalt  }
0x44: {  	_ =	shalt  }
0x45: {  	_ =	shalt  }
0x46: {  	_ =	shalt  }
0x47: {  	_ =	shalt  }
0x48: {  	_ =	shalt  }
0x49: {  	_ =	shalt  }
0x4a: {  	_ =	shalt  }
0x4b: {  	_ =	shalt  }
0x4c: {  	_ =	shalt  }
0x4d: {  	_ =	shalt  }
0x4e: {  	_ =	shalt  }
0x4f: {  	_ =	shalt  }
0x50: {  	_ =	shalt  }
0x51: {  	_ =	shalt  }
0x52: {  	_ =	shalt  }
0x53: {  	_ =	shalt  }
0x54: {  	_ =	shalt  }
0x55: {  	_ =	shalt  }
0x56: {  	_ =	shalt  }
0x57: {  	_ =	shalt  }
0x58: {  	_ =	shalt  }
0x59: {  	_ =	shalt  }
0x5a: {  	_ =	shalt  }
0x5b: {  	_ =	shalt  }
0x5c: {  	_ =	shalt  }
0x5d: {  	_ =	shalt  }
0x5e: {  	_ =	shalt  }
0x5f: {  	_ =	shalt  }
0x60: {  	_ =	shalt  }
0x61: {  	_ =	shalt  }
0x62: {  	_ =	shalt  }
0x63: {  	_ =	shalt  }
0x64: {  	_ =	shalt  }
0x65: {  	_ =	shalt  }
0x66: {  	_ =	shalt  }
0x67: {  	_ =	shalt  }
0x68: {  	_ =	shalt  }
0x69: {  	_ =	shalt  }
0x6a: {  	_ =	shalt  }
0x6b: {  	_ =	shalt  }
0x6c: {  	_ =	shalt  }
0x6d: {  	_ =	shalt  }
0x6e: {  	_ =	shalt  }
0x6f: {  	_ =	shalt  }
0x70: {  	_ =	shalt  }
0x71: {  	_ =	shalt  }
0x72: {  	_ =	shalt  }
0x73: {  	_ =	shalt  }
0x74: {  	_ =	shalt  }
0x75: {  	_ =	shalt  }
0x76: {  	_ =	shalt  }
0x77: {  	_ =	shalt  }
0x78: {  	_ =	shalt  }
0x79: {  	_ =	shalt  }
0x7a: {  	_ =	shalt  }
0x7b: {  	_ =	shalt  }
0x7c: {  	_ =	shalt  }
0x7d: {  	_ =	shalt  }
0x7e: {  	_ =	shalt  }
0x7f: {  	_ =	shalt  }
0x80: {  	_ =	shalt  }
0x81: {  	_ =	shalt  }
0x82: {  	_ =	shalt  }
0x83: {  	_ =	shalt  }
0x84: {  	_ =	shalt  }
0x85: {  	_ =	shalt  }
0x86: {  	_ =	shalt  }
0x87: {  	_ =	shalt  }
.Lfunc_end0:
.L_simem_size_0:
called_computation_lowered:
.L_overlay_start_0:
0x88: {  	s2 =	sld [smem:$0x3FD9]  }
0x89: {  	s3 =	sld [smem:$0x3FFE];
	_ =	sdelay $0x1  }
0x8a: {  	s1 =	srdreg.scid  }
0x8b: {  	s0 =	sand.u32 $0x1, s1  }
0x8c: {  	s17 =	sshll.u32 s0, $0xA;
	s2 =	sadd.s32 s3, s2  }
0x8d: {  	s2 =	sadd.s32 s2, s17  }
0x8e: {  	[smem:$0x3FB9] =	sst s2  }
0x8f: {  	_ = 	snop  }
0x90: {  	s2 =	sld [smem:$0x3FC7]  }
0x91: {  	s18 =	sld [smem:$0x3FD0];
	(tm) =	ssettm $0x1  }
0x92: {  	s4 =	sld [smem:$0x3FFB];
	_ =	sdelay $0x3  }
0x93: {  	_ =	strace s4  }
0x94: {  	s4 =	sld [smem:$0x3FFC];
	_ =	sdelay $0x3  }
0x95: {  	_ =	strace s4  }
0x96: {  	s4 =	sld [smem:$0x3FFD];
	_ =	sdelay $0x3  }
0x97: {  	_ =	strace s4  }
0x98: {  	_ =	strace $0x8FFFFFFF  }
0x99: {  	s19 =	sld [smem:$0x3FDB];
	_ =	sdelay $0x1  }
0x9a: {  	s5 =	simm.s32 $_scs_section_size  }
0x9b: {  	s6 =	simm.s32 $_size__tile_overlayer_lowered;
	s7 =	simm.s32 $_tile_overlayer_lowered  }
0x9c: {  	s22 =	simm.s32 $0x1BFF;
	s21 =	sshll.u32 s7, $0x1;
	s4 =	sadd.s32 s5, s19  }
0x9d: {  	s8 =	simm.s32 $0x0;
	s20 =	sshll.u32 s6, $0x1;
	s6 =	sadd.s32 s21, s4  }
0x9e: {  	[timem:s8], [sflag:s22] =	dma.local [hbm:s6], s20  }
0x9f: {  	_ =	swait.ge [sflag:s22], s20  }
0xa0: {  	s5 =	ssub.s32 $0x0, s20;
	[sflag:s22] =	ssyncset.done $0x0  }
0xa1: {  	[sflag:s22] =	ssyncadd.s32 s5;
	_ =	sdelay $0x1  }
0xa2: {  	s23 =	simm.s32 $0x1B8B  }
0xa3: {  	_ =	swait.ge [sflag:s23], $0x1  }
0xa4: {  	[sflag:s23] =	ssyncset.done $0x0  }
0xa5: {  	s25 =	simm.s32 $0x1B8E;
	s24 =	sld [smem:$0x3FFE];
	[sflag:s23] =	ssyncadd.s32 $0xFFFFFFFF  }
0xa6: {  	s26 =	simm.s32 $execute0_lowered;
	[smem:$0x3FD2] =	sst s25  }
0xa7: {  	s6 =	sshll.u32 s26, $0x1;
	_ =	strace $0x80000046;
	[dreg:$0x1] =	wrdreg $0xFFFFFFFF  }
0xa8: {  	s28 =	simm.s32 $_size_execute0_lowered;
	s4 =	sadd.s32 s4, s6;
	[dreg:$0x0] =	wrdreg $0x0  }
0xa9: {  	s6 =	sshll.u32 s28, $0x1;
	[dreg:$0x2] =	wrdreg s4  }
0xaa: {  	[dreg:$0x3] =	wrdreg s6  }
0xab: {  	[dreg:$0x4] =	wrdreg $0xC0  }
0xac: {  	_ =	task [dreg:s8], $0x5FFFF  }
0xad: {  	[dreg:$0x1] =	wrdreg $0xFFFFFFFF  }
0xae: {  	[dreg:$0x0] =	wrdreg $0x60  }
0xaf: {  	[dreg:$0x2] =	wrdreg s2  }
0xb0: {  	[dreg:$0x3] =	wrdreg s24  }
0xb1: {  	[dreg:$0x4] =	wrdreg s18  }
0xb2: {  	[dreg:$0x5] =	wrdreg $0x87000  }
0xb3: {  	[dreg:$0x6] =	wrdreg $0x1C3000  }
0xb4: {  	[dreg:$0x7] =	wrdreg $0x9  }
0xb5: {  	_ =	task.clear_ibuf [dreg:s8], $0x8FFFF;
	_ =	strace $0x90000046  }
0xb6: {  	s29 =	simm.s32 $0x9;
	_ =	strace $0x80000048  }
0xb7: {  	_ =	swait.ge [sflag:s29], $0x1  }
0xb8: {  	[sflag:s29] =	ssyncadd.s32 $0xFFFFFFFF  }
0xb9: {  	_ =	strace $0x90000048  }
0xba: {  	_ =	sfence  }
0xbb: {  	s30 =	sld [smem:$0x0];
	_ =	sdelay $0x2  }
0xbc: {  	s31 =	sshll.u32 s1, $0xD;
	s1 =	sshrl.u32 s1, $0x2  }
0xbd: {  	s3 =	sand.u32 $0x4000, s31;
	s1 =	sadd.s32 s1, s30  }
0xbe: {  	s0 =	sor.u32 s3, s0;
	s1 =	sshll.u32 s1, $0x11  }
0xbf: {  	s0 =	sor.u32 s1, s0  }
0xc0: {  	s0 =	sadd.s32 $0x8F2B, s0  }
0xc1: {  	[sflag:s0] =	ssyncadd.remote.s32 $0x1  }
0xc2: {  	_ =	sfence.sel $0xFFFF  }
0xc3: {  	[dreg:$0x0] =	wrdreg $0xFFFFFFFF;
	(pc) =	sbr.abs _section_cstart, $3  }
0xc4: {  	[dreg:$0x1] =	wrdreg $0xFFFFFFFF  }
0xc5: {  	_ =	task.clear_ibuf [dreg:s8], $0x2FFFF;
	_ =	strace $0x9FFFFFFF  }
0xc6: {  	(tm) =	ssettm $0x7FFFFFFF  }
0xc7: {  	_ =	shalt  }
tec
execute0_lowered:
.L_overlay_start_1:
0x0: {  	(tag) =	ssettag $0x1  }
0x1: {  	s0 =	rddreg [dreg:$0x0]  }
0x2: {  	s1 =	rddreg [dreg:$0x1]  }
0x3: {  	s4 =	rddreg [dreg:$0x3]  }
0x4: {  	s2 =	srdreg.scid;
	s16 =	stileid.u32  }
0x5: {  	s5 =	rddreg [dreg:$0x4];
	s30 =	simm.s32 $0xB;
	s6 =	smul.u32 $0x13C00, s16  }
0x6: {  	s28 =	simm.s32 $0xA;
	s29 =	simm.s32 $0x4;
	s9 =	smul.u32 $0x278, s16  }
0x7: {  	s31 =	simm.s32 $0x0;
	s2 =	sand.u32 $0x1, s2;
	s19 =	smul.u32 $0xA0, s16  }
0x8: {  	s7 =	sshll.u32 s16, $0x1;
	s8 =	sadd.s32 $0x1E00, s1;
	s3 =	smul.u32 $0x13C000, s2  }
0x9: {  	s10 =	sadd.s32 $0xBE00, s1;
	s11 =	ssub.s32 $0x2, s2;
	s17 =	smul.u32 $0x2780, s2  }
0xa: {  	s7 =	sor.u32 s2, s7;
	s2 =	smul.u32 $0x50, s2;
	s12 =	sshrl.u32 s11, $0x1  }
0xb: {  	s7 =	smul.u32 $0x500, s7;
	s3 =	sadd.s32 s6, s3;
	s11 =	ssub.s32 s11, s12  }
0xc: {  	s2 =	sadd.s32 s2, s19;
	s19 =	simm.s32 $0x0;
	s12 =	simm.s32 $0x400  }
0xd: {  	s18 =	sadd.s32 s8, s7;
	s13 =	sadd.s32 s10, s7;
	[smem:$0x7FF] =	sst s19  }
0xe: {  	s20 =	sor.u32 $0x10, s7;
	s21 =	sor.u32 $0x20, s7;
	[dreg:$0x6] =	wrdreg s18  }
0xf: {  	s7 =	sor.u32 $0x30, s7;
	[dreg:$0x7] =	wrdreg s13;
	s14 =	sadd.s32 s8, s20  }
0x10: {  	s2 =	sshll.u32 s2, $0x4;
	s13 =	sadd.s32 s10, s20;
	[dreg:$0x8] =	wrdreg s14  }
0x11: {  	s3 =	sshrl.u32 s3, $0x3;
	s22 =	sadd.s32 s8, s21;
	[dreg:$0x9] =	wrdreg s13  }
0x12: {  	s23 =	sadd.s32 s10, s21;
	s24 =	sadd.s32 s8, s7;
	[dreg:$0xa] =	wrdreg s22  }
0x13: {  	s7 =	sadd.s32 s10, s7;
	s25 =	sor.u32 $0x60, s2;
	[dreg:$0xb] =	wrdreg s23  }
0x14: {  	s15 =	sadd.s32 s2, s10;
	s3 =	sadd.s32 s3, s1;
	[dreg:$0xc] =	wrdreg s24  }
0x15: {  	s21 =	sadd.s32 $0x15E00, s1;
	[dreg:$0xd] =	wrdreg s7;
	s14 =	sadd.s32 s2, s8  }
0x16: {  	s26 =	sadd.s32 s25, s8;
	s2 =	sor.u32 $0x40, s2;
	s7 =	sadd.s32 s25, s10  }
0x17: {  	s13 =	sadd.s32 s9, s17;
	s17 =	smul.u32 $0x4F000, s16;
	s22 =	sshll.u32 s16, $0x6  }
0x18: {  	s16 =	sadd.s32 s9, s5;
	s24 =	sadd.s32 $0x16C00, s3;
	[dreg:$0xe] =	wrdreg s26  }
0x19: {  	s3 =	simm.s32 $0x80;
	s9 =	simm.s32 $0x300;
	[dreg:$0xf] =	wrdreg s7  }
0x1a: {  	s18 =	sadd.s32 s2, s8;
	s20 =	sadd.s32 s2, s10;
	s2 =	sshrl.u32 s13, $0x3  }
0x1b: {  	s7 =	sor.u32 $0x1C0B, s22;
	s26 =	smax.u32 s11, $0x1;
	s8 =	simm.s32 $0x280  }
0x1c: {  	s10 =	simm.s32 $0x380;
	s13 =	simm.s32 $0x3;
	s22 =	simm.s32 $0x9  }
0x1d: {  	s11 =	simm.s32 $0x7;
	_ =	strace $0x80000047;
	[dreg:$0x10] =	wrdreg s21  }
0x1e: {  	s2 =	sadd.s32 s2, s1;
	s6 =	sshrl.u32 s17, $0x2;
	[dreg:$0x15] =	wrdreg s24  }
0x1f: {  	s1 =	sadd.s32 $0x16000, s1;
	[dreg:$0x17] =	wrdreg s26;
	s17 =	simm.s32 $0x8480  }
.Ltmp0:
0x20: {  	s21 =	simm.s32 $0x4400;
	[dreg:$0x13] =	wrdreg s7;
	(pc) =	sbr.rel .LBB2_1-.Ltmp0, $4  }
0x21: {  	s26 =	simm.s32 $0x5;
	s24 =	simm.s32 $0x6;
	[dreg:$0x14] =	wrdreg s16  }
0x22: {  	[dreg:$0x11] =	wrdreg s1;
	s23 =	sadd.s32 s6, s4;
	s25 =	sadd.s32 $0x16200, s2  }
0x23: {  	s2 =	simm.s32 $0x8400;
	s6 =	simm.s32 $0x180;
	[dreg:$0x12] =	wrdreg s23  }
0x24: {  	[dreg:$0x16] =	wrdreg s25;
	s23 =	simm.s32 $0x2;
	s25 =	simm.s32 $0x8  }
.LBB2_4:
0x25: {  	[bflag:$0x0] =	sbarrier.arrive $0xFFFF  }
0x26: {  	s7 =	rddreg [dreg:$0x13]  }
0x27: {  	s1 =	rddreg [dreg:$0x15]  }
0x28: {  	s16 =	rddreg [dreg:$0x19]  }
0x29: {  	[hbm:s1], [sflag:s7] =	dma.local [spmem:s16], $0x2780  }
0x2a: {  	_ =	swait.ge [sflag:s30], $0x2780  }
0x2b: {  	[sflag:s30] =	ssyncset.done $0x0  }
0x2c: {  	s17 =	simm.s32 $0x8480;
	s16 =	rddreg [dreg:$0x14];
	[sflag:s30] =	ssyncadd.s32 $0xFFFFD880  }
0x2d: {  	[tilespmem:s17], [sflag:$0xB] =	stream.linear.gather [spmem:s16], $0x278, $0x38;
	[tilespmem:$0x1C578] =	vst v63  }
0x2e: {  	_ =	swait.ge [sflag:s30], $0x278  }
0x2f: {  	[sflag:s30] =	ssyncset.done $0x0  }
0x30: {  	s1 =	rddreg [dreg:$0x16];
	[sflag:s30] =	ssyncadd.s32 $0xFFFFFD88  }
0x31: {  	[hbm4b:s1+s19] =	stream.linear.scatter [tilespmem:s17], [sflag:$0xB], $0x278, $0x38;
	[tilespmem:$0x1C578] =	vst v63  }
0x32: {  	_ =	swait.ge [sflag:s30], $0x278  }
0x33: {  	s31 =	rddreg [dreg:$0x18]  }
0x34: {  	s1 =	rddreg [dreg:$0x17];
	s31 =	sadd.s32 $0x1, s31  }
0x35: {  	p0 =	sne.s32 s31, s1  }
.Ltmp1:
0x36: {  	_ = 	snop;
	(pc) =	sbr.rel @!p0 .LBB2_5-.Ltmp1, $3  }
0x37: {  	_ =	sdelay $0x1  }
0x38: {  	[sflag:s30] =	ssyncset.done $0x0  }
0x39: {  	[sflag:s30] =	ssyncadd.s32 $0xFFFFFD88  }
.LBB2_1:
0x3a: {  	[dreg:$0x18] =	wrdreg s31  }
0x3b: {  	s1 =	rddreg [dreg:$0x12]  }
0x3c: {  	s31 =	sshrl.u32 s1, $0x3;
	s1 =	rddreg [dreg:$0x2]  }
0x3d: {  	[dreg:$0x19] =	wrdreg s31  }
0x3e: {  	[spmem:s31], [sflag:s7] =	dma.local [hbm:s1], $0x2780  }
0x3f: {  	_ =	swait.ge [sflag:s30], $0x2780  }
0x40: {  	[sflag:s30] =	ssyncset.done $0x0  }
0x41: {  	s7 =	rddreg [dreg:$0x10];
	[sflag:s30] =	ssyncadd.s32 $0xFFFFD880  }
0x42: {  	[tilespmem:s17], [sflag:$0xB] =	stream.linear.gather [hbm4b:s7+s19], $0x280, $0x38;
	[tilespmem:$0x1C578] =	vst v63  }
0x43: {  	_ =	swait.ge [sflag:s30], $0x280  }
0x44: {  	[sflag:s30] =	ssyncset.done $0x0  }
0x45: {  	[sflag:s30] =	ssyncadd.s32 $0xFFFFFD80  }
0x46: {  	[spmem:s16] =	stream.linear.scatter [tilespmem:s17], [sflag:$0xB], $0x278, $0x38;
	[tilespmem:$0x1C578] =	vst v63  }
0x47: {  	_ =	swait.ge [sflag:s30], $0x278  }
0x48: {  	[sflag:s30] =	ssyncset.done $0x0  }
0x49: {  	s7 =	rddreg [dreg:$0x11];
	[sflag:s30] =	ssyncadd.s32 $0xFFFFFD88  }
0x4a: {  	[tilespmem:s2], [sflag:$0xB] =	stream.linear.gather [hbm4b:s7+s19], $0x80, $0x38;
	[tilespmem:$0x1C578] =	vst v63  }
0x4b: {  	_ =	swait.ge [sflag:s30], $0x80  }
0x4c: {  	[sflag:s30] =	ssyncset.done $0x0  }
0x4d: {  	[sflag:s30] =	ssyncadd.s32 $0xFFFFFF80  }
0x4e: {  	[bflag:$0x0] =	sbarrier.arrive $0xFFFF  }
0x4f: {  	s16 =	rddreg [dreg:$0x6]  }
0x50: {  	[tilespmem:s19], [sflag:$0x1] =	stream.linear.gather [hbm4b:s16+s19], $0x80, $0x38;
	[tilespmem:$0x1C578] =	vst v63  }
0x51: {  	s17 =	rddreg [dreg:$0x7]  }
0x52: {  	[tilespmem:s3], [sflag:$0x2] =	stream.linear.gather [hbm4b:s17+s19], $0x80, $0x38;
	[tilespmem:$0x1C578] =	vst v63  }
0x53: {  	s7 =	rddreg [dreg:$0x8];
	s16 =	simm.s32 $0x100  }
0x54: {  	[tilespmem:s16], [sflag:$0x3] =	stream.linear.gather [hbm4b:s7+s19], $0x80, $0x38;
	[tilespmem:$0x1C578] =	vst v63  }
0x55: {  	s17 =	rddreg [dreg:$0x9]  }
0x56: {  	[tilespmem:s6], [sflag:$0x4] =	stream.linear.gather [hbm4b:s17+s19], $0x80, $0x38;
	[tilespmem:$0x1C578] =	vst v63  }
0x57: {  	s7 =	rddreg [dreg:$0xa];
	s16 =	simm.s32 $0x200  }
0x58: {  	[tilespmem:s16], [sflag:$0x5] =	stream.linear.gather [hbm4b:s7+s19], $0x80, $0x38;
	[tilespmem:$0x1C578] =	vst v63  }
0x59: {  	s17 =	rddreg [dreg:$0xb]  }
0x5a: {  	[tilespmem:s8], [sflag:$0x6] =	stream.linear.gather [hbm4b:s17+s19], $0x80, $0x38;
	[tilespmem:$0x1C578] =	vst v63  }
0x5b: {  	s7 =	rddreg [dreg:$0xc]  }
0x5c: {  	[tilespmem:s9], [sflag:$0x7] =	stream.linear.gather [hbm4b:s7+s19], $0x80, $0x38;
	[tilespmem:$0x1C578] =	vst v63  }
0x5d: {  	s16 =	rddreg [dreg:$0xd];
	s17 =	simm.s32 $0x1  }
0x5e: {  	[tilespmem:s10], [sflag:$0x8] =	stream.linear.gather [hbm4b:s16+s19], $0x80, $0x38;
	[tilespmem:$0x1C578] =	vst v63  }
0x5f: {  	_ =	swait.ge [sflag:s17], $0x80  }
0x60: {  	[sflag:s17] =	ssyncset.done $0x0  }
0x61: {  	s31 =	simm.s32 $0x0;
	[sflag:s17] =	ssyncadd.s32 $0xFFFFFF80  }
0x62: {  	[tilespmem:s12], [sflag:$0x9] =	stream.indirect.gather [hbm4b:s0+s3], $0x80, s19, s3, $0xb8;
	[tilespmem:$0x1C578] =	vst v63  }
.LBB2_2:
0x63: {  	_ =	swait.ge [sflag:s13], $0x80  }
0x64: {  	[sflag:s13] =	ssyncset.done $0x0  }
0x65: {  	s1 =	simm.s32 $0x100;
	[sflag:s13] =	ssyncadd.s32 $0xFFFFFF80  }
0x66: {  	[tilespmem:s21], [sflag:$0xA] =	stream.indirect.gather [hbm4b:s0+s3], $0x80, s1, s3, $0xb8;
	[tilespmem:$0x1C578] =	vst v63  }
0x67: {  	_ =	swait.ge [sflag:s22], $0x4000  }
0x68: {  	[sflag:s22] =	ssyncset.done $0x0  }
0x69: {  	[sflag:s22] =	ssyncadd.s32 $0xFFFFC000  }
0x6a: {  	_ =	swait.ge [sflag:s23], $0x80  }
0x6b: {  	[sflag:s23] =	ssyncset.done $0x0  }
0x6c: {  	[sflag:s23] =	ssyncadd.s32 $0xFFFFFF80  }
0x6d: {  	[spmem:s4] =	stream.indirect.scatter.add.f32 [tilespmem:s12], [sflag:$0xB], $0x80, s3, s3, $0xb8;
	[tilespmem:$0x1C578] =	vst v63  }
0x6e: {  	_ =	swait.ge [sflag:s30], $0x4000  }
0x6f: {  	[sflag:s30] =	ssyncset.done $0x0  }
0x70: {  	[sflag:s30] =	ssyncadd.s32 $0xFFFFC000  }
0x71: {  	[spmem:s5] =	stream.indirect.scatter.add.f32 [tilespmem:s2], [sflag:$0xB], $0x1, s3, s3, $0xb8;
	[tilespmem:$0x1C578] =	vst v63  }
0x72: {  	_ =	swait.ge [sflag:s30], $0x80  }
0x73: {  	p0 =	seq.s32 s31, $0x4C0;
	[sflag:s30] =	ssyncset.done $0x0  }
0x74: {  	s7 =	simm.s32 @!p0 $0x0;
	s1 =	sadd.s32 @!p0 s31, s18;
	[sflag:s30] =	ssyncadd.s32 $0xFFFFFF80  }
0x75: {  	[tilespmem:s7], [sflag:$0x1] =	stream.linear.gather @!p0 [hbm4b:s1+s7], $0x80, $0x38;
	[tilespmem:$0x1C578] =	vst v63  }
0x76: {  	s16 =	simm.s32 @!p0 $0x80;
	s1 =	sadd.s32 @!p0 s31, s20  }
0x77: {  	[tilespmem:s16], [sflag:$0x2] =	stream.linear.gather @!p0 [hbm4b:s1+s7], $0x80, $0x38;
	[tilespmem:$0x1C578] =	vst v63  }
0x78: {  	_ =	swait.ge [sflag:s26], $0x80  }
0x79: {  	[sflag:s26] =	ssyncset.done $0x0  }
0x7a: {  	s17 =	simm.s32 $0x200;
	[sflag:s26] =	ssyncadd.s32 $0xFFFFFF80  }
0x7b: {  	[tilespmem:s12], [sflag:$0x9] =	stream.indirect.gather [hbm4b:s0+s3], $0x80, s17, s3, $0xb8;
	[tilespmem:$0x1C578] =	vst v63  }
0x7c: {  	_ =	swait.ge [sflag:s28], $0x4000  }
0x7d: {  	[sflag:s28] =	ssyncset.done $0x0  }
0x7e: {  	[sflag:s28] =	ssyncadd.s32 $0xFFFFC000  }
0x7f: {  	_ =	swait.ge [sflag:s29], $0x80  }
0x80: {  	[sflag:s29] =	ssyncset.done $0x0  }
0x81: {  	[sflag:s29] =	ssyncadd.s32 $0xFFFFFF80  }
0x82: {  	[spmem:s4] =	stream.indirect.scatter.add.f32 [tilespmem:s21], [sflag:$0xB], $0x80, s6, s3, $0xb8;
	[tilespmem:$0x1C578] =	vst v63  }
0x83: {  	_ =	swait.ge [sflag:s30], $0x4000  }
0x84: {  	[sflag:s30] =	ssyncset.done $0x0  }
0x85: {  	[sflag:s30] =	ssyncadd.s32 $0xFFFFC000  }
0x86: {  	[spmem:s5] =	stream.indirect.scatter.add.f32 [tilespmem:s2], [sflag:$0xB], $0x1, s6, s3, $0xb8;
	[tilespmem:$0x1C578] =	vst v63  }
0x87: {  	_ =	swait.ge [sflag:s30], $0x80  }
0x88: {  	s1 =	sadd.s32 @!p0 s31, s14;
	[sflag:s30] =	ssyncset.done $0x0  }
0x89: {  	s1 =	sadd.s32 @!p0 $0x50, s1;
	s17 =	simm.s32 @!p0 $0x100;
	[sflag:s30] =	ssyncadd.s32 $0xFFFFFF80  }
0x8a: {  	[tilespmem:s17], [sflag:$0x3] =	stream.linear.gather @!p0 [hbm4b:s1+s7], $0x80, $0x38;
	[tilespmem:$0x1C578] =	vst v63  }
0x8b: {  	s1 =	sadd.s32 @!p0 s31, s15  }
0x8c: {  	s17 =	simm.s32 @!p0 $0x180;
	s1 =	sadd.s32 @!p0 $0x50, s1  }
0x8d: {  	[tilespmem:s17], [sflag:$0x4] =	stream.linear.gather @!p0 [hbm4b:s1+s7], $0x80, $0x38;
	[tilespmem:$0x1C578] =	vst v63  }
0x8e: {  	_ =	swait.ge [sflag:s11], $0x80  }
0x8f: {  	[sflag:s11] =	ssyncset.done $0x0  }
0x90: {  	[sflag:s11] =	ssyncadd.s32 $0xFFFFFF80  }
0x91: {  	[tilespmem:s21], [sflag:$0xA] =	stream.indirect.gather [hbm4b:s0+s3], $0x80, s9, s3, $0xb8;
	[tilespmem:$0x1C578] =	vst v63  }
0x92: {  	_ =	swait.ge [sflag:s22], $0x4000  }
0x93: {  	[sflag:s22] =	ssyncset.done $0x0  }
0x94: {  	[sflag:s22] =	ssyncadd.s32 $0xFFFFC000  }
0x95: {  	_ =	swait.ge [sflag:s24], $0x80  }
0x96: {  	[sflag:s24] =	ssyncset.done $0x0  }
0x97: {  	[sflag:s24] =	ssyncadd.s32 $0xFFFFFF80  }
0x98: {  	[spmem:s4] =	stream.indirect.scatter.add.f32 [tilespmem:s12], [sflag:$0xB], $0x80, s8, s3, $0xb8;
	[tilespmem:$0x1C578] =	vst v63  }
0x99: {  	_ =	swait.ge [sflag:s30], $0x4000  }
0x9a: {  	[sflag:s30] =	ssyncset.done $0x0  }
0x9b: {  	[sflag:s30] =	ssyncadd.s32 $0xFFFFC000  }
0x9c: {  	[spmem:s5] =	stream.indirect.scatter.add.f32 [tilespmem:s2], [sflag:$0xB], $0x1, s8, s3, $0xb8;
	[tilespmem:$0x1C578] =	vst v63  }
0x9d: {  	_ =	swait.ge [sflag:s30], $0x80  }
0x9e: {  	[sflag:s30] =	ssyncset.done $0x0;
	s1 =	rddreg [dreg:$0xe]  }
0x9f: {  	s17 =	simm.s32 @!p0 $0x200;
	[sflag:s30] =	ssyncadd.s32 $0xFFFFFF80;
	s1 =	sadd.s32 @!p0 s31, s1  }
0xa0: {  	[tilespmem:s17], [sflag:$0x5] =	stream.linear.gather @!p0 [hbm4b:s1+s7], $0x80, $0x38;
	[tilespmem:$0x1C578] =	vst v63  }
0xa1: {  	s1 =	rddreg [dreg:$0xf]  }
0xa2: {  	s17 =	simm.s32 @!p0 $0x280;
	s1 =	sadd.s32 @!p0 s31, s1  }
0xa3: {  	[tilespmem:s17], [sflag:$0x6] =	stream.linear.gather @!p0 [hbm4b:s1+s7], $0x80, $0x38;
	[tilespmem:$0x1C578] =	vst v63  }
0xa4: {  	s1 =	simm.s32 @!p0 $0x1  }
0xa5: {  	_ =	swait.ge @!p0 [sflag:s1], $0x80  }
0xa6: {  	[sflag:s1] =	ssyncset.done @!p0 $0x0  }
0xa7: {  	[sflag:s1] =	ssyncadd.s32 @!p0 $0xFFFFFF80;
	s1 =	simm.s32 @!p0 $0x400  }
0xa8: {  	[tilespmem:s1], [sflag:$0x9] =	stream.indirect.gather @!p0 [hbm4b:s0+s16], $0x80, s7, s16, $0xb8;
	[tilespmem:$0x1C578] =	vst v63  }
0xa9: {  	_ =	swait.ge [sflag:s28], $0x4000  }
0xaa: {  	[sflag:s28] =	ssyncset.done $0x0  }
0xab: {  	[sflag:s28] =	ssyncadd.s32 $0xFFFFC000  }
0xac: {  	_ =	swait.ge [sflag:s25], $0x80  }
0xad: {  	[sflag:s25] =	ssyncset.done $0x0  }
0xae: {  	[sflag:s25] =	ssyncadd.s32 $0xFFFFFF80  }
0xaf: {  	[spmem:s4] =	stream.indirect.scatter.add.f32 [tilespmem:s21], [sflag:$0xB], $0x80, s10, s3, $0xb8;
	[tilespmem:$0x1C578] =	vst v63  }
0xb0: {  	_ =	swait.ge [sflag:s30], $0x4000  }
0xb1: {  	[sflag:s30] =	ssyncset.done $0x0  }
.Ltmp2:
0xb2: {  	[sflag:s30] =	ssyncadd.s32 $0xFFFFC000;
	(pc) =	sbr.rel @p0 .LBB2_4-.Ltmp2, $4  }
0xb3: {  	[spmem:s5] =	stream.indirect.scatter.add.f32 [tilespmem:s2], [sflag:$0xB], $0x1, s10, s3, $0xb8;
	[tilespmem:$0x1C578] =	vst v63  }
0xb4: {  	_ =	swait.ge [sflag:s30], $0x80  }
0xb5: {  	[sflag:s30] =	ssyncset.done $0x0  }
0xb6: {  	[sflag:s30] =	ssyncadd.s32 $0xFFFFFF80  }
.Ltmp3:
0xb7: {  	s1 =	sadd.s32 s31, s14;
	(pc) =	sbr.rel .LBB2_2-.Ltmp3, $4  }
0xb8: {  	s17 =	sadd.s32 s31, s15;
	s1 =	sadd.s32 $0x70, s1  }
0xb9: {  	[tilespmem:s9], [sflag:$0x7] =	stream.linear.gather [hbm4b:s1+s19], $0x80, $0x38;
	[tilespmem:$0x1C578] =	vst v63  }
0xba: {  	s31 =	sadd.s32 $0x40, s31;
	s1 =	sadd.s32 $0x70, s17  }
0xbb: {  	[tilespmem:s10], [sflag:$0x8] =	stream.linear.gather [hbm4b:s1+s19], $0x80, $0x38;
	[tilespmem:$0x1C578] =	vst v63  }
.LBB2_5:
0xbc: {  	_ =	sfence.sel $0x180000  }
0xbd: {  	[bflag:$0x0] =	sbarrier.arrive $0xFFFF  }
0xbe: {  	_ =	strace $0x90000047  }
0xbf: {  	s0 =	stileid.u32;
	[bflag:$0x2] =	sbarrier.arrive $0xFFFF  }
0xc0: {  	p0 =	sne.s32 s0, $0x0;
	s0 =	rddreg [dreg:$0x5]  }
0xc1: {  	s0 =	sadd.s32 @!p0 $0x100000, s0  }
0xc2: {  	[sflag:s0] =	ssyncadd.tile.s32 @!p0 $0x1;
	_ =	shalt  }
.Lfunc_end2:
_tile_overlayer_lowered:
.L_overlay_start_2:
0xc3: {  	(tag) =	ssettag $0x2  }
0xc4: {  	s0 =	rddreg [dreg:$0x0];
	s2 =	stileid.u32  }
0xc5: {  	s1 =	rddreg [dreg:$0x1];
	p0 =	sne.s32 s2, $0x0  }
0xc6: {  	s3 =	rddreg [dreg:$0x2];
	[bflag:$0x3] =	sbarrier.arrive $0xFFFF;
	s2 =	simm.s32 @!p0 $0x1C0B  }
0xc7: {  	[timem:s3], [sflag:s2] =	dma.local @!p0 [hbm:s0], s1  }
0xc8: {  	s0 =	simm.s32 @!p0 $0xB  }
0xc9: {  	_ =	swait.ge @!p0 [sflag:s0], s1  }
0xca: {  	s1 =	ssub.s32 @!p0 $0x0, s1;
	[sflag:s0] =	ssyncset.done @!p0 $0x0  }
0xcb: {  	[sflag:s0] =	ssyncadd.s32 @!p0 s1  }
0xcc: {  	[bflag:$0x3] =	sbarrier.arrive $0xFFFF  }
0xcd: {  	_ =	shalt  }

</sc_bundles>
